<compile_context>
chip_gen: v7x
topology: tpu7x:2x2x1
jax: 0.10.2.dev20260603
libtpu: 0.0.44.dev20260713+nightly
codegen_flags: <defaults>
</compile_context>

<pallas_src>
import functools

import jax
import jax.numpy as jnp
from jax import lax
from jax.experimental import pallas as pl
from jax.experimental.pallas import tpu as pltpu
from jax.experimental.pallas import tpu_sc as plsc

_X = 2048
_NN = 8192
_Z = 512
_D = _X + _NN + _Z
_ZS = _X + _NN
_RT = 128
_NT = _D // _RT
_XT = _X // _RT
_NEG = -3.0e38



_RTA = 256
_NTA = _D // _RTA
_XTA = _X // _RTA


def _a_body(nrn_ref, inpt_ref, ages_ref, copy_ref, resp_ref, cx_ref):
    i = pl.program_id(0)
    tile = nrn_ref[...]
    ib = inpt_ref[...]
    tb = tile.astype(jnp.bfloat16).astype(jnp.float32)
    ibf = ib.astype(jnp.bfloat16).astype(jnp.float32)
    resp_ref[...] = jnp.sum(tb * ibf, axis=1).reshape(1, _RTA)

    @pl.when(i == 0)
    def _init():
        cx_ref[...] = jnp.zeros((1, _D), jnp.float32)

    @pl.when(i <= _XTA - 1)
    def _accum():
        g = i * _RTA + lax.broadcasted_iota(jnp.int32, (_RTA, 1), 0)
        a = ages_ref[...].reshape(_RTA, 1)
        decay = jnp.where(g <= _X - 2, (a - 1.0) / a, 0.0)
        cx_ref[...] += jnp.sum(tile * decay, axis=0).reshape(1, _D)

    @pl.when(i >= _XTA)
    def _copy():
        copy_ref[...] = tile


def _run_a(neurons, inpt2d, ages2d):
    return pl.pallas_call(
        _a_body,
        grid=(_NTA,),
        compiler_params=pltpu.CompilerParams(
            vmem_limit_bytes=100 * 1024 * 1024),
        in_specs=[
            pl.BlockSpec((_RTA, _D), lambda i: (i, 0)),
            pl.BlockSpec((1, _D), lambda i: (0, 0)),
            pl.BlockSpec((1, _RTA), lambda i: (0, i)),
        ],
        out_specs=[
            pl.BlockSpec((_RTA, _D), lambda i: (jnp.maximum(i, _XTA), 0)),
            pl.BlockSpec((1, _RTA), lambda i: (0, i)),
            pl.BlockSpec((1, _D), lambda i: (0, 0)),
        ],
        out_shape=[
            jax.ShapeDtypeStruct((_D, _D), jnp.float32),
            jax.ShapeDtypeStruct((1, _D), jnp.float32),
            jax.ShapeDtypeStruct((1, _D), jnp.float32),
        ],
    )(neurons, inpt2d, ages2d)



def _topk9(seg):
    r_io = lax.broadcasted_iota(jnp.int32, seg.shape, 0)
    c_io = lax.broadcasted_iota(jnp.int32, seg.shape, 1)
    fio = r_io * 128 + c_io
    vals, idxs = [], []
    cur = seg
    for _ in range(9):
        m = jnp.max(cur)
        idx = jnp.min(jnp.where(cur == m, fio, jnp.int32(1 << 30)))
        vals.append(m)
        idxs.append(idx)
        cur = jnp.where(fio == idx, _NEG, cur)
    return vals, idxs, fio


def _b_body(resp_ref, ages_ref, cx_ref, inpt_ref, zidx_ref, yidx_ref,
            sz_ref, sy_ref, dz_ref, dy_ref, scal_ref, zresp_ref,
            agesout_ref):
    resp = resp_ref[...]
    ages = ages_ref[...]
    xseg = resp[0:16, :]
    yseg = resp[16:80, :]
    zseg = resp[80:84, :]
    xmax = jnp.max(xseg)

    zv, zi, zfio = _topk9(zseg)
    yv, yi, yfio = _topk9(yseg)

    lane16 = lax.broadcasted_iota(jnp.int32, (1, 16), 1)
    zidx = jnp.zeros((1, 16), jnp.int32)
    yidx = jnp.zeros((1, 16), jnp.int32)
    sz = jnp.zeros((1, 16), jnp.float32)
    sy = jnp.zeros((1, 16), jnp.float32)
    dz = jnp.zeros((1, 16), jnp.float32)
    dy = jnp.zeros((1, 16), jnp.float32)
    zages = ages[80:84, :]
    yages = ages[16:80, :]
    for j in range(9):
        zidx = jnp.where(lane16 == j, _ZS + zi[j], zidx)
        yidx = jnp.where(lane16 == j, _X + yi[j], yidx)
    for j in range(8):
        az = jnp.sum(jnp.where(zfio == zi[j], zages, 0.0))
        ay = jnp.sum(jnp.where(yfio == yi[j], yages, 0.0))
        sz = jnp.where(lane16 == j, zv[j] / az, sz)
        sy = jnp.where(lane16 == j, yv[j] / ay, sy)
        dz = jnp.where(lane16 == j, (az - 1.0) / az, dz)
        dy = jnp.where(lane16 == j, (ay - 1.0) / ay, dy)
    zidx_ref[...] = zidx
    yidx_ref[...] = yidx
    sz_ref[...] = sz
    sy_ref[...] = sy
    dz_ref[...] = dz
    dy_ref[...] = dy

    cx = cx_ref[...]
    ib = inpt_ref[...]
    cc = jnp.sum(cx * cx)
    ci = jnp.sum(cx * ib)
    ii = jnp.sum(ib * ib)
    lane128 = lax.broadcasted_iota(jnp.int32, (1, 128), 1)
    scal = jnp.where(lane128 == 0, xmax, 0.0)
    scal = jnp.where(lane128 == 1, cc, scal)
    scal = jnp.where(lane128 == 2, ci, scal)
    scal_ref[...] = jnp.where(lane128 == 3, ii, scal)

    zresp = jnp.zeros((4, 128), jnp.float32)
    zspan = zv[0] - zv[8]
    for j in range(8):
        zresp = jnp.where(zfio == zi[j], (zv[j] - zv[8]) / zspan, zresp)
    zresp_ref[...] = zresp

    r_io = lax.broadcasted_iota(jnp.int32, (84, 128), 0)
    c_io = lax.broadcasted_iota(jnp.int32, (84, 128), 1)
    gio = r_io * 128 + c_io
    bump = jnp.where(gio <= _X - 2, 1.0, 0.0)
    for j in range(8):
        bump = bump + jnp.where(gio == _ZS + zi[j], 1.0, 0.0)
        bump = bump + jnp.where(gio == _X + yi[j], 1.0, 0.0)
    agesout_ref[...] = ages + bump


def _run_b(resp84, ages84, cx, inpt2d):
    specs_small = [
        jax.ShapeDtypeStruct((1, 16), jnp.int32),
        jax.ShapeDtypeStruct((1, 16), jnp.int32),
        jax.ShapeDtypeStruct((1, 16), jnp.float32),
        jax.ShapeDtypeStruct((1, 16), jnp.float32),
        jax.ShapeDtypeStruct((1, 16), jnp.float32),
        jax.ShapeDtypeStruct((1, 16), jnp.float32),
        jax.ShapeDtypeStruct((1, 128), jnp.float32),
        jax.ShapeDtypeStruct((4, 128), jnp.float32),
        jax.ShapeDtypeStruct((84, 128), jnp.float32),
    ]
    return pl.pallas_call(
        _b_body,
        out_shape=specs_small,
    )(resp84, ages84, cx, inpt2d)



_CHUNKS = _D // 16


def _sc_extract(vec, j):
    lane = lax.iota(jnp.int32, 16)
    return jnp.sum(jnp.where(lane == j, vec, 0.0), axis=0)


def _d_body(nrn_hbm, zidx_hbm, yidx_hbm, sz_hbm, sy_hbm, dz_hbm, dy_hbm,
            inpt_hbm, out_hbm, idx_v, rows_v, cacc_v, inpt_v, s_v, d_v, sem):
    cid = lax.axis_index("c")
    sid = lax.axis_index("s")

    def work(idx_hbm, s_hbm, d_hbm, out_base):
        pltpu.sync_copy(idx_hbm.at[pl.ds(0, 8)], idx_v)
        pltpu.sync_copy(s_hbm, s_v)
        pltpu.sync_copy(d_hbm, d_v)
        pltpu.sync_copy(inpt_hbm, inpt_v)
        pltpu.make_async_copy(nrn_hbm.at[idx_v], rows_v, sem).start()
        pltpu.make_async_copy(nrn_hbm.at[idx_v], rows_v, sem).wait()
        sv = s_v[...]
        dv = d_v[...]
        zero = jnp.zeros((16,), jnp.float32)
        djs = [_sc_extract(dv, j) for j in range(8)]

        def body1(c, carry):
            cc, ci, ii = carry
            off = c * 16
            r = [djs[j] * rows_v[j, pl.ds(off, 16)] for j in range(8)]
            ch = ((r[0] + r[1]) + (r[2] + r[3])) + ((r[4] + r[5]) + (r[6] + r[7]))
            ic = inpt_v[pl.ds(off, 16)]
            cacc_v[pl.ds(off, 16)] = ch
            return (cc + ch * ch, ci + ch * ic, ii + ic * ic)

        cc, ci, ii = lax.fori_loop(0, _CHUNKS, body1, (zero, zero, zero),
                                   unroll=4)
        ccs = jnp.sum(cc, axis=0)
        cis = jnp.sum(ci, axis=0)
        iis = jnp.sum(ii, axis=0)
        n2 = ccs + 2.0 * cis * sv + iis * sv * sv
        bits = plsc.bitcast(n2, jnp.int32)
        y = plsc.bitcast(jnp.int32(0x5F3759DF) - (bits >> 1), jnp.float32)
        for _ in range(4):
            y = y * (1.5 - 0.5 * n2 * y * y)
        inv = 1.0 / (n2 * y + 1e-12)

        sjs = [_sc_extract(sv, j) for j in range(8)]
        invjs = [_sc_extract(inv, j) for j in range(8)]

        def body2(c, _):
            off = c * 16
            ch = cacc_v[pl.ds(off, 16)]
            ic = inpt_v[pl.ds(off, 16)]
            for j in range(8):
                rows_v[j, pl.ds(off, 16)] = (ch + sjs[j] * ic) * invjs[j]
            return 0

        lax.fori_loop(0, _CHUNKS, body2, 0, unroll=4)
        pltpu.sync_copy(rows_v, out_hbm.at[pl.ds(out_base, 8)])

    @pl.when(jnp.logical_and(cid == 0, sid == 0))
    def _z():
        work(zidx_hbm, sz_hbm, dz_hbm, 0)

    @pl.when(jnp.logical_and(cid == 1, sid == 0))
    def _y():
        work(yidx_hbm, sy_hbm, dy_hbm, 8)


@functools.partial(jax.jit, static_argnums=())
def _run_d(neurons, zidx, yidx, sz, sy, dz, dy, inpt1d):
    mesh = plsc.VectorSubcoreMesh(core_axis_name="c", subcore_axis_name="s")
    f = pl.kernel(
        _d_body,
        out_type=jax.ShapeDtypeStruct((16, _D), jnp.float32),
        mesh=mesh,
        compiler_params=pltpu.CompilerParams(needs_layout_passes=False),
        scratch_types=[
            pltpu.VMEM((8,), jnp.int32),
            pltpu.VMEM((8, _D), jnp.float32),
            pltpu.VMEM((_D,), jnp.float32),
            pltpu.VMEM((_D,), jnp.float32),
            pltpu.VMEM((16,), jnp.float32),
            pltpu.VMEM((16,), jnp.float32),
            pltpu.SemaphoreType.DMA,
        ],
    )
    return f(neurons, zidx, yidx, sz, sy, dz, dy, inpt1d)



def _c_body(alias_ref, resp_ref, ages_ref, cx_ref, inpt_ref, scal_ref,
            orig_ref, out_ref, s0, s1, semA, semB):
    i = pl.program_id(0)
    xmax = scal_ref[0, 0]
    cc = scal_ref[0, 1]
    ci = scal_ref[0, 2]
    ii = scal_ref[0, 3]
    a = ages_ref[...].reshape(_RT, 1)
    s = resp_ref[...].reshape(_RT, 1) / (xmax * a)
    n = jnp.sqrt(cc + 2.0 * ci * s + ii * s * s)
    inv = 1.0 / (n + 1e-12)
    new = (cx_ref[...] + s * inpt_ref[...]) * inv
    g = i * _RT + lax.broadcasted_iota(jnp.int32, (_RT, 1), 0)
    new = jnp.where(g <= _X - 2, new, orig_ref[7:8, :])

    def step(buf, sem):
        @pl.when(i >= 2)
        def _w():
            pltpu.make_async_copy(
                buf, out_ref.at[pl.ds((i - 2) * _RT, _RT)], sem).wait()
        buf[...] = new
        pltpu.make_async_copy(
            buf, out_ref.at[pl.ds(i * _RT, _RT)], sem).start()

    @pl.when(lax.rem(i, 2) == 0)
    def _even():
        step(s0, semA)

    @pl.when(lax.rem(i, 2) == 1)
    def _odd():
        step(s1, semB)

    @pl.when(i == _XT - 1)
    def _drain():
        pltpu.make_async_copy(
            s0, out_ref.at[pl.ds((_XT - 2) * _RT, _RT)], semA).wait()
        pltpu.make_async_copy(
            s1, out_ref.at[pl.ds((_XT - 1) * _RT, _RT)], semB).wait()


def _run_c(copy_buf, resp2d, ages2d, cx, inpt2d, scal, neurons):
    return pl.pallas_call(
        _c_body,
        grid=(_XT,),
        in_specs=[
            pl.BlockSpec(memory_space=pltpu.MemorySpace.HBM),
            pl.BlockSpec((1, _RT), lambda i: (0, i)),
            pl.BlockSpec((1, _RT), lambda i: (0, i)),
            pl.BlockSpec((1, _D), lambda i: (0, 0)),
            pl.BlockSpec((1, _D), lambda i: (0, 0)),
            pl.BlockSpec((1, 128), lambda i: (0, 0)),
            pl.BlockSpec((8, _D), lambda i: (255, 0)),
        ],
        out_specs=pl.BlockSpec(memory_space=pltpu.MemorySpace.HBM),
        out_shape=jax.ShapeDtypeStruct((_D, _D), jnp.float32),
        input_output_aliases={0: 0},
        scratch_shapes=[
            pltpu.VMEM((_RT, _D), jnp.float32),
            pltpu.VMEM((_RT, _D), jnp.float32),
            pltpu.SemaphoreType.DMA,
            pltpu.SemaphoreType.DMA,
        ],
    )(copy_buf, resp2d, ages2d, cx, inpt2d, scal, neurons)



def _e_body(alias_ref, newrows_ref, zidx_ref, yidx_ref, out_ref, sem):
    for j in range(8):
        pltpu.make_async_copy(
            newrows_ref.at[j], out_ref.at[zidx_ref[0, j]], sem).start()
        pltpu.make_async_copy(
            newrows_ref.at[j + 8], out_ref.at[yidx_ref[0, j]], sem).start()
    for j in range(8):
        pltpu.make_async_copy(
            newrows_ref.at[j], out_ref.at[zidx_ref[0, j]], sem).wait()
        pltpu.make_async_copy(
            newrows_ref.at[j + 8], out_ref.at[yidx_ref[0, j]], sem).wait()


def _run_e(buf, newrows, zidx, yidx):
    return pl.pallas_call(
        _e_body,
        in_specs=[
            pl.BlockSpec(memory_space=pltpu.MemorySpace.HBM),
            pl.BlockSpec((16, _D), lambda: (0, 0)),
            pl.BlockSpec(memory_space=pltpu.MemorySpace.SMEM),
            pl.BlockSpec(memory_space=pltpu.MemorySpace.SMEM),
        ],
        out_specs=pl.BlockSpec(memory_space=pltpu.MemorySpace.HBM),
        out_shape=jax.ShapeDtypeStruct((_D, _D), jnp.float32),
        input_output_aliases={0: 0},
        scratch_shapes=[pltpu.SemaphoreType.DMA],
    )(buf, newrows, zidx, yidx)



def kernel(x, z, y_response, neurons, ages):
    inpt2d = jnp.concatenate([x, y_response, z]).reshape(1, _D)
    ages2d = ages.reshape(1, _D)
    copy_buf, resp2d, cx = _run_a(neurons, inpt2d, ages2d)
    resp84 = resp2d.reshape(84, 128)
    ages84 = ages2d.reshape(84, 128)
    (zidx, yidx, sz, sy, dz, dy, scal, zresp, agesout) = _run_b(
        resp84, ages84, cx, inpt2d)
    newrows = _run_d(
        neurons, zidx.reshape(16), yidx.reshape(16), sz.reshape(16),
        sy.reshape(16), dz.reshape(16), dy.reshape(16), inpt2d.reshape(_D))
    xdone = _run_c(copy_buf, resp2d, ages2d, cx, inpt2d, scal, neurons)
    neurons_out = _run_e(xdone, newrows, zidx, yidx)
    return zresp.reshape(_Z), neurons_out, agesout.reshape(_D)

# --- scband reference (transcript-rebuilt; emitter-appended) ---
"""Pipeline reference for scband-dn1-90864328114189 (READ-ONLY COPY).

The authoritative reference and input builder live on the scoring server;
editing this copy changes nothing except your own understanding.
"""

import jax, jax.numpy as jnp
import numpy as np

X_SIZE = 2048
NUM_NEURONS = 8192
Z_SIZE = 512
D = X_SIZE + NUM_NEURONS + Z_SIZE
TOPK = 8
ZTOPK = 8


def setup_inputs(seed: int = 0):
    key = jax.random.key(seed)
    k1, k2, k3, k4 = jax.random.split(key, 4)
    x = jax.random.normal(k1, (X_SIZE,), dtype=jnp.float32)
    z = jax.random.normal(k2, (Z_SIZE,), dtype=jnp.float32)
    # state snapshot of a fully-initialized network (num_neurons_init == max_num_neurons)
    y_response = jax.random.uniform(k3, (NUM_NEURONS,), dtype=jnp.float32)
    neurons = jax.random.normal(k4, (D, D), dtype=jnp.float32) * 0.01
    ages = jnp.full((D,), 5.0, dtype=jnp.float32)
    return {"x": x, "z": z, "y_response": y_response, "neurons": neurons, "ages": ages}


def _update_neuron_weights(neurons, ages, inpt, idxs, values):
    # faithful to torch: values[:-1], indxs[:-1]; note the (1,k) @ (k,D) matmul quirk
    rows = idxs[:-1]
    vals = values[:-1]
    a = ages[rows]
    update = (1.0 / a)[:, None] * inpt[None, :] * vals[:, None]
    old = neurons[rows]
    decay = (a - 1.0) / a
    combined = decay[None, :] @ old  # (1, D), exactly as torch's reshape((1,-1)) @ rows
    new_rows = combined + update  # broadcasts to (k, D)
    new_rows = new_rows / (jnp.linalg.norm(new_rows, axis=1, keepdims=True) + 1e-12)
    neurons = neurons.at[rows].set(new_rows)
    ages = ages.at[rows].add(1.0)
    return neurons, ages


def reference(x, z, y_response, neurons, ages):
    zs = X_SIZE + NUM_NEURONS
    inpt = jnp.concatenate([x, y_response, z])
    response = neurons @ inpt
    final_rsp = jnp.zeros((D,), dtype=jnp.float32)
    # z block (num_neurons_init > topk -> use ztopk)
    zv, zi = jax.lax.top_k(response[zs:zs + Z_SIZE], ZTOPK + 1)
    zi = zs + zi
    final_rsp = final_rsp.at[zi[:-1]].set((zv[:-1] - zv[-1]) / (zv[0] - zv[-1]))
    neurons, ages = _update_neuron_weights(neurons, ages, inpt, zi, zv)
    # x block (xtopk is None, no supervision; t == 0 for generic inputs so eps term vanishes)
    xr = response[0:X_SIZE]
    xvals = xr / jnp.max(xr)
    final_rsp = final_rsp.at[0:X_SIZE].set(xvals)
    xi = jnp.arange(X_SIZE)
    neurons, ages = _update_neuron_weights(neurons, ages, inpt, xi, xvals)
    # y block (num_neurons_init == max_num_neurons -> else branch)
    yv, yi = jax.lax.top_k(response[X_SIZE:X_SIZE + NUM_NEURONS], TOPK + 1)
    yi = X_SIZE + yi
    final_rsp = final_rsp.at[yi[:-1]].set((yv[:-1] - yv[-1]) / (yv[0] - yv[-1]))
    neurons, ages = _update_neuron_weights(neurons, ages, inpt, yi, yv)
    z_response = final_rsp[zs:zs + Z_SIZE]
    return z_response, neurons, ages

if __name__ == "__main__":
    import jax
    _d = setup_inputs()
    print(jax.jit(kernel)(*tuple(_d.values())))

</pallas_src>

<mosaic_0001>
#map = affine_map<(d0, d1) -> (0, 0)>
#map1 = affine_map<(d0, d1) -> (0)>
module attributes {stable_mosaic.version = 14 : i64} {
  func.func @_d_body(%arg0: i32, %arg1: i32, %arg2: memref<10752x10752xf32, #tpu.memory_space<hbm>>, %arg3: memref<16xi32, #tpu.memory_space<hbm>>, %arg4: memref<16xi32, #tpu.memory_space<hbm>>, %arg5: memref<16xf32, #tpu.memory_space<hbm>>, %arg6: memref<16xf32, #tpu.memory_space<hbm>>, %arg7: memref<16xf32, #tpu.memory_space<hbm>>, %arg8: memref<16xf32, #tpu.memory_space<hbm>>, %arg9: memref<10752xf32, #tpu.memory_space<hbm>>, %arg10: memref<16x10752xf32, #tpu.memory_space<hbm>>, %arg11: memref<8xi32, #tpu.memory_space<vmem>>, %arg12: memref<8x10752xf32, #tpu.memory_space<vmem>>, %arg13: memref<10752xf32, #tpu.memory_space<vmem>>, %arg14: memref<10752xf32, #tpu.memory_space<vmem>>, %arg15: memref<16xf32, #tpu.memory_space<vmem>>, %arg16: memref<16xf32, #tpu.memory_space<vmem>>, %arg17: memref<!tpu.dma_semaphore, #tpu.memory_space<semaphore_mem>>) attributes {dimension_semantics = [#tpu.dimension_semantics<core_parallel>, #tpu.dimension_semantics<subcore_parallel>], iteration_bounds = array<i64: 2, 16>, scalar_prefetch = 0 : i64, scratch_operands = 7 : i64, tpu.core_type = #tpu.core_type<sc_vector_subcore>, window_params = [{transform_indices = #map}, {transform_indices = #map1}, {transform_indices = #map1}, {transform_indices = #map1}, {transform_indices = #map1}, {transform_indices = #map1}, {transform_indices = #map1}, {transform_indices = #map1}, {transform_indices = #map}]} {
    %eq3A = arith.constant 0 : i32
    %eq3A_0 = arith.cmpi eq, %arg0, %eq3A : i32
    %eq3A_1 = arith.constant 0 : i32
    %eq3A_2 = arith.cmpi eq, %arg1, %eq3A_1 : i32
    %and3A = arith.andi %eq3A_0, %eq3A_2 : i1
    %convert_element_type3A = arith.extui %and3A : i1 to i32
    %cond3A = arith.constant 0 : i32
    %cond3A_3 = arith.cmpi ne, %convert_element_type3A, %cond3A : i32
    scf.if %cond3A_3 {
      "tpu.region"() ({
        %run_scoped3A = tpu.sem_alloc : memref<!tpu.dma_semaphore, #tpu.memory_space<semaphore_mem>>
        %dma_start3A_359 = arith.constant 0 : i32
        %dma_start3A_360 = tpu.memref_slice %arg3[%dma_start3A_359] : memref<16xi32, #tpu.memory_space<hbm>> -> memref<8xi32, #tpu.memory_space<hbm>>
        %dma_start3A_361 = arith.constant 0 : i32
        %dma_start3A_362 = tpu.memref_slice %arg3[%dma_start3A_361] : memref<16xi32, #tpu.memory_space<hbm>> -> memref<8xi32, #tpu.memory_space<hbm>>
        tpu.enqueue_dma source(%dma_start3A_362 : memref<8xi32, #tpu.memory_space<hbm>>) target(%arg11 : memref<8xi32, #tpu.memory_space<vmem>>) target_semaphore(%run_scoped3A : memref<!tpu.dma_semaphore, #tpu.memory_space<semaphore_mem>>)
        %dma_wait3A_363 = arith.constant 0 : i32
        %dma_wait3A_364 = tpu.memref_slice %arg3[%dma_wait3A_363] : memref<16xi32, #tpu.memory_space<hbm>> -> memref<8xi32, #tpu.memory_space<hbm>>
        %dma_wait3A_365 = arith.constant 0 : i32
        %dma_wait3A_366 = tpu.memref_slice %arg3[%dma_wait3A_365] : memref<16xi32, #tpu.memory_space<hbm>> -> memref<8xi32, #tpu.memory_space<hbm>>
        tpu.wait_dma2 semaphore(%run_scoped3A : memref<!tpu.dma_semaphore, #tpu.memory_space<semaphore_mem>>) src(%dma_wait3A_366 : memref<8xi32, #tpu.memory_space<hbm>>) dst(%arg11 : memref<8xi32, #tpu.memory_space<vmem>>)
        tpu.yield
      }) : () -> ()
      "tpu.region"() ({
        %run_scoped3A = tpu.sem_alloc : memref<!tpu.dma_semaphore, #tpu.memory_space<semaphore_mem>>
        tpu.enqueue_dma source(%arg5 : memref<16xf32, #tpu.memory_space<hbm>>) target(%arg15 : memref<16xf32, #tpu.memory_space<vmem>>) target_semaphore(%run_scoped3A : memref<!tpu.dma_semaphore, #tpu.memory_space<semaphore_mem>>)
        tpu.wait_dma2 semaphore(%run_scoped3A : memref<!tpu.dma_semaphore, #tpu.memory_space<semaphore_mem>>) src(%arg5 : memref<16xf32, #tpu.memory_space<hbm>>) dst(%arg15 : memref<16xf32, #tpu.memory_space<vmem>>)
        tpu.yield
      }) : () -> ()
      "tpu.region"() ({
        %run_scoped3A = tpu.sem_alloc : memref<!tpu.dma_semaphore, #tpu.memory_space<semaphore_mem>>
        tpu.enqueue_dma source(%arg7 : memref<16xf32, #tpu.memory_space<hbm>>) target(%arg16 : memref<16xf32, #tpu.memory_space<vmem>>) target_semaphore(%run_scoped3A : memref<!tpu.dma_semaphore, #tpu.memory_space<semaphore_mem>>)
        tpu.wait_dma2 semaphore(%run_scoped3A : memref<!tpu.dma_semaphore, #tpu.memory_space<semaphore_mem>>) src(%arg7 : memref<16xf32, #tpu.memory_space<hbm>>) dst(%arg16 : memref<16xf32, #tpu.memory_space<vmem>>)
        tpu.yield
      }) : () -> ()
      "tpu.region"() ({
        %run_scoped3A = tpu.sem_alloc : memref<!tpu.dma_semaphore, #tpu.memory_space<semaphore_mem>>
        tpu.enqueue_dma source(%arg9 : memref<10752xf32, #tpu.memory_space<hbm>>) target(%arg14 : memref<10752xf32, #tpu.memory_space<vmem>>) target_semaphore(%run_scoped3A : memref<!tpu.dma_semaphore, #tpu.memory_space<semaphore_mem>>)
        tpu.wait_dma2 semaphore(%run_scoped3A : memref<!tpu.dma_semaphore, #tpu.memory_space<semaphore_mem>>) src(%arg9 : memref<10752xf32, #tpu.memory_space<hbm>>) dst(%arg14 : memref<10752xf32, #tpu.memory_space<vmem>>)
        tpu.yield
      }) : () -> ()
      %dma_start3A = arith.constant 0 : i32
      %dma_start3A_12 = arith.constant 0 : i32
      %dma_start3A_13 = tpu.memref_slice %arg2[%dma_start3A, %dma_start3A_12] : memref<10752x10752xf32, #tpu.memory_space<hbm>> -> memref<10752x10752xf32, #tpu.memory_space<hbm>>
      tpu.enqueue_indirect_dma source(%dma_start3A_13 : memref<10752x10752xf32, #tpu.memory_space<hbm>>) target(%arg12 : memref<8x10752xf32, #tpu.memory_space<vmem>>) offsets(%arg11 : memref<8xi32, #tpu.memory_space<vmem>>) semaphore(%arg17 : memref<!tpu.dma_semaphore, #tpu.memory_space<semaphore_mem>>)
      %dma_wait3A = arith.constant 0 : i32
      %dma_wait3A_14 = arith.constant 0 : i32
      %dma_wait3A_15 = tpu.memref_slice %arg2[%dma_wait3A, %dma_wait3A_14] : memref<10752x10752xf32, #tpu.memory_space<hbm>> -> memref<10752x10752xf32, #tpu.memory_space<hbm>>
      tpu.wait_indirect_dma semaphore(%arg17 : memref<!tpu.dma_semaphore, #tpu.memory_space<semaphore_mem>>) src(%dma_wait3A_15 : memref<10752x10752xf32, #tpu.memory_space<hbm>>) dst(%arg12 : memref<8x10752xf32, #tpu.memory_space<vmem>>)
      %get3A = arith.constant 0 : index
      %get3A_16 = tpu.vector_load %arg15[%get3A] {strides = array<i32>} : memref<16xf32, #tpu.memory_space<vmem>>, vector<16xf32>,
      %get3A_17 = arith.constant 0 : index
      %get3A_18 = tpu.vector_load %arg16[%get3A_17] {strides = array<i32>} : memref<16xf32, #tpu.memory_space<vmem>>, vector<16xf32>,
      %broadcast_in_dim3A = arith.constant 0.000000e+00 : f32
      %broadcast_in_dim3A_19 = vector.broadcast %broadcast_in_dim3A : f32 to vector<16xf32>
      %iota3A = tpu.iota {dimensions = array<i32: 0>} : vector<16xi32>
      %eq3A_20 = arith.constant 0 : i32
      %eq3A_21 = vector.broadcast %eq3A_20 : i32 to vector<16xi32>
      %eq3A_22 = arith.cmpi eq, %iota3A, %eq3A_21 : vector<16xi32>
      %jit3A = arith.constant 0.000000e+00 : f32
      %broadcast_in_dim3A_23 = vector.broadcast %jit3A : f32 to vector<16xf32>
      %select_n3A = arith.select %eq3A_22, %get3A_18, %broadcast_in_dim3A_23 : vector<16xi1>, vector<16xf32>
      %reduce_sum3A = arith.constant true
      %reduce_sum3A_24 = vector.broadcast %reduce_sum3A : i1 to vector<16xi1>
      %reduce_sum3A_25 = tpu.scan <sum>, %select_n3A masked %reduce_sum3A_24 : vector<16xf32>, vector<16xi1> -> vector<16xf32>
      %reduce_sum3A_26 = vector.extract %reduce_sum3A_25[15] : f32 from vector<16xf32>
      %iota3A_27 = tpu.iota {dimensions = array<i32: 0>} : vector<16xi32>
      %eq3A_28 = arith.constant 1 : i32
      %eq3A_29 = vector.broadcast %eq3A_28 : i32 to vector<16xi32>
      %eq3A_30 = arith.cmpi eq, %iota3A_27, %eq3A_29 : vector<16xi32>
      %jit3A_31 = arith.constant 0.000000e+00 : f32
      %broadcast_in_dim3A_32 = vector.broadcast %jit3A_31 : f32 to vector<16xf32>
      %select_n3A_33 = arith.select %eq3A_30, %get3A_18, %broadcast_in_dim3A_32 : vector<16xi1>, vector<16xf32>
      %reduce_sum3A_34 = arith.constant true
      %reduce_sum3A_35 = vector.broadcast %reduce_sum3A_34 : i1 to vector<16xi1>
      %reduce_sum3A_36 = tpu.scan <sum>, %select_n3A_33 masked %reduce_sum3A_35 : vector<16xf32>, vector<16xi1> -> vector<16xf32>
      %reduce_sum3A_37 = vector.extract %reduce_sum3A_36[15] : f32 from vector<16xf32>
      %iota3A_38 = tpu.iota {dimensions = array<i32: 0>} : vector<16xi32>
      %eq3A_39 = arith.constant 2 : i32
      %eq3A_40 = vector.broadcast %eq3A_39 : i32 to vector<16xi32>
      %eq3A_41 = arith.cmpi eq, %iota3A_38, %eq3A_40 : vector<16xi32>
      %jit3A_42 = arith.constant 0.000000e+00 : f32
      %broadcast_in_dim3A_43 = vector.broadcast %jit3A_42 : f32 to vector<16xf32>
      %select_n3A_44 = arith.select %eq3A_41, %get3A_18, %broadcast_in_dim3A_43 : vector<16xi1>, vector<16xf32>
      %reduce_sum3A_45 = arith.constant true
      %reduce_sum3A_46 = vector.broadcast %reduce_sum3A_45 : i1 to vector<16xi1>
      %reduce_sum3A_47 = tpu.scan <sum>, %select_n3A_44 masked %reduce_sum3A_46 : vector<16xf32>, vector<16xi1> -> vector<16xf32>
      %reduce_sum3A_48 = vector.extract %reduce_sum3A_47[15] : f32 from vector<16xf32>
      %iota3A_49 = tpu.iota {dimensions = array<i32: 0>} : vector<16xi32>
      %eq3A_50 = arith.constant 3 : i32
      %eq3A_51 = vector.broadcast %eq3A_50 : i32 to vector<16xi32>
      %eq3A_52 = arith.cmpi eq, %iota3A_49, %eq3A_51 : vector<16xi32>
      %jit3A_53 = arith.constant 0.000000e+00 : f32
      %broadcast_in_dim3A_54 = vector.broadcast %jit3A_53 : f32 to vector<16xf32>
      %select_n3A_55 = arith.select %eq3A_52, %get3A_18, %broadcast_in_dim3A_54 : vector<16xi1>, vector<16xf32>
      %reduce_sum3A_56 = arith.constant true
      %reduce_sum3A_57 = vector.broadcast %reduce_sum3A_56 : i1 to vector<16xi1>
      %reduce_sum3A_58 = tpu.scan <sum>, %select_n3A_55 masked %reduce_sum3A_57 : vector<16xf32>, vector<16xi1> -> vector<16xf32>
      %reduce_sum3A_59 = vector.extract %reduce_sum3A_58[15] : f32 from vector<16xf32>
      %iota3A_60 = tpu.iota {dimensions = array<i32: 0>} : vector<16xi32>
      %eq3A_61 = arith.constant 4 : i32
      %eq3A_62 = vector.broadcast %eq3A_61 : i32 to vector<16xi32>
      %eq3A_63 = arith.cmpi eq, %iota3A_60, %eq3A_62 : vector<16xi32>
      %jit3A_64 = arith.constant 0.000000e+00 : f32
      %broadcast_in_dim3A_65 = vector.broadcast %jit3A_64 : f32 to vector<16xf32>
      %select_n3A_66 = arith.select %eq3A_63, %get3A_18, %broadcast_in_dim3A_65 : vector<16xi1>, vector<16xf32>
      %reduce_sum3A_67 = arith.constant true
      %reduce_sum3A_68 = vector.broadcast %reduce_sum3A_67 : i1 to vector<16xi1>
      %reduce_sum3A_69 = tpu.scan <sum>, %select_n3A_66 masked %reduce_sum3A_68 : vector<16xf32>, vector<16xi1> -> vector<16xf32>
      %reduce_sum3A_70 = vector.extract %reduce_sum3A_69[15] : f32 from vector<16xf32>
      %iota3A_71 = tpu.iota {dimensions = array<i32: 0>} : vector<16xi32>
      %eq3A_72 = arith.constant 5 : i32
      %eq3A_73 = vector.broadcast %eq3A_72 : i32 to vector<16xi32>
      %eq3A_74 = arith.cmpi eq, %iota3A_71, %eq3A_73 : vector<16xi32>
      %jit3A_75 = arith.constant 0.000000e+00 : f32
      %broadcast_in_dim3A_76 = vector.broadcast %jit3A_75 : f32 to vector<16xf32>
      %select_n3A_77 = arith.select %eq3A_74, %get3A_18, %broadcast_in_dim3A_76 : vector<16xi1>, vector<16xf32>
      %reduce_sum3A_78 = arith.constant true
      %reduce_sum3A_79 = vector.broadcast %reduce_sum3A_78 : i1 to vector<16xi1>
      %reduce_sum3A_80 = tpu.scan <sum>, %select_n3A_77 masked %reduce_sum3A_79 : vector<16xf32>, vector<16xi1> -> vector<16xf32>
      %reduce_sum3A_81 = vector.extract %reduce_sum3A_80[15] : f32 from vector<16xf32>
      %iota3A_82 = tpu.iota {dimensions = array<i32: 0>} : vector<16xi32>
      %eq3A_83 = arith.constant 6 : i32
      %eq3A_84 = vector.broadcast %eq3A_83 : i32 to vector<16xi32>
      %eq3A_85 = arith.cmpi eq, %iota3A_82, %eq3A_84 : vector<16xi32>
      %jit3A_86 = arith.constant 0.000000e+00 : f32
      %broadcast_in_dim3A_87 = vector.broadcast %jit3A_86 : f32 to vector<16xf32>
      %select_n3A_88 = arith.select %eq3A_85, %get3A_18, %broadcast_in_dim3A_87 : vector<16xi1>, vector<16xf32>
      %reduce_sum3A_89 = arith.constant true
      %reduce_sum3A_90 = vector.broadcast %reduce_sum3A_89 : i1 to vector<16xi1>
      %reduce_sum3A_91 = tpu.scan <sum>, %select_n3A_88 masked %reduce_sum3A_90 : vector<16xf32>, vector<16xi1> -> vector<16xf32>
      %reduce_sum3A_92 = vector.extract %reduce_sum3A_91[15] : f32 from vector<16xf32>
      %iota3A_93 = tpu.iota {dimensions = array<i32: 0>} : vector<16xi32>
      %eq3A_94 = arith.constant 7 : i32
      %eq3A_95 = vector.broadcast %eq3A_94 : i32 to vector<16xi32>
      %eq3A_96 = arith.cmpi eq, %iota3A_93, %eq3A_95 : vector<16xi32>
      %jit3A_97 = arith.constant 0.000000e+00 : f32
      %broadcast_in_dim3A_98 = vector.broadcast %jit3A_97 : f32 to vector<16xf32>
      %select_n3A_99 = arith.select %eq3A_96, %get3A_18, %broadcast_in_dim3A_98 : vector<16xi1>, vector<16xf32>
      %reduce_sum3A_100 = arith.constant true
      %reduce_sum3A_101 = vector.broadcast %reduce_sum3A_100 : i1 to vector<16xi1>
      %reduce_sum3A_102 = tpu.scan <sum>, %select_n3A_99 masked %reduce_sum3A_101 : vector<16xf32>, vector<16xi1> -> vector<16xf32>
      %reduce_sum3A_103 = vector.extract %reduce_sum3A_102[15] : f32 from vector<16xf32>
      %scan3A = arith.constant 0 : i32
      %scan3A_104 = arith.constant 672 : i32
      %scan3A_105 = arith.addi %scan3A, %scan3A_104 : i32
      %scan3A_106 = arith.constant 4 : i32
      %scan3A_107:3 = scf.for %scan3A_359 = %scan3A to %scan3A_105 step %scan3A_106 iter_args(%scan3A_360 = %broadcast_in_dim3A_19, %scan3A_361 = %broadcast_in_dim3A_19, %scan3A_362 = %broadcast_in_dim3A_19) -> (vector<16xf32>, vector<16xf32>, vector<16xf32>)  : i32 {
        %mul3A_363 = arith.constant 16 : i32
        %mul3A_364 = arith.muli %scan3A_359, %mul3A_363 : i32
        %get3A_365 = arith.constant 0 : i32
        %get3A_366 = arith.index_cast %get3A_365 : i32 to index
        %get3A_367 = arith.index_cast %mul3A_364 : i32 to index
        %get3A_368 = tpu.vector_load %arg12[%get3A_366, %get3A_367] {strides = array<i32>} : memref<8x10752xf32, #tpu.memory_space<vmem>>, vector<16xf32>,
        %mul3A_369 = vector.broadcast %reduce_sum3A_26 : f32 to vector<16xf32>
        %mul3A_370 = arith.mulf %mul3A_369, %get3A_368 : vector<16xf32>
        %get3A_371 = arith.constant 1 : i32
        %get3A_372 = arith.index_cast %get3A_371 : i32 to index
        %get3A_373 = arith.index_cast %mul3A_364 : i32 to index
        %get3A_374 = tpu.vector_load %arg12[%get3A_372, %get3A_373] {strides = array<i32>} : memref<8x10752xf32, #tpu.memory_space<vmem>>, vector<16xf32>,
        %mul3A_375 = vector.broadcast %reduce_sum3A_37 : f32 to vector<16xf32>
        %mul3A_376 = arith.mulf %mul3A_375, %get3A_374 : vector<16xf32>
        %get3A_377 = arith.constant 2 : i32
        %get3A_378 = arith.index_cast %get3A_377 : i32 to index
        %get3A_379 = arith.index_cast %mul3A_364 : i32 to index
        %get3A_380 = tpu.vector_load %arg12[%get3A_378, %get3A_379] {strides = array<i32>} : memref<8x10752xf32, #tpu.memory_space<vmem>>, vector<16xf32>,
        %mul3A_381 = vector.broadcast %reduce_sum3A_48 : f32 to vector<16xf32>
        %mul3A_382 = arith.mulf %mul3A_381, %get3A_380 : vector<16xf32>
        %get3A_383 = arith.constant 3 : i32
        %get3A_384 = arith.index_cast %get3A_383 : i32 to index
        %get3A_385 = arith.index_cast %mul3A_364 : i32 to index
        %get3A_386 = tpu.vector_load %arg12[%get3A_384, %get3A_385] {strides = array<i32>} : memref<8x10752xf32, #tpu.memory_space<vmem>>, vector<16xf32>,
        %mul3A_387 = vector.broadcast %reduce_sum3A_59 : f32 to vector<16xf32>
        %mul3A_388 = arith.mulf %mul3A_387, %get3A_386 : vector<16xf32>
        %get3A_389 = arith.constant 4 : i32
        %get3A_390 = arith.index_cast %get3A_389 : i32 to index
        %get3A_391 = arith.index_cast %mul3A_364 : i32 to index
        %get3A_392 = tpu.vector_load %arg12[%get3A_390, %get3A_391] {strides = array<i32>} : memref<8x10752xf32, #tpu.memory_space<vmem>>, vector<16xf32>,
        %mul3A_393 = vector.broadcast %reduce_sum3A_70 : f32 to vector<16xf32>
        %mul3A_394 = arith.mulf %mul3A_393, %get3A_392 : vector<16xf32>
        %get3A_395 = arith.constant 5 : i32
        %get3A_396 = arith.index_cast %get3A_395 : i32 to index
        %get3A_397 = arith.index_cast %mul3A_364 : i32 to index
        %get3A_398 = tpu.vector_load %arg12[%get3A_396, %get3A_397] {strides = array<i32>} : memref<8x10752xf32, #tpu.memory_space<vmem>>, vector<16xf32>,
        %mul3A_399 = vector.broadcast %reduce_sum3A_81 : f32 to vector<16xf32>
        %mul3A_400 = arith.mulf %mul3A_399, %get3A_398 : vector<16xf32>
        %get3A_401 = arith.constant 6 : i32
        %get3A_402 = arith.index_cast %get3A_401 : i32 to index
        %get3A_403 = arith.index_cast %mul3A_364 : i32 to index
        %get3A_404 = tpu.vector_load %arg12[%get3A_402, %get3A_403] {strides = array<i32>} : memref<8x10752xf32, #tpu.memory_space<vmem>>, vector<16xf32>,
        %mul3A_405 = vector.broadcast %reduce_sum3A_92 : f32 to vector<16xf32>
        %mul3A_406 = arith.mulf %mul3A_405, %get3A_404 : vector<16xf32>
        %get3A_407 = arith.constant 7 : i32
        %get3A_408 = arith.index_cast %get3A_407 : i32 to index
        %get3A_409 = arith.index_cast %mul3A_364 : i32 to index
        %get3A_410 = tpu.vector_load %arg12[%get3A_408, %get3A_409] {strides = array<i32>} : memref<8x10752xf32, #tpu.memory_space<vmem>>, vector<16xf32>,
        %mul3A_411 = vector.broadcast %reduce_sum3A_103 : f32 to vector<16xf32>
        %mul3A_412 = arith.mulf %mul3A_411, %get3A_410 : vector<16xf32>
        %add3A_413 = arith.addf %mul3A_370, %mul3A_376 : vector<16xf32>
        %add3A_414 = arith.addf %mul3A_382, %mul3A_388 : vector<16xf32>
        %add3A_415 = arith.addf %add3A_413, %add3A_414 : vector<16xf32>
        %add3A_416 = arith.addf %mul3A_394, %mul3A_400 : vector<16xf32>
        %add3A_417 = arith.addf %mul3A_406, %mul3A_412 : vector<16xf32>
        %add3A_418 = arith.addf %add3A_416, %add3A_417 : vector<16xf32>
        %add3A_419 = arith.addf %add3A_415, %add3A_418 : vector<16xf32>
        %get3A_420 = arith.index_cast %mul3A_364 : i32 to index
        %get3A_421 = tpu.vector_load %arg14[%get3A_420] {strides = array<i32>} : memref<10752xf32, #tpu.memory_space<vmem>>, vector<16xf32>,
        %swap3A = arith.index_cast %mul3A_364 : i32 to index
        %swap3A_422 = tpu.vector_load %arg13[%swap3A] {strides = array<i32>} : memref<10752xf32, #tpu.memory_space<vmem>>, vector<16xf32>,
        tpu.vector_store %arg13[%swap3A], %add3A_419 {strides = array<i32>} : memref<10752xf32, #tpu.memory_space<vmem>>, vector<16xf32>,
        %mul3A_423 = arith.mulf %add3A_419, %add3A_419 : vector<16xf32>
        %add3A_424 = arith.addf %scan3A_360, %mul3A_423 : vector<16xf32>
        %mul3A_425 = arith.mulf %add3A_419, %get3A_421 : vector<16xf32>
        %add3A_426 = arith.addf %scan3A_361, %mul3A_425 : vector<16xf32>
        %mul3A_427 = arith.mulf %get3A_421, %get3A_421 : vector<16xf32>
        %add3A_428 = arith.addf %scan3A_362, %mul3A_427 : vector<16xf32>
        %scan3A_429 = arith.constant 1 : i32
        %scan3A_430 = arith.addi %scan3A_359, %scan3A_429 : i32
        %mul3A_431 = arith.constant 16 : i32
        %mul3A_432 = arith.muli %scan3A_430, %mul3A_431 : i32
        %get3A_433 = arith.constant 0 : i32
        %get3A_434 = arith.index_cast %get3A_433 : i32 to index
        %get3A_435 = arith.index_cast %mul3A_432 : i32 to index
        %get3A_436 = tpu.vector_load %arg12[%get3A_434, %get3A_435] {strides = array<i32>} : memref<8x10752xf32, #tpu.memory_space<vmem>>, vector<16xf32>,
        %mul3A_437 = vector.broadcast %reduce_sum3A_26 : f32 to vector<16xf32>
        %mul3A_438 = arith.mulf %mul3A_437, %get3A_436 : vector<16xf32>
        %get3A_439 = arith.constant 1 : i32
        %get3A_440 = arith.index_cast %get3A_439 : i32 to index
        %get3A_441 = arith.index_cast %mul3A_432 : i32 to index
        %get3A_442 = tpu.vector_load %arg12[%get3A_440, %get3A_441] {strides = array<i32>} : memref<8x10752xf32, #tpu.memory_space<vmem>>, vector<16xf32>,
        %mul3A_443 = vector.broadcast %reduce_sum3A_37 : f32 to vector<16xf32>
        %mul3A_444 = arith.mulf %mul3A_443, %get3A_442 : vector<16xf32>
        %get3A_445 = arith.constant 2 : i32
        %get3A_446 = arith.index_cast %get3A_445 : i32 to index
        %get3A_447 = arith.index_cast %mul3A_432 : i32 to index
        %get3A_448 = tpu.vector_load %arg12[%get3A_446, %get3A_447] {strides = array<i32>} : memref<8x10752xf32, #tpu.memory_space<vmem>>, vector<16xf32>,
        %mul3A_449 = vector.broadcast %reduce_sum3A_48 : f32 to vector<16xf32>
        %mul3A_450 = arith.mulf %mul3A_449, %get3A_448 : vector<16xf32>
        %get3A_451 = arith.constant 3 : i32
        %get3A_452 = arith.index_cast %get3A_451 : i32 to index
        %get3A_453 = arith.index_cast %mul3A_432 : i32 to index
        %get3A_454 = tpu.vector_load %arg12[%get3A_452, %get3A_453] {strides = array<i32>} : memref<8x10752xf32, #tpu.memory_space<vmem>>, vector<16xf32>,
        %mul3A_455 = vector.broadcast %reduce_sum3A_59 : f32 to vector<16xf32>
        %mul3A_456 = arith.mulf %mul3A_455, %get3A_454 : vector<16xf32>
        %get3A_457 = arith.constant 4 : i32
        %get3A_458 = arith.index_cast %get3A_457 : i32 to index
        %get3A_459 = arith.index_cast %mul3A_432 : i32 to index
        %get3A_460 = tpu.vector_load %arg12[%get3A_458, %get3A_459] {strides = array<i32>} : memref<8x10752xf32, #tpu.memory_space<vmem>>, vector<16xf32>,
        %mul3A_461 = vector.broadcast %reduce_sum3A_70 : f32 to vector<16xf32>
        %mul3A_462 = arith.mulf %mul3A_461, %get3A_460 : vector<16xf32>
        %get3A_463 = arith.constant 5 : i32
        %get3A_464 = arith.index_cast %get3A_463 : i32 to index
        %get3A_465 = arith.index_cast %mul3A_432 : i32 to index
        %get3A_466 = tpu.vector_load %arg12[%get3A_464, %get3A_465] {strides = array<i32>} : memref<8x10752xf32, #tpu.memory_space<vmem>>, vector<16xf32>,
        %mul3A_467 = vector.broadcast %reduce_sum3A_81 : f32 to vector<16xf32>
        %mul3A_468 = arith.mulf %mul3A_467, %get3A_466 : vector<16xf32>
        %get3A_469 = arith.constant 6 : i32
        %get3A_470 = arith.index_cast %get3A_469 : i32 to index
        %get3A_471 = arith.index_cast %mul3A_432 : i32 to index
        %get3A_472 = tpu.vector_load %arg12[%get3A_470, %get3A_471] {strides = array<i32>} : memref<8x10752xf32, #tpu.memory_space<vmem>>, vector<16xf32>,
        %mul3A_473 = vector.broadcast %reduce_sum3A_92 : f32 to vector<16xf32>
        %mul3A_474 = arith.mulf %mul3A_473, %get3A_472 : vector<16xf32>
        %get3A_475 = arith.constant 7 : i32
        %get3A_476 = arith.index_cast %get3A_475 : i32 to index
        %get3A_477 = arith.index_cast %mul3A_432 : i32 to index
        %get3A_478 = tpu.vector_load %arg12[%get3A_476, %get3A_477] {strides = array<i32>} : memref<8x10752xf32, #tpu.memory_space<vmem>>, vector<16xf32>,
        %mul3A_479 = vector.broadcast %reduce_sum3A_103 : f32 to vector<16xf32>
        %mul3A_480 = arith.mulf %mul3A_479, %get3A_478 : vector<16xf32>
        %add3A_481 = arith.addf %mul3A_438, %mul3A_444 : vector<16xf32>
        %add3A_482 = arith.addf %mul3A_450, %mul3A_456 : vector<16xf32>
        %add3A_483 = arith.addf %add3A_481, %add3A_482 : vector<16xf32>
        %add3A_484 = arith.addf %mul3A_462, %mul3A_468 : vector<16xf32>
        %add3A_485 = arith.addf %mul3A_474, %mul3A_480 : vector<16xf32>
        %add3A_486 = arith.addf %add3A_484, %add3A_485 : vector<16xf32>
        %add3A_487 = arith.addf %add3A_483, %add3A_486 : vector<16xf32>
        %get3A_488 = arith.index_cast %mul3A_432 : i32 to index
        %get3A_489 = tpu.vector_load %arg14[%get3A_488] {strides = array<i32>} : memref<10752xf32, #tpu.memory_space<vmem>>, vector<16xf32>,
        %swap3A_490 = arith.index_cast %mul3A_432 : i32 to index
        %swap3A_491 = tpu.vector_load %arg13[%swap3A_490] {strides = array<i32>} : memref<10752xf32, #tpu.memory_space<vmem>>, vector<16xf32>,
        tpu.vector_store %arg13[%swap3A_490], %add3A_487 {strides = array<i32>} : memref<10752xf32, #tpu.memory_space<vmem>>, vector<16xf32>,
        %mul3A_492 = arith.mulf %add3A_487, %add3A_487 : vector<16xf32>
        %add3A_493 = arith.addf %add3A_424, %mul3A_492 : vector<16xf32>
        %mul3A_494 = arith.mulf %add3A_487, %get3A_489 : vector<16xf32>
        %add3A_495 = arith.addf %add3A_426, %mul3A_494 : vector<16xf32>
        %mul3A_496 = arith.mulf %get3A_489, %get3A_489 : vector<16xf32>
        %add3A_497 = arith.addf %add3A_428, %mul3A_496 : vector<16xf32>
        %scan3A_498 = arith.constant 2 : i32
        %scan3A_499 = arith.addi %scan3A_359, %scan3A_498 : i32
        %mul3A_500 = arith.constant 16 : i32
        %mul3A_501 = arith.muli %scan3A_499, %mul3A_500 : i32
        %get3A_502 = arith.constant 0 : i32
        %get3A_503 = arith.index_cast %get3A_502 : i32 to index
        %get3A_504 = arith.index_cast %mul3A_501 : i32 to index
        %get3A_505 = tpu.vector_load %arg12[%get3A_503, %get3A_504] {strides = array<i32>} : memref<8x10752xf32, #tpu.memory_space<vmem>>, vector<16xf32>,
        %mul3A_506 = vector.broadcast %reduce_sum3A_26 : f32 to vector<16xf32>
        %mul3A_507 = arith.mulf %mul3A_506, %get3A_505 : vector<16xf32>
        %get3A_508 = arith.constant 1 : i32
        %get3A_509 = arith.index_cast %get3A_508 : i32 to index
        %get3A_510 = arith.index_cast %mul3A_501 : i32 to index
        %get3A_511 = tpu.vector_load %arg12[%get3A_509, %get3A_510] {strides = array<i32>} : memref<8x10752xf32, #tpu.memory_space<vmem>>, vector<16xf32>,
        %mul3A_512 = vector.broadcast %reduce_sum3A_37 : f32 to vector<16xf32>
        %mul3A_513 = arith.mulf %mul3A_512, %get3A_511 : vector<16xf32>
        %get3A_514 = arith.constant 2 : i32
        %get3A_515 = arith.index_cast %get3A_514 : i32 to index
        %get3A_516 = arith.index_cast %mul3A_501 : i32 to index
        %get3A_517 = tpu.vector_load %arg12[%get3A_515, %get3A_516] {strides = array<i32>} : memref<8x10752xf32, #tpu.memory_space<vmem>>, vector<16xf32>,
        %mul3A_518 = vector.broadcast %reduce_sum3A_48 : f32 to vector<16xf32>
        %mul3A_519 = arith.mulf %mul3A_518, %get3A_517 : vector<16xf32>
        %get3A_520 = arith.constant 3 : i32
        %get3A_521 = arith.index_cast %get3A_520 : i32 to index
        %get3A_522 = arith.index_cast %mul3A_501 : i32 to index
        %get3A_523 = tpu.vector_load %arg12[%get3A_521, %get3A_522] {strides = array<i32>} : memref<8x10752xf32, #tpu.memory_space<vmem>>, vector<16xf32>,
        %mul3A_524 = vector.broadcast %reduce_sum3A_59 : f32 to vector<16xf32>
        %mul3A_525 = arith.mulf %mul3A_524, %get3A_523 : vector<16xf32>
        %get3A_526 = arith.constant 4 : i32
        %get3A_527 = arith.index_cast %get3A_526 : i32 to index
        %get3A_528 = arith.index_cast %mul3A_501 : i32 to index
        %get3A_529 = tpu.vector_load %arg12[%get3A_527, %get3A_528] {strides = array<i32>} : memref<8x10752xf32, #tpu.memory_space<vmem>>, vector<16xf32>,
        %mul3A_530 = vector.broadcast %reduce_sum3A_70 : f32 to vector<16xf32>
        %mul3A_531 = arith.mulf %mul3A_530, %get3A_529 : vector<16xf32>
        %get3A_532 = arith.constant 5 : i32
        %get3A_533 = arith.index_cast %get3A_532 : i32 to index
        %get3A_534 = arith.index_cast %mul3A_501 : i32 to index
        %get3A_535 = tpu.vector_load %arg12[%get3A_533, %get3A_534] {strides = array<i32>} : memref<8x10752xf32, #tpu.memory_space<vmem>>, vector<16xf32>,
        %mul3A_536 = vector.broadcast %reduce_sum3A_81 : f32 to vector<16xf32>
        %mul3A_537 = arith.mulf %mul3A_536, %get3A_535 : vector<16xf32>
        %get3A_538 = arith.constant 6 : i32
        %get3A_539 = arith.index_cast %get3A_538 : i32 to index
        %get3A_540 = arith.index_cast %mul3A_501 : i32 to index
        %get3A_541 = tpu.vector_load %arg12[%get3A_539, %get3A_540] {strides = array<i32>} : memref<8x10752xf32, #tpu.memory_space<vmem>>, vector<16xf32>,
        %mul3A_542 = vector.broadcast %reduce_sum3A_92 : f32 to vector<16xf32>
        %mul3A_543 = arith.mulf %mul3A_542, %get3A_541 : vector<16xf32>
        %get3A_544 = arith.constant 7 : i32
        %get3A_545 = arith.index_cast %get3A_544 : i32 to index
        %get3A_546 = arith.index_cast %mul3A_501 : i32 to index
        %get3A_547 = tpu.vector_load %arg12[%get3A_545, %get3A_546] {strides = array<i32>} : memref<8x10752xf32, #tpu.memory_space<vmem>>, vector<16xf32>,
        %mul3A_548 = vector.broadcast %reduce_sum3A_103 : f32 to vector<16xf32>
        %mul3A_549 = arith.mulf %mul3A_548, %get3A_547 : vector<16xf32>
        %add3A_550 = arith.addf %mul3A_507, %mul3A_513 : vector<16xf32>
        %add3A_551 = arith.addf %mul3A_519, %mul3A_525 : vector<16xf32>
        %add3A_552 = arith.addf %add3A_550, %add3A_551 : vector<16xf32>
        %add3A_553 = arith.addf %mul3A_531, %mul3A_537 : vector<16xf32>
        %add3A_554 = arith.addf %mul3A_543, %mul3A_549 : vector<16xf32>
        %add3A_555 = arith.addf %add3A_553, %add3A_554 : vector<16xf32>
        %add3A_556 = arith.addf %add3A_552, %add3A_555 : vector<16xf32>
        %get3A_557 = arith.index_cast %mul3A_501 : i32 to index
        %get3A_558 = tpu.vector_load %arg14[%get3A_557] {strides = array<i32>} : memref<10752xf32, #tpu.memory_space<vmem>>, vector<16xf32>,
        %swap3A_559 = arith.index_cast %mul3A_501 : i32 to index
        %swap3A_560 = tpu.vector_load %arg13[%swap3A_559] {strides = array<i32>} : memref<10752xf32, #tpu.memory_space<vmem>>, vector<16xf32>,
        tpu.vector_store %arg13[%swap3A_559], %add3A_556 {strides = array<i32>} : memref<10752xf32, #tpu.memory_space<vmem>>, vector<16xf32>,
        %mul3A_561 = arith.mulf %add3A_556, %add3A_556 : vector<16xf32>
        %add3A_562 = arith.addf %add3A_493, %mul3A_561 : vector<16xf32>
        %mul3A_563 = arith.mulf %add3A_556, %get3A_558 : vector<16xf32>
        %add3A_564 = arith.addf %add3A_495, %mul3A_563 : vector<16xf32>
        %mul3A_565 = arith.mulf %get3A_558, %get3A_558 : vector<16xf32>
        %add3A_566 = arith.addf %add3A_497, %mul3A_565 : vector<16xf32>
        %scan3A_567 = arith.constant 3 : i32
        %scan3A_568 = arith.addi %scan3A_359, %scan3A_567 : i32
        %mul3A_569 = arith.constant 16 : i32
        %mul3A_570 = arith.muli %scan3A_568, %mul3A_569 : i32
        %get3A_571 = arith.constant 0 : i32
        %get3A_572 = arith.index_cast %get3A_571 : i32 to index
        %get3A_573 = arith.index_cast %mul3A_570 : i32 to index
        %get3A_574 = tpu.vector_load %arg12[%get3A_572, %get3A_573] {strides = array<i32>} : memref<8x10752xf32, #tpu.memory_space<vmem>>, vector<16xf32>,
        %mul3A_575 = vector.broadcast %reduce_sum3A_26 : f32 to vector<16xf32>
        %mul3A_576 = arith.mulf %mul3A_575, %get3A_574 : vector<16xf32>
        %get3A_577 = arith.constant 1 : i32
        %get3A_578 = arith.index_cast %get3A_577 : i32 to index
        %get3A_579 = arith.index_cast %mul3A_570 : i32 to index
        %get3A_580 = tpu.vector_load %arg12[%get3A_578, %get3A_579] {strides = array<i32>} : memref<8x10752xf32, #tpu.memory_space<vmem>>, vector<16xf32>,
        %mul3A_581 = vector.broadcast %reduce_sum3A_37 : f32 to vector<16xf32>
        %mul3A_582 = arith.mulf %mul3A_581, %get3A_580 : vector<16xf32>
        %get3A_583 = arith.constant 2 : i32
        %get3A_584 = arith.index_cast %get3A_583 : i32 to index
        %get3A_585 = arith.index_cast %mul3A_570 : i32 to index
        %get3A_586 = tpu.vector_load %arg12[%get3A_584, %get3A_585] {strides = array<i32>} : memref<8x10752xf32, #tpu.memory_space<vmem>>, vector<16xf32>,
        %mul3A_587 = vector.broadcast %reduce_sum3A_48 : f32 to vector<16xf32>
        %mul3A_588 = arith.mulf %mul3A_587, %get3A_586 : vector<16xf32>
        %get3A_589 = arith.constant 3 : i32
        %get3A_590 = arith.index_cast %get3A_589 : i32 to index
        %get3A_591 = arith.index_cast %mul3A_570 : i32 to index
        %get3A_592 = tpu.vector_load %arg12[%get3A_590, %get3A_591] {strides = array<i32>} : memref<8x10752xf32, #tpu.memory_space<vmem>>, vector<16xf32>,
        %mul3A_593 = vector.broadcast %reduce_sum3A_59 : f32 to vector<16xf32>
        %mul3A_594 = arith.mulf %mul3A_593, %get3A_592 : vector<16xf32>
        %get3A_595 = arith.constant 4 : i32
        %get3A_596 = arith.index_cast %get3A_595 : i32 to index
        %get3A_597 = arith.index_cast %mul3A_570 : i32 to index
        %get3A_598 = tpu.vector_load %arg12[%get3A_596, %get3A_597] {strides = array<i32>} : memref<8x10752xf32, #tpu.memory_space<vmem>>, vector<16xf32>,
        %mul3A_599 = vector.broadcast %reduce_sum3A_70 : f32 to vector<16xf32>
        %mul3A_600 = arith.mulf %mul3A_599, %get3A_598 : vector<16xf32>
        %get3A_601 = arith.constant 5 : i32
        %get3A_602 = arith.index_cast %get3A_601 : i32 to index
        %get3A_603 = arith.index_cast %mul3A_570 : i32 to index
        %get3A_604 = tpu.vector_load %arg12[%get3A_602, %get3A_603] {strides = array<i32>} : memref<8x10752xf32, #tpu.memory_space<vmem>>, vector<16xf32>,
        %mul3A_605 = vector.broadcast %reduce_sum3A_81 : f32 to vector<16xf32>
        %mul3A_606 = arith.mulf %mul3A_605, %get3A_604 : vector<16xf32>
        %get3A_607 = arith.constant 6 : i32
        %get3A_608 = arith.index_cast %get3A_607 : i32 to index
        %get3A_609 = arith.index_cast %mul3A_570 : i32 to index
        %get3A_610 = tpu.vector_load %arg12[%get3A_608, %get3A_609] {strides = array<i32>} : memref<8x10752xf32, #tpu.memory_space<vmem>>, vector<16xf32>,
        %mul3A_611 = vector.broadcast %reduce_sum3A_92 : f32 to vector<16xf32>
        %mul3A_612 = arith.mulf %mul3A_611, %get3A_610 : vector<16xf32>
        %get3A_613 = arith.constant 7 : i32
        %get3A_614 = arith.index_cast %get3A_613 : i32 to index
        %get3A_615 = arith.index_cast %mul3A_570 : i32 to index
        %get3A_616 = tpu.vector_load %arg12[%get3A_614, %get3A_615] {strides = array<i32>} : memref<8x10752xf32, #tpu.memory_space<vmem>>, vector<16xf32>,
        %mul3A_617 = vector.broadcast %reduce_sum3A_103 : f32 to vector<16xf32>
        %mul3A_618 = arith.mulf %mul3A_617, %get3A_616 : vector<16xf32>
        %add3A_619 = arith.addf %mul3A_576, %mul3A_582 : vector<16xf32>
        %add3A_620 = arith.addf %mul3A_588, %mul3A_594 : vector<16xf32>
        %add3A_621 = arith.addf %add3A_619, %add3A_620 : vector<16xf32>
        %add3A_622 = arith.addf %mul3A_600, %mul3A_606 : vector<16xf32>
        %add3A_623 = arith.addf %mul3A_612, %mul3A_618 : vector<16xf32>
        %add3A_624 = arith.addf %add3A_622, %add3A_623 : vector<16xf32>
        %add3A_625 = arith.addf %add3A_621, %add3A_624 : vector<16xf32>
        %get3A_626 = arith.index_cast %mul3A_570 : i32 to index
        %get3A_627 = tpu.vector_load %arg14[%get3A_626] {strides = array<i32>} : memref<10752xf32, #tpu.memory_space<vmem>>, vector<16xf32>,
        %swap3A_628 = arith.index_cast %mul3A_570 : i32 to index
        %swap3A_629 = tpu.vector_load %arg13[%swap3A_628] {strides = array<i32>} : memref<10752xf32, #tpu.memory_space<vmem>>, vector<16xf32>,
        tpu.vector_store %arg13[%swap3A_628], %add3A_625 {strides = array<i32>} : memref<10752xf32, #tpu.memory_space<vmem>>, vector<16xf32>,
        %mul3A_630 = arith.mulf %add3A_625, %add3A_625 : vector<16xf32>
        %add3A_631 = arith.addf %add3A_562, %mul3A_630 : vector<16xf32>
        %mul3A_632 = arith.mulf %add3A_625, %get3A_627 : vector<16xf32>
        %add3A_633 = arith.addf %add3A_564, %mul3A_632 : vector<16xf32>
        %mul3A_634 = arith.mulf %get3A_627, %get3A_627 : vector<16xf32>
        %add3A_635 = arith.addf %add3A_566, %mul3A_634 : vector<16xf32>
        scf.yield %add3A_631, %add3A_633, %add3A_635 : vector<16xf32>, vector<16xf32>, vector<16xf32>
      }
      %scan3A_108 = arith.constant 672 : i32
      %reduce_sum3A_109 = arith.constant true
      %reduce_sum3A_110 = vector.broadcast %reduce_sum3A_109 : i1 to vector<16xi1>
      %reduce_sum3A_111 = tpu.scan <sum>, %scan3A_107#0 masked %reduce_sum3A_110 : vector<16xf32>, vector<16xi1> -> vector<16xf32>
      %reduce_sum3A_112 = vector.extract %reduce_sum3A_111[15] : f32 from vector<16xf32>
      %reduce_sum3A_113 = arith.constant true
      %reduce_sum3A_114 = vector.broadcast %reduce_sum3A_113 : i1 to vector<16xi1>
      %reduce_sum3A_115 = tpu.scan <sum>, %scan3A_107#1 masked %reduce_sum3A_114 : vector<16xf32>, vector<16xi1> -> vector<16xf32>
      %reduce_sum3A_116 = vector.extract %reduce_sum3A_115[15] : f32 from vector<16xf32>
      %reduce_sum3A_117 = arith.constant true
      %reduce_sum3A_118 = vector.broadcast %reduce_sum3A_117 : i1 to vector<16xi1>
      %reduce_sum3A_119 = tpu.scan <sum>, %scan3A_107#2 masked %reduce_sum3A_118 : vector<16xf32>, vector<16xi1> -> vector<16xf32>
      %reduce_sum3A_120 = vector.extract %reduce_sum3A_119[15] : f32 from vector<16xf32>
      %mul3A = arith.constant 2.000000e+00 : f32
      %mul3A_121 = arith.mulf %mul3A, %reduce_sum3A_116 : f32
      %mul3A_122 = vector.broadcast %mul3A_121 : f32 to vector<16xf32>
      %mul3A_123 = arith.mulf %mul3A_122, %get3A_16 : vector<16xf32>
      %add3A = vector.broadcast %reduce_sum3A_112 : f32 to vector<16xf32>
      %add3A_124 = arith.addf %add3A, %mul3A_123 : vector<16xf32>
      %mul3A_125 = vector.broadcast %reduce_sum3A_120 : f32 to vector<16xf32>
      %mul3A_126 = arith.mulf %mul3A_125, %get3A_16 : vector<16xf32>
      %mul3A_127 = arith.mulf %mul3A_126, %get3A_16 : vector<16xf32>
      %add3A_128 = arith.addf %add3A_124, %mul3A_127 : vector<16xf32>
      %bitcast3A = vector.bitcast %add3A_128 : vector<16xf32> to vector<16xi32>
      %shift_right_arithmetic3A = arith.constant 1 : i32
      %shift_right_arithmetic3A_129 = vector.broadcast %shift_right_arithmetic3A : i32 to vector<16xi32>
      %shift_right_arithmetic3A_130 = arith.shrsi %bitcast3A, %shift_right_arithmetic3A_129 : vector<16xi32>
      %sub3A = arith.constant 1597463007 : i32
      %sub3A_131 = vector.broadcast %sub3A : i32 to vector<16xi32>
      %sub3A_132 = arith.subi %sub3A_131, %shift_right_arithmetic3A_130 : vector<16xi32>
      %bitcast3A_133 = vector.bitcast %sub3A_132 : vector<16xi32> to vector<16xf32>
      %mul3A_134 = arith.constant 5.000000e-01 : f32
      %mul3A_135 = vector.broadcast %mul3A_134 : f32 to vector<16xf32>
      %mul3A_136 = arith.mulf %mul3A_135, %add3A_128 : vector<16xf32>
      %mul3A_137 = arith.mulf %mul3A_136, %bitcast3A_133 : vector<16xf32>
      %mul3A_138 = arith.mulf %mul3A_137, %bitcast3A_133 : vector<16xf32>
      %sub3A_139 = arith.constant 1.500000e+00 : f32
      %sub3A_140 = vector.broadcast %sub3A_139 : f32 to vector<16xf32>
      %sub3A_141 = arith.subf %sub3A_140, %mul3A_138 : vector<16xf32>
      %mul3A_142 = arith.mulf %bitcast3A_133, %sub3A_141 : vector<16xf32>
      %mul3A_143 = arith.constant 5.000000e-01 : f32
      %mul3A_144 = vector.broadcast %mul3A_143 : f32 to vector<16xf32>
      %mul3A_145 = arith.mulf %mul3A_144, %add3A_128 : vector<16xf32>
      %mul3A_146 = arith.mulf %mul3A_145, %mul3A_142 : vector<16xf32>
      %mul3A_147 = arith.mulf %mul3A_146, %mul3A_142 : vector<16xf32>
      %sub3A_148 = arith.constant 1.500000e+00 : f32
      %sub3A_149 = vector.broadcast %sub3A_148 : f32 to vector<16xf32>
      %sub3A_150 = arith.subf %sub3A_149, %mul3A_147 : vector<16xf32>
      %mul3A_151 = arith.mulf %mul3A_142, %sub3A_150 : vector<16xf32>
      %mul3A_152 = arith.constant 5.000000e-01 : f32
      %mul3A_153 = vector.broadcast %mul3A_152 : f32 to vector<16xf32>
      %mul3A_154 = arith.mulf %mul3A_153, %add3A_128 : vector<16xf32>
      %mul3A_155 = arith.mulf %mul3A_154, %mul3A_151 : vector<16xf32>
      %mul3A_156 = arith.mulf %mul3A_155, %mul3A_151 : vector<16xf32>
      %sub3A_157 = arith.constant 1.500000e+00 : f32
      %sub3A_158 = vector.broadcast %sub3A_157 : f32 to vector<16xf32>
      %sub3A_159 = arith.subf %sub3A_158, %mul3A_156 : vector<16xf32>
      %mul3A_160 = arith.mulf %mul3A_151, %sub3A_159 : vector<16xf32>
      %mul3A_161 = arith.constant 5.000000e-01 : f32
      %mul3A_162 = vector.broadcast %mul3A_161 : f32 to vector<16xf32>
      %mul3A_163 = arith.mulf %mul3A_162, %add3A_128 : vector<16xf32>
      %mul3A_164 = arith.mulf %mul3A_163, %mul3A_160 : vector<16xf32>
      %mul3A_165 = arith.mulf %mul3A_164, %mul3A_160 : vector<16xf32>
      %sub3A_166 = arith.constant 1.500000e+00 : f32
      %sub3A_167 = vector.broadcast %sub3A_166 : f32 to vector<16xf32>
      %sub3A_168 = arith.subf %sub3A_167, %mul3A_165 : vector<16xf32>
      %mul3A_169 = arith.mulf %mul3A_160, %sub3A_168 : vector<16xf32>
      %mul3A_170 = arith.mulf %add3A_128, %mul3A_169 : vector<16xf32>
      %add3A_171 = arith.constant 9.99999996E-13 : f32
      %add3A_172 = vector.broadcast %add3A_171 : f32 to vector<16xf32>
      %add3A_173 = arith.addf %mul3A_170, %add3A_172 : vector<16xf32>
      %div3A = arith.constant 1.000000e+00 : f32
      %div3A_174 = vector.broadcast %div3A : f32 to vector<16xf32>
      %div3A_175 = arith.divf %div3A_174, %add3A_173 : vector<16xf32>
      %iota3A_176 = tpu.iota {dimensions = array<i32: 0>} : vector<16xi32>
      %eq3A_177 = arith.constant 0 : i32
      %eq3A_178 = vector.broadcast %eq3A_177 : i32 to vector<16xi32>
      %eq3A_179 = arith.cmpi eq, %iota3A_176, %eq3A_178 : vector<16xi32>
      %jit3A_180 = arith.constant 0.000000e+00 : f32
      %broadcast_in_dim3A_181 = vector.broadcast %jit3A_180 : f32 to vector<16xf32>
      %select_n3A_182 = arith.select %eq3A_179, %get3A_16, %broadcast_in_dim3A_181 : vector<16xi1>, vector<16xf32>
      %reduce_sum3A_183 = arith.constant true
      %reduce_sum3A_184 = vector.broadcast %reduce_sum3A_183 : i1 to vector<16xi1>
      %reduce_sum3A_185 = tpu.scan <sum>, %select_n3A_182 masked %reduce_sum3A_184 : vector<16xf32>, vector<16xi1> -> vector<16xf32>
      %reduce_sum3A_186 = vector.extract %reduce_sum3A_185[15] : f32 from vector<16xf32>
      %iota3A_187 = tpu.iota {dimensions = array<i32: 0>} : vector<16xi32>
      %eq3A_188 = arith.constant 1 : i32
      %eq3A_189 = vector.broadcast %eq3A_188 : i32 to vector<16xi32>
      %eq3A_190 = arith.cmpi eq, %iota3A_187, %eq3A_189 : vector<16xi32>
      %jit3A_191 = arith.constant 0.000000e+00 : f32
      %broadcast_in_dim3A_192 = vector.broadcast %jit3A_191 : f32 to vector<16xf32>
      %select_n3A_193 = arith.select %eq3A_190, %get3A_16, %broadcast_in_dim3A_192 : vector<16xi1>, vector<16xf32>
      %reduce_sum3A_194 = arith.constant true
      %reduce_sum3A_195 = vector.broadcast %reduce_sum3A_194 : i1 to vector<16xi1>
      %reduce_sum3A_196 = tpu.scan <sum>, %select_n3A_193 masked %reduce_sum3A_195 : vector<16xf32>, vector<16xi1> -> vector<16xf32>
      %reduce_sum3A_197 = vector.extract %reduce_sum3A_196[15] : f32 from vector<16xf32>
      %iota3A_198 = tpu.iota {dimensions = array<i32: 0>} : vector<16xi32>
      %eq3A_199 = arith.constant 2 : i32
      %eq3A_200 = vector.broadcast %eq3A_199 : i32 to vector<16xi32>
      %eq3A_201 = arith.cmpi eq, %iota3A_198, %eq3A_200 : vector<16xi32>
      %jit3A_202 = arith.constant 0.000000e+00 : f32
      %broadcast_in_dim3A_203 = vector.broadcast %jit3A_202 : f32 to vector<16xf32>
      %select_n3A_204 = arith.select %eq3A_201, %get3A_16, %broadcast_in_dim3A_203 : vector<16xi1>, vector<16xf32>
      %reduce_sum3A_205 = arith.constant true
      %reduce_sum3A_206 = vector.broadcast %reduce_sum3A_205 : i1 to vector<16xi1>
      %reduce_sum3A_207 = tpu.scan <sum>, %select_n3A_204 masked %reduce_sum3A_206 : vector<16xf32>, vector<16xi1> -> vector<16xf32>
      %reduce_sum3A_208 = vector.extract %reduce_sum3A_207[15] : f32 from vector<16xf32>
      %iota3A_209 = tpu.iota {dimensions = array<i32: 0>} : vector<16xi32>
      %eq3A_210 = arith.constant 3 : i32
      %eq3A_211 = vector.broadcast %eq3A_210 : i32 to vector<16xi32>
      %eq3A_212 = arith.cmpi eq, %iota3A_209, %eq3A_211 : vector<16xi32>
      %jit3A_213 = arith.constant 0.000000e+00 : f32
      %broadcast_in_dim3A_214 = vector.broadcast %jit3A_213 : f32 to vector<16xf32>
      %select_n3A_215 = arith.select %eq3A_212, %get3A_16, %broadcast_in_dim3A_214 : vector<16xi1>, vector<16xf32>
      %reduce_sum3A_216 = arith.constant true
      %reduce_sum3A_217 = vector.broadcast %reduce_sum3A_216 : i1 to vector<16xi1>
      %reduce_sum3A_218 = tpu.scan <sum>, %select_n3A_215 masked %reduce_sum3A_217 : vector<16xf32>, vector<16xi1> -> vector<16xf32>
      %reduce_sum3A_219 = vector.extract %reduce_sum3A_218[15] : f32 from vector<16xf32>
      %iota3A_220 = tpu.iota {dimensions = array<i32: 0>} : vector<16xi32>
      %eq3A_221 = arith.constant 4 : i32
      %eq3A_222 = vector.broadcast %eq3A_221 : i32 to vector<16xi32>
      %eq3A_223 = arith.cmpi eq, %iota3A_220, %eq3A_222 : vector<16xi32>
      %jit3A_224 = arith.constant 0.000000e+00 : f32
      %broadcast_in_dim3A_225 = vector.broadcast %jit3A_224 : f32 to vector<16xf32>
      %select_n3A_226 = arith.select %eq3A_223, %get3A_16, %broadcast_in_dim3A_225 : vector<16xi1>, vector<16xf32>
      %reduce_sum3A_227 = arith.constant true
      %reduce_sum3A_228 = vector.broadcast %reduce_sum3A_227 : i1 to vector<16xi1>
      %reduce_sum3A_229 = tpu.scan <sum>, %select_n3A_226 masked %reduce_sum3A_228 : vector<16xf32>, vector<16xi1> -> vector<16xf32>
      %reduce_sum3A_230 = vector.extract %reduce_sum3A_229[15] : f32 from vector<16xf32>
      %iota3A_231 = tpu.iota {dimensions = array<i32: 0>} : vector<16xi32>
      %eq3A_232 = arith.constant 5 : i32
      %eq3A_233 = vector.broadcast %eq3A_232 : i32 to vector<16xi32>
      %eq3A_234 = arith.cmpi eq, %iota3A_231, %eq3A_233 : vector<16xi32>
      %jit3A_235 = arith.constant 0.000000e+00 : f32
      %broadcast_in_dim3A_236 = vector.broadcast %jit3A_235 : f32 to vector<16xf32>
      %select_n3A_237 = arith.select %eq3A_234, %get3A_16, %broadcast_in_dim3A_236 : vector<16xi1>, vector<16xf32>
      %reduce_sum3A_238 = arith.constant true
      %reduce_sum3A_239 = vector.broadcast %reduce_sum3A_238 : i1 to vector<16xi1>
      %reduce_sum3A_240 = tpu.scan <sum>, %select_n3A_237 masked %reduce_sum3A_239 : vector<16xf32>, vector<16xi1> -> vector<16xf32>
      %reduce_sum3A_241 = vector.extract %reduce_sum3A_240[15] : f32 from vector<16xf32>
      %iota3A_242 = tpu.iota {dimensions = array<i32: 0>} : vector<16xi32>
      %eq3A_243 = arith.constant 6 : i32
      %eq3A_244 = vector.broadcast %eq3A_243 : i32 to vector<16xi32>
      %eq3A_245 = arith.cmpi eq, %iota3A_242, %eq3A_244 : vector<16xi32>
      %jit3A_246 = arith.constant 0.000000e+00 : f32
      %broadcast_in_dim3A_247 = vector.broadcast %jit3A_246 : f32 to vector<16xf32>
      %select_n3A_248 = arith.select %eq3A_245, %get3A_16, %broadcast_in_dim3A_247 : vector<16xi1>, vector<16xf32>
      %reduce_sum3A_249 = arith.constant true
      %reduce_sum3A_250 = vector.broadcast %reduce_sum3A_249 : i1 to vector<16xi1>
      %reduce_sum3A_251 = tpu.scan <sum>, %select_n3A_248 masked %reduce_sum3A_250 : vector<16xf32>, vector<16xi1> -> vector<16xf32>
      %reduce_sum3A_252 = vector.extract %reduce_sum3A_251[15] : f32 from vector<16xf32>
      %iota3A_253 = tpu.iota {dimensions = array<i32: 0>} : vector<16xi32>
      %eq3A_254 = arith.constant 7 : i32
      %eq3A_255 = vector.broadcast %eq3A_254 : i32 to vector<16xi32>
      %eq3A_256 = arith.cmpi eq, %iota3A_253, %eq3A_255 : vector<16xi32>
      %jit3A_257 = arith.constant 0.000000e+00 : f32
      %broadcast_in_dim3A_258 = vector.broadcast %jit3A_257 : f32 to vector<16xf32>
      %select_n3A_259 = arith.select %eq3A_256, %get3A_16, %broadcast_in_dim3A_258 : vector<16xi1>, vector<16xf32>
      %reduce_sum3A_260 = arith.constant true
      %reduce_sum3A_261 = vector.broadcast %reduce_sum3A_260 : i1 to vector<16xi1>
      %reduce_sum3A_262 = tpu.scan <sum>, %select_n3A_259 masked %reduce_sum3A_261 : vector<16xf32>, vector<16xi1> -> vector<16xf32>
      %reduce_sum3A_263 = vector.extract %reduce_sum3A_262[15] : f32 from vector<16xf32>
      %iota3A_264 = tpu.iota {dimensions = array<i32: 0>} : vector<16xi32>
      %eq3A_265 = arith.constant 0 : i32
      %eq3A_266 = vector.broadcast %eq3A_265 : i32 to vector<16xi32>
      %eq3A_267 = arith.cmpi eq, %iota3A_264, %eq3A_266 : vector<16xi32>
      %jit3A_268 = arith.constant 0.000000e+00 : f32
      %broadcast_in_dim3A_269 = vector.broadcast %jit3A_268 : f32 to vector<16xf32>
      %select_n3A_270 = arith.select %eq3A_267, %div3A_175, %broadcast_in_dim3A_269 : vector<16xi1>, vector<16xf32>
      %reduce_sum3A_271 = arith.constant true
      %reduce_sum3A_272 = vector.broadcast %reduce_sum3A_271 : i1 to vector<16xi1>
      %reduce_sum3A_273 = tpu.scan <sum>, %select_n3A_270 masked %reduce_sum3A_272 : vector<16xf32>, vector<16xi1> -> vector<16xf32>
      %reduce_sum3A_274 = vector.extract %reduce_sum3A_273[15] : f32 from vector<16xf32>
      %iota3A_275 = tpu.iota {dimensions = array<i32: 0>} : vector<16xi32>
      %eq3A_276 = arith.constant 1 : i32
      %eq3A_277 = vector.broadcast %eq3A_276 : i32 to vector<16xi32>
      %eq3A_278 = arith.cmpi eq, %iota3A_275, %eq3A_277 : vector<16xi32>
      %jit3A_279 = arith.constant 0.000000e+00 : f32
      %broadcast_in_dim3A_280 = vector.broadcast %jit3A_279 : f32 to vector<16xf32>
      %select_n3A_281 = arith.select %eq3A_278, %div3A_175, %broadcast_in_dim3A_280 : vector<16xi1>, vector<16xf32>
      %reduce_sum3A_282 = arith.constant true
      %reduce_sum3A_283 = vector.broadcast %reduce_sum3A_282 : i1 to vector<16xi1>
      %reduce_sum3A_284 = tpu.scan <sum>, %select_n3A_281 masked %reduce_sum3A_283 : vector<16xf32>, vector<16xi1> -> vector<16xf32>
      %reduce_sum3A_285 = vector.extract %reduce_sum3A_284[15] : f32 from vector<16xf32>
      %iota3A_286 = tpu.iota {dimensions = array<i32: 0>} : vector<16xi32>
      %eq3A_287 = arith.constant 2 : i32
      %eq3A_288 = vector.broadcast %eq3A_287 : i32 to vector<16xi32>
      %eq3A_289 = arith.cmpi eq, %iota3A_286, %eq3A_288 : vector<16xi32>
      %jit3A_290 = arith.constant 0.000000e+00 : f32
      %broadcast_in_dim3A_291 = vector.broadcast %jit3A_290 : f32 to vector<16xf32>
      %select_n3A_292 = arith.select %eq3A_289, %div3A_175, %broadcast_in_dim3A_291 : vector<16xi1>, vector<16xf32>
      %reduce_sum3A_293 = arith.constant true
      %reduce_sum3A_294 = vector.broadcast %reduce_sum3A_293 : i1 to vector<16xi1>
      %reduce_sum3A_295 = tpu.scan <sum>, %select_n3A_292 masked %reduce_sum3A_294 : vector<16xf32>, vector<16xi1> -> vector<16xf32>
      %reduce_sum3A_296 = vector.extract %reduce_sum3A_295[15] : f32 from vector<16xf32>
      %iota3A_297 = tpu.iota {dimensions = array<i32: 0>} : vector<16xi32>
      %eq3A_298 = arith.constant 3 : i32
      %eq3A_299 = vector.broadcast %eq3A_298 : i32 to vector<16xi32>
      %eq3A_300 = arith.cmpi eq, %iota3A_297, %eq3A_299 : vector<16xi32>
      %jit3A_301 = arith.constant 0.000000e+00 : f32
      %broadcast_in_dim3A_302 = vector.broadcast %jit3A_301 : f32 to vector<16xf32>
      %select_n3A_303 = arith.select %eq3A_300, %div3A_175, %broadcast_in_dim3A_302 : vector<16xi1>, vector<16xf32>
      %reduce_sum3A_304 = arith.constant true
      %reduce_sum3A_305 = vector.broadcast %reduce_sum3A_304 : i1 to vector<16xi1>
      %reduce_sum3A_306 = tpu.scan <sum>, %select_n3A_303 masked %reduce_sum3A_305 : vector<16xf32>, vector<16xi1> -> vector<16xf32>
      %reduce_sum3A_307 = vector.extract %reduce_sum3A_306[15] : f32 from vector<16xf32>
      %iota3A_308 = tpu.iota {dimensions = array<i32: 0>} : vector<16xi32>
      %eq3A_309 = arith.constant 4 : i32
      %eq3A_310 = vector.broadcast %eq3A_309 : i32 to vector<16xi32>
      %eq3A_311 = arith.cmpi eq, %iota3A_308, %eq3A_310 : vector<16xi32>
      %jit3A_312 = arith.constant 0.000000e+00 : f32
      %broadcast_in_dim3A_313 = vector.broadcast %jit3A_312 : f32 to vector<16xf32>
      %select_n3A_314 = arith.select %eq3A_311, %div3A_175, %broadcast_in_dim3A_313 : vector<16xi1>, vector<16xf32>
      %reduce_sum3A_315 = arith.constant true
      %reduce_sum3A_316 = vector.broadcast %reduce_sum3A_315 : i1 to vector<16xi1>
      %reduce_sum3A_317 = tpu.scan <sum>, %select_n3A_314 masked %reduce_sum3A_316 : vector<16xf32>, vector<16xi1> -> vector<16xf32>
      %reduce_sum3A_318 = vector.extract %reduce_sum3A_317[15] : f32 from vector<16xf32>
      %iota3A_319 = tpu.iota {dimensions = array<i32: 0>} : vector<16xi32>
      %eq3A_320 = arith.constant 5 : i32
      %eq3A_321 = vector.broadcast %eq3A_320 : i32 to vector<16xi32>
      %eq3A_322 = arith.cmpi eq, %iota3A_319, %eq3A_321 : vector<16xi32>
      %jit3A_323 = arith.constant 0.000000e+00 : f32
      %broadcast_in_dim3A_324 = vector.broadcast %jit3A_323 : f32 to vector<16xf32>
      %select_n3A_325 = arith.select %eq3A_322, %div3A_175, %broadcast_in_dim3A_324 : vector<16xi1>, vector<16xf32>
      %reduce_sum3A_326 = arith.constant true
      %reduce_sum3A_327 = vector.broadcast %reduce_sum3A_326 : i1 to vector<16xi1>
      %reduce_sum3A_328 = tpu.scan <sum>, %select_n3A_325 masked %reduce_sum3A_327 : vector<16xf32>, vector<16xi1> -> vector<16xf32>
      %reduce_sum3A_329 = vector.extract %reduce_sum3A_328[15] : f32 from vector<16xf32>
      %iota3A_330 = tpu.iota {dimensions = array<i32: 0>} : vector<16xi32>
      %eq3A_331 = arith.constant 6 : i32
      %eq3A_332 = vector.broadcast %eq3A_331 : i32 to vector<16xi32>
      %eq3A_333 = arith.cmpi eq, %iota3A_330, %eq3A_332 : vector<16xi32>
      %jit3A_334 = arith.constant 0.000000e+00 : f32
      %broadcast_in_dim3A_335 = vector.broadcast %jit3A_334 : f32 to vector<16xf32>
      %select_n3A_336 = arith.select %eq3A_333, %div3A_175, %broadcast_in_dim3A_335 : vector<16xi1>, vector<16xf32>
      %reduce_sum3A_337 = arith.constant true
      %reduce_sum3A_338 = vector.broadcast %reduce_sum3A_337 : i1 to vector<16xi1>
      %reduce_sum3A_339 = tpu.scan <sum>, %select_n3A_336 masked %reduce_sum3A_338 : vector<16xf32>, vector<16xi1> -> vector<16xf32>
      %reduce_sum3A_340 = vector.extract %reduce_sum3A_339[15] : f32 from vector<16xf32>
      %iota3A_341 = tpu.iota {dimensions = array<i32: 0>} : vector<16xi32>
      %eq3A_342 = arith.constant 7 : i32
      %eq3A_343 = vector.broadcast %eq3A_342 : i32 to vector<16xi32>
      %eq3A_344 = arith.cmpi eq, %iota3A_341, %eq3A_343 : vector<16xi32>
      %jit3A_345 = arith.constant 0.000000e+00 : f32
      %broadcast_in_dim3A_346 = vector.broadcast %jit3A_345 : f32 to vector<16xf32>
      %select_n3A_347 = arith.select %eq3A_344, %div3A_175, %broadcast_in_dim3A_346 : vector<16xi1>, vector<16xf32>
      %reduce_sum3A_348 = arith.constant true
      %reduce_sum3A_349 = vector.broadcast %reduce_sum3A_348 : i1 to vector<16xi1>
      %reduce_sum3A_350 = tpu.scan <sum>, %select_n3A_347 masked %reduce_sum3A_349 : vector<16xf32>, vector<16xi1> -> vector<16xf32>
      %reduce_sum3A_351 = vector.extract %reduce_sum3A_350[15] : f32 from vector<16xf32>
      %scan3A_352 = arith.constant 0 : i32
      %scan3A_353 = arith.constant 0 : i32
      %scan3A_354 = arith.constant 672 : i32
      %scan3A_355 = arith.addi %scan3A_353, %scan3A_354 : i32
      %scan3A_356 = arith.constant 4 : i32
      %scan3A_357 = scf.for %scan3A_359 = %scan3A_353 to %scan3A_355 step %scan3A_356 iter_args(%scan3A_360 = %scan3A_352) -> (i32)  : i32 {
        %mul3A_361 = arith.constant 16 : i32
        %mul3A_362 = arith.muli %scan3A_359, %mul3A_361 : i32
        %get3A_363 = arith.index_cast %mul3A_362 : i32 to index
        %get3A_364 = tpu.vector_load %arg13[%get3A_363] {strides = array<i32>} : memref<10752xf32, #tpu.memory_space<vmem>>, vector<16xf32>,
        %get3A_365 = arith.index_cast %mul3A_362 : i32 to index
        %get3A_366 = tpu.vector_load %arg14[%get3A_365] {strides = array<i32>} : memref<10752xf32, #tpu.memory_space<vmem>>, vector<16xf32>,
        %mul3A_367 = vector.broadcast %reduce_sum3A_186 : f32 to vector<16xf32>
        %mul3A_368 = arith.mulf %mul3A_367, %get3A_366 : vector<16xf32>
        %add3A_369 = arith.addf %get3A_364, %mul3A_368 : vector<16xf32>
        %mul3A_370 = vector.broadcast %reduce_sum3A_274 : f32 to vector<16xf32>
        %mul3A_371 = arith.mulf %add3A_369, %mul3A_370 : vector<16xf32>
        %swap3A = arith.constant 0 : i32
        %swap3A_372 = arith.index_cast %swap3A : i32 to index
        %swap3A_373 = arith.index_cast %mul3A_362 : i32 to index
        %swap3A_374 = tpu.vector_load %arg12[%swap3A_372, %swap3A_373] {strides = array<i32>} : memref<8x10752xf32, #tpu.memory_space<vmem>>, vector<16xf32>,
        tpu.vector_store %arg12[%swap3A_372, %swap3A_373], %mul3A_371 {strides = array<i32>} : memref<8x10752xf32, #tpu.memory_space<vmem>>, vector<16xf32>,
        %mul3A_375 = vector.broadcast %reduce_sum3A_197 : f32 to vector<16xf32>
        %mul3A_376 = arith.mulf %mul3A_375, %get3A_366 : vector<16xf32>
        %add3A_377 = arith.addf %get3A_364, %mul3A_376 : vector<16xf32>
        %mul3A_378 = vector.broadcast %reduce_sum3A_285 : f32 to vector<16xf32>
        %mul3A_379 = arith.mulf %add3A_377, %mul3A_378 : vector<16xf32>
        %swap3A_380 = arith.constant 1 : i32
        %swap3A_381 = arith.index_cast %swap3A_380 : i32 to index
        %swap3A_382 = arith.index_cast %mul3A_362 : i32 to index
        %swap3A_383 = tpu.vector_load %arg12[%swap3A_381, %swap3A_382] {strides = array<i32>} : memref<8x10752xf32, #tpu.memory_space<vmem>>, vector<16xf32>,
        tpu.vector_store %arg12[%swap3A_381, %swap3A_382], %mul3A_379 {strides = array<i32>} : memref<8x10752xf32, #tpu.memory_space<vmem>>, vector<16xf32>,
        %mul3A_384 = vector.broadcast %reduce_sum3A_208 : f32 to vector<16xf32>
        %mul3A_385 = arith.mulf %mul3A_384, %get3A_366 : vector<16xf32>
        %add3A_386 = arith.addf %get3A_364, %mul3A_385 : vector<16xf32>
        %mul3A_387 = vector.broadcast %reduce_sum3A_296 : f32 to vector<16xf32>
        %mul3A_388 = arith.mulf %add3A_386, %mul3A_387 : vector<16xf32>
        %swap3A_389 = arith.constant 2 : i32
        %swap3A_390 = arith.index_cast %swap3A_389 : i32 to index
        %swap3A_391 = arith.index_cast %mul3A_362 : i32 to index
        %swap3A_392 = tpu.vector_load %arg12[%swap3A_390, %swap3A_391] {strides = array<i32>} : memref<8x10752xf32, #tpu.memory_space<vmem>>, vector<16xf32>,
        tpu.vector_store %arg12[%swap3A_390, %swap3A_391], %mul3A_388 {strides = array<i32>} : memref<8x10752xf32, #tpu.memory_space<vmem>>, vector<16xf32>,
        %mul3A_393 = vector.broadcast %reduce_sum3A_219 : f32 to vector<16xf32>
        %mul3A_394 = arith.mulf %mul3A_393, %get3A_366 : vector<16xf32>
        %add3A_395 = arith.addf %get3A_364, %mul3A_394 : vector<16xf32>
        %mul3A_396 = vector.broadcast %reduce_sum3A_307 : f32 to vector<16xf32>
        %mul3A_397 = arith.mulf %add3A_395, %mul3A_396 : vector<16xf32>
        %swap3A_398 = arith.constant 3 : i32
        %swap3A_399 = arith.index_cast %swap3A_398 : i32 to index
        %swap3A_400 = arith.index_cast %mul3A_362 : i32 to index
        %swap3A_401 = tpu.vector_load %arg12[%swap3A_399, %swap3A_400] {strides = array<i32>} : memref<8x10752xf32, #tpu.memory_space<vmem>>, vector<16xf32>,
        tpu.vector_store %arg12[%swap3A_399, %swap3A_400], %mul3A_397 {strides = array<i32>} : memref<8x10752xf32, #tpu.memory_space<vmem>>, vector<16xf32>,
        %mul3A_402 = vector.broadcast %reduce_sum3A_230 : f32 to vector<16xf32>
        %mul3A_403 = arith.mulf %mul3A_402, %get3A_366 : vector<16xf32>
        %add3A_404 = arith.addf %get3A_364, %mul3A_403 : vector<16xf32>
        %mul3A_405 = vector.broadcast %reduce_sum3A_318 : f32 to vector<16xf32>
        %mul3A_406 = arith.mulf %add3A_404, %mul3A_405 : vector<16xf32>
        %swap3A_407 = arith.constant 4 : i32
        %swap3A_408 = arith.index_cast %swap3A_407 : i32 to index
        %swap3A_409 = arith.index_cast %mul3A_362 : i32 to index
        %swap3A_410 = tpu.vector_load %arg12[%swap3A_408, %swap3A_409] {strides = array<i32>} : memref<8x10752xf32, #tpu.memory_space<vmem>>, vector<16xf32>,
        tpu.vector_store %arg12[%swap3A_408, %swap3A_409], %mul3A_406 {strides = array<i32>} : memref<8x10752xf32, #tpu.memory_space<vmem>>, vector<16xf32>,
        %mul3A_411 = vector.broadcast %reduce_sum3A_241 : f32 to vector<16xf32>
        %mul3A_412 = arith.mulf %mul3A_411, %get3A_366 : vector<16xf32>
        %add3A_413 = arith.addf %get3A_364, %mul3A_412 : vector<16xf32>
        %mul3A_414 = vector.broadcast %reduce_sum3A_329 : f32 to vector<16xf32>
        %mul3A_415 = arith.mulf %add3A_413, %mul3A_414 : vector<16xf32>
        %swap3A_416 = arith.constant 5 : i32
        %swap3A_417 = arith.index_cast %swap3A_416 : i32 to index
        %swap3A_418 = arith.index_cast %mul3A_362 : i32 to index
        %swap3A_419 = tpu.vector_load %arg12[%swap3A_417, %swap3A_418] {strides = array<i32>} : memref<8x10752xf32, #tpu.memory_space<vmem>>, vector<16xf32>,
        tpu.vector_store %arg12[%swap3A_417, %swap3A_418], %mul3A_415 {strides = array<i32>} : memref<8x10752xf32, #tpu.memory_space<vmem>>, vector<16xf32>,
        %mul3A_420 = vector.broadcast %reduce_sum3A_252 : f32 to vector<16xf32>
        %mul3A_421 = arith.mulf %mul3A_420, %get3A_366 : vector<16xf32>
        %add3A_422 = arith.addf %get3A_364, %mul3A_421 : vector<16xf32>
        %mul3A_423 = vector.broadcast %reduce_sum3A_340 : f32 to vector<16xf32>
        %mul3A_424 = arith.mulf %add3A_422, %mul3A_423 : vector<16xf32>
        %swap3A_425 = arith.constant 6 : i32
        %swap3A_426 = arith.index_cast %swap3A_425 : i32 to index
        %swap3A_427 = arith.index_cast %mul3A_362 : i32 to index
        %swap3A_428 = tpu.vector_load %arg12[%swap3A_426, %swap3A_427] {strides = array<i32>} : memref<8x10752xf32, #tpu.memory_space<vmem>>, vector<16xf32>,
        tpu.vector_store %arg12[%swap3A_426, %swap3A_427], %mul3A_424 {strides = array<i32>} : memref<8x10752xf32, #tpu.memory_space<vmem>>, vector<16xf32>,
        %mul3A_429 = vector.broadcast %reduce_sum3A_263 : f32 to vector<16xf32>
        %mul3A_430 = arith.mulf %mul3A_429, %get3A_366 : vector<16xf32>
        %add3A_431 = arith.addf %get3A_364, %mul3A_430 : vector<16xf32>
        %mul3A_432 = vector.broadcast %reduce_sum3A_351 : f32 to vector<16xf32>
        %mul3A_433 = arith.mulf %add3A_431, %mul3A_432 : vector<16xf32>
        %swap3A_434 = arith.constant 7 : i32
        %swap3A_435 = arith.index_cast %swap3A_434 : i32 to index
        %swap3A_436 = arith.index_cast %mul3A_362 : i32 to index
        %swap3A_437 = tpu.vector_load %arg12[%swap3A_435, %swap3A_436] {strides = array<i32>} : memref<8x10752xf32, #tpu.memory_space<vmem>>, vector<16xf32>,
        tpu.vector_store %arg12[%swap3A_435, %swap3A_436], %mul3A_433 {strides = array<i32>} : memref<8x10752xf32, #tpu.memory_space<vmem>>, vector<16xf32>,
        %scan3A_438 = arith.constant 0 : i32
        %scan3A_439 = arith.constant 1 : i32
        %scan3A_440 = arith.addi %scan3A_359, %scan3A_439 : i32
        %mul3A_441 = arith.constant 16 : i32
        %mul3A_442 = arith.muli %scan3A_440, %mul3A_441 : i32
        %get3A_443 = arith.index_cast %mul3A_442 : i32 to index
        %get3A_444 = tpu.vector_load %arg13[%get3A_443] {strides = array<i32>} : memref<10752xf32, #tpu.memory_space<vmem>>, vector<16xf32>,
        %get3A_445 = arith.index_cast %mul3A_442 : i32 to index
        %get3A_446 = tpu.vector_load %arg14[%get3A_445] {strides = array<i32>} : memref<10752xf32, #tpu.memory_space<vmem>>, vector<16xf32>,
        %mul3A_447 = vector.broadcast %reduce_sum3A_186 : f32 to vector<16xf32>
        %mul3A_448 = arith.mulf %mul3A_447, %get3A_446 : vector<16xf32>
        %add3A_449 = arith.addf %get3A_444, %mul3A_448 : vector<16xf32>
        %mul3A_450 = vector.broadcast %reduce_sum3A_274 : f32 to vector<16xf32>
        %mul3A_451 = arith.mulf %add3A_449, %mul3A_450 : vector<16xf32>
        %swap3A_452 = arith.constant 0 : i32
        %swap3A_453 = arith.index_cast %swap3A_452 : i32 to index
        %swap3A_454 = arith.index_cast %mul3A_442 : i32 to index
        %swap3A_455 = tpu.vector_load %arg12[%swap3A_453, %swap3A_454] {strides = array<i32>} : memref<8x10752xf32, #tpu.memory_space<vmem>>, vector<16xf32>,
        tpu.vector_store %arg12[%swap3A_453, %swap3A_454], %mul3A_451 {strides = array<i32>} : memref<8x10752xf32, #tpu.memory_space<vmem>>, vector<16xf32>,
        %mul3A_456 = vector.broadcast %reduce_sum3A_197 : f32 to vector<16xf32>
        %mul3A_457 = arith.mulf %mul3A_456, %get3A_446 : vector<16xf32>
        %add3A_458 = arith.addf %get3A_444, %mul3A_457 : vector<16xf32>
        %mul3A_459 = vector.broadcast %reduce_sum3A_285 : f32 to vector<16xf32>
        %mul3A_460 = arith.mulf %add3A_458, %mul3A_459 : vector<16xf32>
        %swap3A_461 = arith.constant 1 : i32
        %swap3A_462 = arith.index_cast %swap3A_461 : i32 to index
        %swap3A_463 = arith.index_cast %mul3A_442 : i32 to index
        %swap3A_464 = tpu.vector_load %arg12[%swap3A_462, %swap3A_463] {strides = array<i32>} : memref<8x10752xf32, #tpu.memory_space<vmem>>, vector<16xf32>,
        tpu.vector_store %arg12[%swap3A_462, %swap3A_463], %mul3A_460 {strides = array<i32>} : memref<8x10752xf32, #tpu.memory_space<vmem>>, vector<16xf32>,
        %mul3A_465 = vector.broadcast %reduce_sum3A_208 : f32 to vector<16xf32>
        %mul3A_466 = arith.mulf %mul3A_465, %get3A_446 : vector<16xf32>
        %add3A_467 = arith.addf %get3A_444, %mul3A_466 : vector<16xf32>
        %mul3A_468 = vector.broadcast %reduce_sum3A_296 : f32 to vector<16xf32>
        %mul3A_469 = arith.mulf %add3A_467, %mul3A_468 : vector<16xf32>
        %swap3A_470 = arith.constant 2 : i32
        %swap3A_471 = arith.index_cast %swap3A_470 : i32 to index
        %swap3A_472 = arith.index_cast %mul3A_442 : i32 to index
        %swap3A_473 = tpu.vector_load %arg12[%swap3A_471, %swap3A_472] {strides = array<i32>} : memref<8x10752xf32, #tpu.memory_space<vmem>>, vector<16xf32>,
        tpu.vector_store %arg12[%swap3A_471, %swap3A_472], %mul3A_469 {strides = array<i32>} : memref<8x10752xf32, #tpu.memory_space<vmem>>, vector<16xf32>,
        %mul3A_474 = vector.broadcast %reduce_sum3A_219 : f32 to vector<16xf32>
        %mul3A_475 = arith.mulf %mul3A_474, %get3A_446 : vector<16xf32>
        %add3A_476 = arith.addf %get3A_444, %mul3A_475 : vector<16xf32>
        %mul3A_477 = vector.broadcast %reduce_sum3A_307 : f32 to vector<16xf32>
        %mul3A_478 = arith.mulf %add3A_476, %mul3A_477 : vector<16xf32>
        %swap3A_479 = arith.constant 3 : i32
        %swap3A_480 = arith.index_cast %swap3A_479 : i32 to index
        %swap3A_481 = arith.index_cast %mul3A_442 : i32 to index
        %swap3A_482 = tpu.vector_load %arg12[%swap3A_480, %swap3A_481] {strides = array<i32>} : memref<8x10752xf32, #tpu.memory_space<vmem>>, vector<16xf32>,
        tpu.vector_store %arg12[%swap3A_480, %swap3A_481], %mul3A_478 {strides = array<i32>} : memref<8x10752xf32, #tpu.memory_space<vmem>>, vector<16xf32>,
        %mul3A_483 = vector.broadcast %reduce_sum3A_230 : f32 to vector<16xf32>
        %mul3A_484 = arith.mulf %mul3A_483, %get3A_446 : vector<16xf32>
        %add3A_485 = arith.addf %get3A_444, %mul3A_484 : vector<16xf32>
        %mul3A_486 = vector.broadcast %reduce_sum3A_318 : f32 to vector<16xf32>
        %mul3A_487 = arith.mulf %add3A_485, %mul3A_486 : vector<16xf32>
        %swap3A_488 = arith.constant 4 : i32
        %swap3A_489 = arith.index_cast %swap3A_488 : i32 to index
        %swap3A_490 = arith.index_cast %mul3A_442 : i32 to index
        %swap3A_491 = tpu.vector_load %arg12[%swap3A_489, %swap3A_490] {strides = array<i32>} : memref<8x10752xf32, #tpu.memory_space<vmem>>, vector<16xf32>,
        tpu.vector_store %arg12[%swap3A_489, %swap3A_490], %mul3A_487 {strides = array<i32>} : memref<8x10752xf32, #tpu.memory_space<vmem>>, vector<16xf32>,
        %mul3A_492 = vector.broadcast %reduce_sum3A_241 : f32 to vector<16xf32>
        %mul3A_493 = arith.mulf %mul3A_492, %get3A_446 : vector<16xf32>
        %add3A_494 = arith.addf %get3A_444, %mul3A_493 : vector<16xf32>
        %mul3A_495 = vector.broadcast %reduce_sum3A_329 : f32 to vector<16xf32>
        %mul3A_496 = arith.mulf %add3A_494, %mul3A_495 : vector<16xf32>
        %swap3A_497 = arith.constant 5 : i32
        %swap3A_498 = arith.index_cast %swap3A_497 : i32 to index
        %swap3A_499 = arith.index_cast %mul3A_442 : i32 to index
        %swap3A_500 = tpu.vector_load %arg12[%swap3A_498, %swap3A_499] {strides = array<i32>} : memref<8x10752xf32, #tpu.memory_space<vmem>>, vector<16xf32>,
        tpu.vector_store %arg12[%swap3A_498, %swap3A_499], %mul3A_496 {strides = array<i32>} : memref<8x10752xf32, #tpu.memory_space<vmem>>, vector<16xf32>,
        %mul3A_501 = vector.broadcast %reduce_sum3A_252 : f32 to vector<16xf32>
        %mul3A_502 = arith.mulf %mul3A_501, %get3A_446 : vector<16xf32>
        %add3A_503 = arith.addf %get3A_444, %mul3A_502 : vector<16xf32>
        %mul3A_504 = vector.broadcast %reduce_sum3A_340 : f32 to vector<16xf32>
        %mul3A_505 = arith.mulf %add3A_503, %mul3A_504 : vector<16xf32>
        %swap3A_506 = arith.constant 6 : i32
        %swap3A_507 = arith.index_cast %swap3A_506 : i32 to index
        %swap3A_508 = arith.index_cast %mul3A_442 : i32 to index
        %swap3A_509 = tpu.vector_load %arg12[%swap3A_507, %swap3A_508] {strides = array<i32>} : memref<8x10752xf32, #tpu.memory_space<vmem>>, vector<16xf32>,
        tpu.vector_store %arg12[%swap3A_507, %swap3A_508], %mul3A_505 {strides = array<i32>} : memref<8x10752xf32, #tpu.memory_space<vmem>>, vector<16xf32>,
        %mul3A_510 = vector.broadcast %reduce_sum3A_263 : f32 to vector<16xf32>
        %mul3A_511 = arith.mulf %mul3A_510, %get3A_446 : vector<16xf32>
        %add3A_512 = arith.addf %get3A_444, %mul3A_511 : vector<16xf32>
        %mul3A_513 = vector.broadcast %reduce_sum3A_351 : f32 to vector<16xf32>
        %mul3A_514 = arith.mulf %add3A_512, %mul3A_513 : vector<16xf32>
        %swap3A_515 = arith.constant 7 : i32
        %swap3A_516 = arith.index_cast %swap3A_515 : i32 to index
        %swap3A_517 = arith.index_cast %mul3A_442 : i32 to index
        %swap3A_518 = tpu.vector_load %arg12[%swap3A_516, %swap3A_517] {strides = array<i32>} : memref<8x10752xf32, #tpu.memory_space<vmem>>, vector<16xf32>,
        tpu.vector_store %arg12[%swap3A_516, %swap3A_517], %mul3A_514 {strides = array<i32>} : memref<8x10752xf32, #tpu.memory_space<vmem>>, vector<16xf32>,
        %scan3A_519 = arith.constant 0 : i32
        %scan3A_520 = arith.constant 2 : i32
        %scan3A_521 = arith.addi %scan3A_359, %scan3A_520 : i32
        %mul3A_522 = arith.constant 16 : i32
        %mul3A_523 = arith.muli %scan3A_521, %mul3A_522 : i32
        %get3A_524 = arith.index_cast %mul3A_523 : i32 to index
        %get3A_525 = tpu.vector_load %arg13[%get3A_524] {strides = array<i32>} : memref<10752xf32, #tpu.memory_space<vmem>>, vector<16xf32>,
        %get3A_526 = arith.index_cast %mul3A_523 : i32 to index
        %get3A_527 = tpu.vector_load %arg14[%get3A_526] {strides = array<i32>} : memref<10752xf32, #tpu.memory_space<vmem>>, vector<16xf32>,
        %mul3A_528 = vector.broadcast %reduce_sum3A_186 : f32 to vector<16xf32>
        %mul3A_529 = arith.mulf %mul3A_528, %get3A_527 : vector<16xf32>
        %add3A_530 = arith.addf %get3A_525, %mul3A_529 : vector<16xf32>
        %mul3A_531 = vector.broadcast %reduce_sum3A_274 : f32 to vector<16xf32>
        %mul3A_532 = arith.mulf %add3A_530, %mul3A_531 : vector<16xf32>
        %swap3A_533 = arith.constant 0 : i32
        %swap3A_534 = arith.index_cast %swap3A_533 : i32 to index
        %swap3A_535 = arith.index_cast %mul3A_523 : i32 to index
        %swap3A_536 = tpu.vector_load %arg12[%swap3A_534, %swap3A_535] {strides = array<i32>} : memref<8x10752xf32, #tpu.memory_space<vmem>>, vector<16xf32>,
        tpu.vector_store %arg12[%swap3A_534, %swap3A_535], %mul3A_532 {strides = array<i32>} : memref<8x10752xf32, #tpu.memory_space<vmem>>, vector<16xf32>,
        %mul3A_537 = vector.broadcast %reduce_sum3A_197 : f32 to vector<16xf32>
        %mul3A_538 = arith.mulf %mul3A_537, %get3A_527 : vector<16xf32>
        %add3A_539 = arith.addf %get3A_525, %mul3A_538 : vector<16xf32>
        %mul3A_540 = vector.broadcast %reduce_sum3A_285 : f32 to vector<16xf32>
        %mul3A_541 = arith.mulf %add3A_539, %mul3A_540 : vector<16xf32>
        %swap3A_542 = arith.constant 1 : i32
        %swap3A_543 = arith.index_cast %swap3A_542 : i32 to index
        %swap3A_544 = arith.index_cast %mul3A_523 : i32 to index
        %swap3A_545 = tpu.vector_load %arg12[%swap3A_543, %swap3A_544] {strides = array<i32>} : memref<8x10752xf32, #tpu.memory_space<vmem>>, vector<16xf32>,
        tpu.vector_store %arg12[%swap3A_543, %swap3A_544], %mul3A_541 {strides = array<i32>} : memref<8x10752xf32, #tpu.memory_space<vmem>>, vector<16xf32>,
        %mul3A_546 = vector.broadcast %reduce_sum3A_208 : f32 to vector<16xf32>
        %mul3A_547 = arith.mulf %mul3A_546, %get3A_527 : vector<16xf32>
        %add3A_548 = arith.addf %get3A_525, %mul3A_547 : vector<16xf32>
        %mul3A_549 = vector.broadcast %reduce_sum3A_296 : f32 to vector<16xf32>
        %mul3A_550 = arith.mulf %add3A_548, %mul3A_549 : vector<16xf32>
        %swap3A_551 = arith.constant 2 : i32
        %swap3A_552 = arith.index_cast %swap3A_551 : i32 to index
        %swap3A_553 = arith.index_cast %mul3A_523 : i32 to index
        %swap3A_554 = tpu.vector_load %arg12[%swap3A_552, %swap3A_553] {strides = array<i32>} : memref<8x10752xf32, #tpu.memory_space<vmem>>, vector<16xf32>,
        tpu.vector_store %arg12[%swap3A_552, %swap3A_553], %mul3A_550 {strides = array<i32>} : memref<8x10752xf32, #tpu.memory_space<vmem>>, vector<16xf32>,
        %mul3A_555 = vector.broadcast %reduce_sum3A_219 : f32 to vector<16xf32>
        %mul3A_556 = arith.mulf %mul3A_555, %get3A_527 : vector<16xf32>
        %add3A_557 = arith.addf %get3A_525, %mul3A_556 : vector<16xf32>
        %mul3A_558 = vector.broadcast %reduce_sum3A_307 : f32 to vector<16xf32>
        %mul3A_559 = arith.mulf %add3A_557, %mul3A_558 : vector<16xf32>
        %swap3A_560 = arith.constant 3 : i32
        %swap3A_561 = arith.index_cast %swap3A_560 : i32 to index
        %swap3A_562 = arith.index_cast %mul3A_523 : i32 to index
        %swap3A_563 = tpu.vector_load %arg12[%swap3A_561, %swap3A_562] {strides = array<i32>} : memref<8x10752xf32, #tpu.memory_space<vmem>>, vector<16xf32>,
        tpu.vector_store %arg12[%swap3A_561, %swap3A_562], %mul3A_559 {strides = array<i32>} : memref<8x10752xf32, #tpu.memory_space<vmem>>, vector<16xf32>,
        %mul3A_564 = vector.broadcast %reduce_sum3A_230 : f32 to vector<16xf32>
        %mul3A_565 = arith.mulf %mul3A_564, %get3A_527 : vector<16xf32>
        %add3A_566 = arith.addf %get3A_525, %mul3A_565 : vector<16xf32>
        %mul3A_567 = vector.broadcast %reduce_sum3A_318 : f32 to vector<16xf32>
        %mul3A_568 = arith.mulf %add3A_566, %mul3A_567 : vector<16xf32>
        %swap3A_569 = arith.constant 4 : i32
        %swap3A_570 = arith.index_cast %swap3A_569 : i32 to index
        %swap3A_571 = arith.index_cast %mul3A_523 : i32 to index
        %swap3A_572 = tpu.vector_load %arg12[%swap3A_570, %swap3A_571] {strides = array<i32>} : memref<8x10752xf32, #tpu.memory_space<vmem>>, vector<16xf32>,
        tpu.vector_store %arg12[%swap3A_570, %swap3A_571], %mul3A_568 {strides = array<i32>} : memref<8x10752xf32, #tpu.memory_space<vmem>>, vector<16xf32>,
        %mul3A_573 = vector.broadcast %reduce_sum3A_241 : f32 to vector<16xf32>
        %mul3A_574 = arith.mulf %mul3A_573, %get3A_527 : vector<16xf32>
        %add3A_575 = arith.addf %get3A_525, %mul3A_574 : vector<16xf32>
        %mul3A_576 = vector.broadcast %reduce_sum3A_329 : f32 to vector<16xf32>
        %mul3A_577 = arith.mulf %add3A_575, %mul3A_576 : vector<16xf32>
        %swap3A_578 = arith.constant 5 : i32
        %swap3A_579 = arith.index_cast %swap3A_578 : i32 to index
        %swap3A_580 = arith.index_cast %mul3A_523 : i32 to index
        %swap3A_581 = tpu.vector_load %arg12[%swap3A_579, %swap3A_580] {strides = array<i32>} : memref<8x10752xf32, #tpu.memory_space<vmem>>, vector<16xf32>,
        tpu.vector_store %arg12[%swap3A_579, %swap3A_580], %mul3A_577 {strides = array<i32>} : memref<8x10752xf32, #tpu.memory_space<vmem>>, vector<16xf32>,
        %mul3A_582 = vector.broadcast %reduce_sum3A_252 : f32 to vector<16xf32>
        %mul3A_583 = arith.mulf %mul3A_582, %get3A_527 : vector<16xf32>
        %add3A_584 = arith.addf %get3A_525, %mul3A_583 : vector<16xf32>
        %mul3A_585 = vector.broadcast %reduce_sum3A_340 : f32 to vector<16xf32>
        %mul3A_586 = arith.mulf %add3A_584, %mul3A_585 : vector<16xf32>
        %swap3A_587 = arith.constant 6 : i32
        %swap3A_588 = arith.index_cast %swap3A_587 : i32 to index
        %swap3A_589 = arith.index_cast %mul3A_523 : i32 to index
        %swap3A_590 = tpu.vector_load %arg12[%swap3A_588, %swap3A_589] {strides = array<i32>} : memref<8x10752xf32, #tpu.memory_space<vmem>>, vector<16xf32>,
        tpu.vector_store %arg12[%swap3A_588, %swap3A_589], %mul3A_586 {strides = array<i32>} : memref<8x10752xf32, #tpu.memory_space<vmem>>, vector<16xf32>,
        %mul3A_591 = vector.broadcast %reduce_sum3A_263 : f32 to vector<16xf32>
        %mul3A_592 = arith.mulf %mul3A_591, %get3A_527 : vector<16xf32>
        %add3A_593 = arith.addf %get3A_525, %mul3A_592 : vector<16xf32>
        %mul3A_594 = vector.broadcast %reduce_sum3A_351 : f32 to vector<16xf32>
        %mul3A_595 = arith.mulf %add3A_593, %mul3A_594 : vector<16xf32>
        %swap3A_596 = arith.constant 7 : i32
        %swap3A_597 = arith.index_cast %swap3A_596 : i32 to index
        %swap3A_598 = arith.index_cast %mul3A_523 : i32 to index
        %swap3A_599 = tpu.vector_load %arg12[%swap3A_597, %swap3A_598] {strides = array<i32>} : memref<8x10752xf32, #tpu.memory_space<vmem>>, vector<16xf32>,
        tpu.vector_store %arg12[%swap3A_597, %swap3A_598], %mul3A_595 {strides = array<i32>} : memref<8x10752xf32, #tpu.memory_space<vmem>>, vector<16xf32>,
        %scan3A_600 = arith.constant 0 : i32
        %scan3A_601 = arith.constant 3 : i32
        %scan3A_602 = arith.addi %scan3A_359, %scan3A_601 : i32
        %mul3A_603 = arith.constant 16 : i32
        %mul3A_604 = arith.muli %scan3A_602, %mul3A_603 : i32
        %get3A_605 = arith.index_cast %mul3A_604 : i32 to index
        %get3A_606 = tpu.vector_load %arg13[%get3A_605] {strides = array<i32>} : memref<10752xf32, #tpu.memory_space<vmem>>, vector<16xf32>,
        %get3A_607 = arith.index_cast %mul3A_604 : i32 to index
        %get3A_608 = tpu.vector_load %arg14[%get3A_607] {strides = array<i32>} : memref<10752xf32, #tpu.memory_space<vmem>>, vector<16xf32>,
        %mul3A_609 = vector.broadcast %reduce_sum3A_186 : f32 to vector<16xf32>
        %mul3A_610 = arith.mulf %mul3A_609, %get3A_608 : vector<16xf32>
        %add3A_611 = arith.addf %get3A_606, %mul3A_610 : vector<16xf32>
        %mul3A_612 = vector.broadcast %reduce_sum3A_274 : f32 to vector<16xf32>
        %mul3A_613 = arith.mulf %add3A_611, %mul3A_612 : vector<16xf32>
        %swap3A_614 = arith.constant 0 : i32
        %swap3A_615 = arith.index_cast %swap3A_614 : i32 to index
        %swap3A_616 = arith.index_cast %mul3A_604 : i32 to index
        %swap3A_617 = tpu.vector_load %arg12[%swap3A_615, %swap3A_616] {strides = array<i32>} : memref<8x10752xf32, #tpu.memory_space<vmem>>, vector<16xf32>,
        tpu.vector_store %arg12[%swap3A_615, %swap3A_616], %mul3A_613 {strides = array<i32>} : memref<8x10752xf32, #tpu.memory_space<vmem>>, vector<16xf32>,
        %mul3A_618 = vector.broadcast %reduce_sum3A_197 : f32 to vector<16xf32>
        %mul3A_619 = arith.mulf %mul3A_618, %get3A_608 : vector<16xf32>
        %add3A_620 = arith.addf %get3A_606, %mul3A_619 : vector<16xf32>
        %mul3A_621 = vector.broadcast %reduce_sum3A_285 : f32 to vector<16xf32>
        %mul3A_622 = arith.mulf %add3A_620, %mul3A_621 : vector<16xf32>
        %swap3A_623 = arith.constant 1 : i32
        %swap3A_624 = arith.index_cast %swap3A_623 : i32 to index
        %swap3A_625 = arith.index_cast %mul3A_604 : i32 to index
        %swap3A_626 = tpu.vector_load %arg12[%swap3A_624, %swap3A_625] {strides = array<i32>} : memref<8x10752xf32, #tpu.memory_space<vmem>>, vector<16xf32>,
        tpu.vector_store %arg12[%swap3A_624, %swap3A_625], %mul3A_622 {strides = array<i32>} : memref<8x10752xf32, #tpu.memory_space<vmem>>, vector<16xf32>,
        %mul3A_627 = vector.broadcast %reduce_sum3A_208 : f32 to vector<16xf32>
        %mul3A_628 = arith.mulf %mul3A_627, %get3A_608 : vector<16xf32>
        %add3A_629 = arith.addf %get3A_606, %mul3A_628 : vector<16xf32>
        %mul3A_630 = vector.broadcast %reduce_sum3A_296 : f32 to vector<16xf32>
        %mul3A_631 = arith.mulf %add3A_629, %mul3A_630 : vector<16xf32>
        %swap3A_632 = arith.constant 2 : i32
        %swap3A_633 = arith.index_cast %swap3A_632 : i32 to index
        %swap3A_634 = arith.index_cast %mul3A_604 : i32 to index
        %swap3A_635 = tpu.vector_load %arg12[%swap3A_633, %swap3A_634] {strides = array<i32>} : memref<8x10752xf32, #tpu.memory_space<vmem>>, vector<16xf32>,
        tpu.vector_store %arg12[%swap3A_633, %swap3A_634], %mul3A_631 {strides = array<i32>} : memref<8x10752xf32, #tpu.memory_space<vmem>>, vector<16xf32>,
        %mul3A_636 = vector.broadcast %reduce_sum3A_219 : f32 to vector<16xf32>
        %mul3A_637 = arith.mulf %mul3A_636, %get3A_608 : vector<16xf32>
        %add3A_638 = arith.addf %get3A_606, %mul3A_637 : vector<16xf32>
        %mul3A_639 = vector.broadcast %reduce_sum3A_307 : f32 to vector<16xf32>
        %mul3A_640 = arith.mulf %add3A_638, %mul3A_639 : vector<16xf32>
        %swap3A_641 = arith.constant 3 : i32
        %swap3A_642 = arith.index_cast %swap3A_641 : i32 to index
        %swap3A_643 = arith.index_cast %mul3A_604 : i32 to index
        %swap3A_644 = tpu.vector_load %arg12[%swap3A_642, %swap3A_643] {strides = array<i32>} : memref<8x10752xf32, #tpu.memory_space<vmem>>, vector<16xf32>,
        tpu.vector_store %arg12[%swap3A_642, %swap3A_643], %mul3A_640 {strides = array<i32>} : memref<8x10752xf32, #tpu.memory_space<vmem>>, vector<16xf32>,
        %mul3A_645 = vector.broadcast %reduce_sum3A_230 : f32 to vector<16xf32>
        %mul3A_646 = arith.mulf %mul3A_645, %get3A_608 : vector<16xf32>
        %add3A_647 = arith.addf %get3A_606, %mul3A_646 : vector<16xf32>
        %mul3A_648 = vector.broadcast %reduce_sum3A_318 : f32 to vector<16xf32>
        %mul3A_649 = arith.mulf %add3A_647, %mul3A_648 : vector<16xf32>
        %swap3A_650 = arith.constant 4 : i32
        %swap3A_651 = arith.index_cast %swap3A_650 : i32 to index
        %swap3A_652 = arith.index_cast %mul3A_604 : i32 to index
        %swap3A_653 = tpu.vector_load %arg12[%swap3A_651, %swap3A_652] {strides = array<i32>} : memref<8x10752xf32, #tpu.memory_space<vmem>>, vector<16xf32>,
        tpu.vector_store %arg12[%swap3A_651, %swap3A_652], %mul3A_649 {strides = array<i32>} : memref<8x10752xf32, #tpu.memory_space<vmem>>, vector<16xf32>,
        %mul3A_654 = vector.broadcast %reduce_sum3A_241 : f32 to vector<16xf32>
        %mul3A_655 = arith.mulf %mul3A_654, %get3A_608 : vector<16xf32>
        %add3A_656 = arith.addf %get3A_606, %mul3A_655 : vector<16xf32>
        %mul3A_657 = vector.broadcast %reduce_sum3A_329 : f32 to vector<16xf32>
        %mul3A_658 = arith.mulf %add3A_656, %mul3A_657 : vector<16xf32>
        %swap3A_659 = arith.constant 5 : i32
        %swap3A_660 = arith.index_cast %swap3A_659 : i32 to index
        %swap3A_661 = arith.index_cast %mul3A_604 : i32 to index
        %swap3A_662 = tpu.vector_load %arg12[%swap3A_660, %swap3A_661] {strides = array<i32>} : memref<8x10752xf32, #tpu.memory_space<vmem>>, vector<16xf32>,
        tpu.vector_store %arg12[%swap3A_660, %swap3A_661], %mul3A_658 {strides = array<i32>} : memref<8x10752xf32, #tpu.memory_space<vmem>>, vector<16xf32>,
        %mul3A_663 = vector.broadcast %reduce_sum3A_252 : f32 to vector<16xf32>
        %mul3A_664 = arith.mulf %mul3A_663, %get3A_608 : vector<16xf32>
        %add3A_665 = arith.addf %get3A_606, %mul3A_664 : vector<16xf32>
        %mul3A_666 = vector.broadcast %reduce_sum3A_340 : f32 to vector<16xf32>
        %mul3A_667 = arith.mulf %add3A_665, %mul3A_666 : vector<16xf32>
        %swap3A_668 = arith.constant 6 : i32
        %swap3A_669 = arith.index_cast %swap3A_668 : i32 to index
        %swap3A_670 = arith.index_cast %mul3A_604 : i32 to index
        %swap3A_671 = tpu.vector_load %arg12[%swap3A_669, %swap3A_670] {strides = array<i32>} : memref<8x10752xf32, #tpu.memory_space<vmem>>, vector<16xf32>,
        tpu.vector_store %arg12[%swap3A_669, %swap3A_670], %mul3A_667 {strides = array<i32>} : memref<8x10752xf32, #tpu.memory_space<vmem>>, vector<16xf32>,
        %mul3A_672 = vector.broadcast %reduce_sum3A_263 : f32 to vector<16xf32>
        %mul3A_673 = arith.mulf %mul3A_672, %get3A_608 : vector<16xf32>
        %add3A_674 = arith.addf %get3A_606, %mul3A_673 : vector<16xf32>
        %mul3A_675 = vector.broadcast %reduce_sum3A_351 : f32 to vector<16xf32>
        %mul3A_676 = arith.mulf %add3A_674, %mul3A_675 : vector<16xf32>
        %swap3A_677 = arith.constant 7 : i32
        %swap3A_678 = arith.index_cast %swap3A_677 : i32 to index
        %swap3A_679 = arith.index_cast %mul3A_604 : i32 to index
        %swap3A_680 = tpu.vector_load %arg12[%swap3A_678, %swap3A_679] {strides = array<i32>} : memref<8x10752xf32, #tpu.memory_space<vmem>>, vector<16xf32>,
        tpu.vector_store %arg12[%swap3A_678, %swap3A_679], %mul3A_676 {strides = array<i32>} : memref<8x10752xf32, #tpu.memory_space<vmem>>, vector<16xf32>,
        %scan3A_681 = arith.constant 0 : i32
        scf.yield %scan3A_681 : i32
      }
      %scan3A_358 = arith.constant 672 : i32
      "tpu.region"() ({
        %run_scoped3A = tpu.sem_alloc : memref<!tpu.dma_semaphore, #tpu.memory_space<semaphore_mem>>
        %dma_start3A_359 = arith.constant 0 : i32
        %dma_start3A_360 = arith.constant 0 : i32
        %dma_start3A_361 = tpu.memref_slice %arg10[%dma_start3A_359, %dma_start3A_360] : memref<16x10752xf32, #tpu.memory_space<hbm>> -> memref<8x10752xf32, #tpu.memory_space<hbm>>
        %dma_start3A_362 = arith.constant 0 : i32
        %dma_start3A_363 = arith.constant 0 : i32
        %dma_start3A_364 = tpu.memref_slice %arg10[%dma_start3A_362, %dma_start3A_363] : memref<16x10752xf32, #tpu.memory_space<hbm>> -> memref<8x10752xf32, #tpu.memory_space<hbm>>
        tpu.enqueue_dma source(%arg12 : memref<8x10752xf32, #tpu.memory_space<vmem>>) target(%dma_start3A_364 : memref<8x10752xf32, #tpu.memory_space<hbm>>) target_semaphore(%run_scoped3A : memref<!tpu.dma_semaphore, #tpu.memory_space<semaphore_mem>>)
        %dma_wait3A_365 = arith.constant 0 : i32
        %dma_wait3A_366 = arith.constant 0 : i32
        %dma_wait3A_367 = tpu.memref_slice %arg10[%dma_wait3A_365, %dma_wait3A_366] : memref<16x10752xf32, #tpu.memory_space<hbm>> -> memref<8x10752xf32, #tpu.memory_space<hbm>>
        %dma_wait3A_368 = arith.constant 0 : i32
        %dma_wait3A_369 = arith.constant 0 : i32
        %dma_wait3A_370 = tpu.memref_slice %arg10[%dma_wait3A_368, %dma_wait3A_369] : memref<16x10752xf32, #tpu.memory_space<hbm>> -> memref<8x10752xf32, #tpu.memory_space<hbm>>
        tpu.wait_dma2 semaphore(%run_scoped3A : memref<!tpu.dma_semaphore, #tpu.memory_space<semaphore_mem>>) src(%arg12 : memref<8x10752xf32, #tpu.memory_space<vmem>>) dst(%dma_wait3A_370 : memref<8x10752xf32, #tpu.memory_space<hbm>>)
        tpu.yield
      }) : () -> ()
    } else {
    }
    %eq3A_4 = arith.constant 1 : i32
    %eq3A_5 = arith.cmpi eq, %arg0, %eq3A_4 : i32
    %eq3A_6 = arith.constant 0 : i32
    %eq3A_7 = arith.cmpi eq, %arg1, %eq3A_6 : i32
    %and3A_8 = arith.andi %eq3A_5, %eq3A_7 : i1
    %convert_element_type3A_9 = arith.extui %and3A_8 : i1 to i32
    %cond3A_10 = arith.constant 0 : i32
    %cond3A_11 = arith.cmpi ne, %convert_element_type3A_9, %cond3A_10 : i32
    scf.if %cond3A_11 {
      "tpu.region"() ({
        %run_scoped3A = tpu.sem_alloc : memref<!tpu.dma_semaphore, #tpu.memory_space<semaphore_mem>>
        %dma_start3A_359 = arith.constant 0 : i32
        %dma_start3A_360 = tpu.memref_slice %arg4[%dma_start3A_359] : memref<16xi32, #tpu.memory_space<hbm>> -> memref<8xi32, #tpu.memory_space<hbm>>
        %dma_start3A_361 = arith.constant 0 : i32
        %dma_start3A_362 = tpu.memref_slice %arg4[%dma_start3A_361] : memref<16xi32, #tpu.memory_space<hbm>> -> memref<8xi32, #tpu.memory_space<hbm>>
        tpu.enqueue_dma source(%dma_start3A_362 : memref<8xi32, #tpu.memory_space<hbm>>) target(%arg11 : memref<8xi32, #tpu.memory_space<vmem>>) target_semaphore(%run_scoped3A : memref<!tpu.dma_semaphore, #tpu.memory_space<semaphore_mem>>)
        %dma_wait3A_363 = arith.constant 0 : i32
        %dma_wait3A_364 = tpu.memref_slice %arg4[%dma_wait3A_363] : memref<16xi32, #tpu.memory_space<hbm>> -> memref<8xi32, #tpu.memory_space<hbm>>
        %dma_wait3A_365 = arith.constant 0 : i32
        %dma_wait3A_366 = tpu.memref_slice %arg4[%dma_wait3A_365] : memref<16xi32, #tpu.memory_space<hbm>> -> memref<8xi32, #tpu.memory_space<hbm>>
        tpu.wait_dma2 semaphore(%run_scoped3A : memref<!tpu.dma_semaphore, #tpu.memory_space<semaphore_mem>>) src(%dma_wait3A_366 : memref<8xi32, #tpu.memory_space<hbm>>) dst(%arg11 : memref<8xi32, #tpu.memory_space<vmem>>)
        tpu.yield
      }) : () -> ()
      "tpu.region"() ({
        %run_scoped3A = tpu.sem_alloc : memref<!tpu.dma_semaphore, #tpu.memory_space<semaphore_mem>>
        tpu.enqueue_dma source(%arg6 : memref<16xf32, #tpu.memory_space<hbm>>) target(%arg15 : memref<16xf32, #tpu.memory_space<vmem>>) target_semaphore(%run_scoped3A : memref<!tpu.dma_semaphore, #tpu.memory_space<semaphore_mem>>)
        tpu.wait_dma2 semaphore(%run_scoped3A : memref<!tpu.dma_semaphore, #tpu.memory_space<semaphore_mem>>) src(%arg6 : memref<16xf32, #tpu.memory_space<hbm>>) dst(%arg15 : memref<16xf32, #tpu.memory_space<vmem>>)
        tpu.yield
      }) : () -> ()
      "tpu.region"() ({
        %run_scoped3A = tpu.sem_alloc : memref<!tpu.dma_semaphore, #tpu.memory_space<semaphore_mem>>
        tpu.enqueue_dma source(%arg8 : memref<16xf32, #tpu.memory_space<hbm>>) target(%arg16 : memref<16xf32, #tpu.memory_space<vmem>>) target_semaphore(%run_scoped3A : memref<!tpu.dma_semaphore, #tpu.memory_space<semaphore_mem>>)
        tpu.wait_dma2 semaphore(%run_scoped3A : memref<!tpu.dma_semaphore, #tpu.memory_space<semaphore_mem>>) src(%arg8 : memref<16xf32, #tpu.memory_space<hbm>>) dst(%arg16 : memref<16xf32, #tpu.memory_space<vmem>>)
        tpu.yield
      }) : () -> ()
      "tpu.region"() ({
        %run_scoped3A = tpu.sem_alloc : memref<!tpu.dma_semaphore, #tpu.memory_space<semaphore_mem>>
        tpu.enqueue_dma source(%arg9 : memref<10752xf32, #tpu.memory_space<hbm>>) target(%arg14 : memref<10752xf32, #tpu.memory_space<vmem>>) target_semaphore(%run_scoped3A : memref<!tpu.dma_semaphore, #tpu.memory_space<semaphore_mem>>)
        tpu.wait_dma2 semaphore(%run_scoped3A : memref<!tpu.dma_semaphore, #tpu.memory_space<semaphore_mem>>) src(%arg9 : memref<10752xf32, #tpu.memory_space<hbm>>) dst(%arg14 : memref<10752xf32, #tpu.memory_space<vmem>>)
        tpu.yield
      }) : () -> ()
      %dma_start3A = arith.constant 0 : i32
      %dma_start3A_12 = arith.constant 0 : i32
      %dma_start3A_13 = tpu.memref_slice %arg2[%dma_start3A, %dma_start3A_12] : memref<10752x10752xf32, #tpu.memory_space<hbm>> -> memref<10752x10752xf32, #tpu.memory_space<hbm>>
      tpu.enqueue_indirect_dma source(%dma_start3A_13 : memref<10752x10752xf32, #tpu.memory_space<hbm>>) target(%arg12 : memref<8x10752xf32, #tpu.memory_space<vmem>>) offsets(%arg11 : memref<8xi32, #tpu.memory_space<vmem>>) semaphore(%arg17 : memref<!tpu.dma_semaphore, #tpu.memory_space<semaphore_mem>>)
      %dma_wait3A = arith.constant 0 : i32
      %dma_wait3A_14 = arith.constant 0 : i32
      %dma_wait3A_15 = tpu.memref_slice %arg2[%dma_wait3A, %dma_wait3A_14] : memref<10752x10752xf32, #tpu.memory_space<hbm>> -> memref<10752x10752xf32, #tpu.memory_space<hbm>>
      tpu.wait_indirect_dma semaphore(%arg17 : memref<!tpu.dma_semaphore, #tpu.memory_space<semaphore_mem>>) src(%dma_wait3A_15 : memref<10752x10752xf32, #tpu.memory_space<hbm>>) dst(%arg12 : memref<8x10752xf32, #tpu.memory_space<vmem>>)
      %get3A = arith.constant 0 : index
      %get3A_16 = tpu.vector_load %arg15[%get3A] {strides = array<i32>} : memref<16xf32, #tpu.memory_space<vmem>>, vector<16xf32>,
      %get3A_17 = arith.constant 0 : index
      %get3A_18 = tpu.vector_load %arg16[%get3A_17] {strides = array<i32>} : memref<16xf32, #tpu.memory_space<vmem>>, vector<16xf32>,
      %broadcast_in_dim3A = arith.constant 0.000000e+00 : f32
      %broadcast_in_dim3A_19 = vector.broadcast %broadcast_in_dim3A : f32 to vector<16xf32>
      %iota3A = tpu.iota {dimensions = array<i32: 0>} : vector<16xi32>
      %eq3A_20 = arith.constant 0 : i32
      %eq3A_21 = vector.broadcast %eq3A_20 : i32 to vector<16xi32>
      %eq3A_22 = arith.cmpi eq, %iota3A, %eq3A_21 : vector<16xi32>
      %jit3A = arith.constant 0.000000e+00 : f32
      %broadcast_in_dim3A_23 = vector.broadcast %jit3A : f32 to vector<16xf32>
      %select_n3A = arith.select %eq3A_22, %get3A_18, %broadcast_in_dim3A_23 : vector<16xi1>, vector<16xf32>
      %reduce_sum3A = arith.constant true
      %reduce_sum3A_24 = vector.broadcast %reduce_sum3A : i1 to vector<16xi1>
      %reduce_sum3A_25 = tpu.scan <sum>, %select_n3A masked %reduce_sum3A_24 : vector<16xf32>, vector<16xi1> -> vector<16xf32>
      %reduce_sum3A_26 = vector.extract %reduce_sum3A_25[15] : f32 from vector<16xf32>
      %iota3A_27 = tpu.iota {dimensions = array<i32: 0>} : vector<16xi32>
      %eq3A_28 = arith.constant 1 : i32
      %eq3A_29 = vector.broadcast %eq3A_28 : i32 to vector<16xi32>
      %eq3A_30 = arith.cmpi eq, %iota3A_27, %eq3A_29 : vector<16xi32>
      %jit3A_31 = arith.constant 0.000000e+00 : f32
      %broadcast_in_dim3A_32 = vector.broadcast %jit3A_31 : f32 to vector<16xf32>
      %select_n3A_33 = arith.select %eq3A_30, %get3A_18, %broadcast_in_dim3A_32 : vector<16xi1>, vector<16xf32>
      %reduce_sum3A_34 = arith.constant true
      %reduce_sum3A_35 = vector.broadcast %reduce_sum3A_34 : i1 to vector<16xi1>
      %reduce_sum3A_36 = tpu.scan <sum>, %select_n3A_33 masked %reduce_sum3A_35 : vector<16xf32>, vector<16xi1> -> vector<16xf32>
      %reduce_sum3A_37 = vector.extract %reduce_sum3A_36[15] : f32 from vector<16xf32>
      %iota3A_38 = tpu.iota {dimensions = array<i32: 0>} : vector<16xi32>
      %eq3A_39 = arith.constant 2 : i32
      %eq3A_40 = vector.broadcast %eq3A_39 : i32 to vector<16xi32>
      %eq3A_41 = arith.cmpi eq, %iota3A_38, %eq3A_40 : vector<16xi32>
      %jit3A_42 = arith.constant 0.000000e+00 : f32
      %broadcast_in_dim3A_43 = vector.broadcast %jit3A_42 : f32 to vector<16xf32>
      %select_n3A_44 = arith.select %eq3A_41, %get3A_18, %broadcast_in_dim3A_43 : vector<16xi1>, vector<16xf32>
      %reduce_sum3A_45 = arith.constant true
      %reduce_sum3A_46 = vector.broadcast %reduce_sum3A_45 : i1 to vector<16xi1>
      %reduce_sum3A_47 = tpu.scan <sum>, %select_n3A_44 masked %reduce_sum3A_46 : vector<16xf32>, vector<16xi1> -> vector<16xf32>
      %reduce_sum3A_48 = vector.extract %reduce_sum3A_47[15] : f32 from vector<16xf32>
      %iota3A_49 = tpu.iota {dimensions = array<i32: 0>} : vector<16xi32>
      %eq3A_50 = arith.constant 3 : i32
      %eq3A_51 = vector.broadcast %eq3A_50 : i32 to vector<16xi32>
      %eq3A_52 = arith.cmpi eq, %iota3A_49, %eq3A_51 : vector<16xi32>
      %jit3A_53 = arith.constant 0.000000e+00 : f32
      %broadcast_in_dim3A_54 = vector.broadcast %jit3A_53 : f32 to vector<16xf32>
      %select_n3A_55 = arith.select %eq3A_52, %get3A_18, %broadcast_in_dim3A_54 : vector<16xi1>, vector<16xf32>
      %reduce_sum3A_56 = arith.constant true
      %reduce_sum3A_57 = vector.broadcast %reduce_sum3A_56 : i1 to vector<16xi1>
      %reduce_sum3A_58 = tpu.scan <sum>, %select_n3A_55 masked %reduce_sum3A_57 : vector<16xf32>, vector<16xi1> -> vector<16xf32>
      %reduce_sum3A_59 = vector.extract %reduce_sum3A_58[15] : f32 from vector<16xf32>
      %iota3A_60 = tpu.iota {dimensions = array<i32: 0>} : vector<16xi32>
      %eq3A_61 = arith.constant 4 : i32
      %eq3A_62 = vector.broadcast %eq3A_61 : i32 to vector<16xi32>
      %eq3A_63 = arith.cmpi eq, %iota3A_60, %eq3A_62 : vector<16xi32>
      %jit3A_64 = arith.constant 0.000000e+00 : f32
      %broadcast_in_dim3A_65 = vector.broadcast %jit3A_64 : f32 to vector<16xf32>
      %select_n3A_66 = arith.select %eq3A_63, %get3A_18, %broadcast_in_dim3A_65 : vector<16xi1>, vector<16xf32>
      %reduce_sum3A_67 = arith.constant true
      %reduce_sum3A_68 = vector.broadcast %reduce_sum3A_67 : i1 to vector<16xi1>
      %reduce_sum3A_69 = tpu.scan <sum>, %select_n3A_66 masked %reduce_sum3A_68 : vector<16xf32>, vector<16xi1> -> vector<16xf32>
      %reduce_sum3A_70 = vector.extract %reduce_sum3A_69[15] : f32 from vector<16xf32>
      %iota3A_71 = tpu.iota {dimensions = array<i32: 0>} : vector<16xi32>
      %eq3A_72 = arith.constant 5 : i32
      %eq3A_73 = vector.broadcast %eq3A_72 : i32 to vector<16xi32>
      %eq3A_74 = arith.cmpi eq, %iota3A_71, %eq3A_73 : vector<16xi32>
      %jit3A_75 = arith.constant 0.000000e+00 : f32
      %broadcast_in_dim3A_76 = vector.broadcast %jit3A_75 : f32 to vector<16xf32>
      %select_n3A_77 = arith.select %eq3A_74, %get3A_18, %broadcast_in_dim3A_76 : vector<16xi1>, vector<16xf32>
      %reduce_sum3A_78 = arith.constant true
      %reduce_sum3A_79 = vector.broadcast %reduce_sum3A_78 : i1 to vector<16xi1>
      %reduce_sum3A_80 = tpu.scan <sum>, %select_n3A_77 masked %reduce_sum3A_79 : vector<16xf32>, vector<16xi1> -> vector<16xf32>
      %reduce_sum3A_81 = vector.extract %reduce_sum3A_80[15] : f32 from vector<16xf32>
      %iota3A_82 = tpu.iota {dimensions = array<i32: 0>} : vector<16xi32>
      %eq3A_83 = arith.constant 6 : i32
      %eq3A_84 = vector.broadcast %eq3A_83 : i32 to vector<16xi32>
      %eq3A_85 = arith.cmpi eq, %iota3A_82, %eq3A_84 : vector<16xi32>
      %jit3A_86 = arith.constant 0.000000e+00 : f32
      %broadcast_in_dim3A_87 = vector.broadcast %jit3A_86 : f32 to vector<16xf32>
      %select_n3A_88 = arith.select %eq3A_85, %get3A_18, %broadcast_in_dim3A_87 : vector<16xi1>, vector<16xf32>
      %reduce_sum3A_89 = arith.constant true
      %reduce_sum3A_90 = vector.broadcast %reduce_sum3A_89 : i1 to vector<16xi1>
      %reduce_sum3A_91 = tpu.scan <sum>, %select_n3A_88 masked %reduce_sum3A_90 : vector<16xf32>, vector<16xi1> -> vector<16xf32>
      %reduce_sum3A_92 = vector.extract %reduce_sum3A_91[15] : f32 from vector<16xf32>
      %iota3A_93 = tpu.iota {dimensions = array<i32: 0>} : vector<16xi32>
      %eq3A_94 = arith.constant 7 : i32
      %eq3A_95 = vector.broadcast %eq3A_94 : i32 to vector<16xi32>
      %eq3A_96 = arith.cmpi eq, %iota3A_93, %eq3A_95 : vector<16xi32>
      %jit3A_97 = arith.constant 0.000000e+00 : f32
      %broadcast_in_dim3A_98 = vector.broadcast %jit3A_97 : f32 to vector<16xf32>
      %select_n3A_99 = arith.select %eq3A_96, %get3A_18, %broadcast_in_dim3A_98 : vector<16xi1>, vector<16xf32>
      %reduce_sum3A_100 = arith.constant true
      %reduce_sum3A_101 = vector.broadcast %reduce_sum3A_100 : i1 to vector<16xi1>
      %reduce_sum3A_102 = tpu.scan <sum>, %select_n3A_99 masked %reduce_sum3A_101 : vector<16xf32>, vector<16xi1> -> vector<16xf32>
      %reduce_sum3A_103 = vector.extract %reduce_sum3A_102[15] : f32 from vector<16xf32>
      %scan3A = arith.constant 0 : i32
      %scan3A_104 = arith.constant 672 : i32
      %scan3A_105 = arith.addi %scan3A, %scan3A_104 : i32
      %scan3A_106 = arith.constant 4 : i32
      %scan3A_107:3 = scf.for %scan3A_359 = %scan3A to %scan3A_105 step %scan3A_106 iter_args(%scan3A_360 = %broadcast_in_dim3A_19, %scan3A_361 = %broadcast_in_dim3A_19, %scan3A_362 = %broadcast_in_dim3A_19) -> (vector<16xf32>, vector<16xf32>, vector<16xf32>)  : i32 {
        %mul3A_363 = arith.constant 16 : i32
        %mul3A_364 = arith.muli %scan3A_359, %mul3A_363 : i32
        %get3A_365 = arith.constant 0 : i32
        %get3A_366 = arith.index_cast %get3A_365 : i32 to index
        %get3A_367 = arith.index_cast %mul3A_364 : i32 to index
        %get3A_368 = tpu.vector_load %arg12[%get3A_366, %get3A_367] {strides = array<i32>} : memref<8x10752xf32, #tpu.memory_space<vmem>>, vector<16xf32>,
        %mul3A_369 = vector.broadcast %reduce_sum3A_26 : f32 to vector<16xf32>
        %mul3A_370 = arith.mulf %mul3A_369, %get3A_368 : vector<16xf32>
        %get3A_371 = arith.constant 1 : i32
        %get3A_372 = arith.index_cast %get3A_371 : i32 to index
        %get3A_373 = arith.index_cast %mul3A_364 : i32 to index
        %get3A_374 = tpu.vector_load %arg12[%get3A_372, %get3A_373] {strides = array<i32>} : memref<8x10752xf32, #tpu.memory_space<vmem>>, vector<16xf32>,
        %mul3A_375 = vector.broadcast %reduce_sum3A_37 : f32 to vector<16xf32>
        %mul3A_376 = arith.mulf %mul3A_375, %get3A_374 : vector<16xf32>
        %get3A_377 = arith.constant 2 : i32
        %get3A_378 = arith.index_cast %get3A_377 : i32 to index
        %get3A_379 = arith.index_cast %mul3A_364 : i32 to index
        %get3A_380 = tpu.vector_load %arg12[%get3A_378, %get3A_379] {strides = array<i32>} : memref<8x10752xf32, #tpu.memory_space<vmem>>, vector<16xf32>,
        %mul3A_381 = vector.broadcast %reduce_sum3A_48 : f32 to vector<16xf32>
        %mul3A_382 = arith.mulf %mul3A_381, %get3A_380 : vector<16xf32>
        %get3A_383 = arith.constant 3 : i32
        %get3A_384 = arith.index_cast %get3A_383 : i32 to index
        %get3A_385 = arith.index_cast %mul3A_364 : i32 to index
        %get3A_386 = tpu.vector_load %arg12[%get3A_384, %get3A_385] {strides = array<i32>} : memref<8x10752xf32, #tpu.memory_space<vmem>>, vector<16xf32>,
        %mul3A_387 = vector.broadcast %reduce_sum3A_59 : f32 to vector<16xf32>
        %mul3A_388 = arith.mulf %mul3A_387, %get3A_386 : vector<16xf32>
        %get3A_389 = arith.constant 4 : i32
        %get3A_390 = arith.index_cast %get3A_389 : i32 to index
        %get3A_391 = arith.index_cast %mul3A_364 : i32 to index
        %get3A_392 = tpu.vector_load %arg12[%get3A_390, %get3A_391] {strides = array<i32>} : memref<8x10752xf32, #tpu.memory_space<vmem>>, vector<16xf32>,
        %mul3A_393 = vector.broadcast %reduce_sum3A_70 : f32 to vector<16xf32>
        %mul3A_394 = arith.mulf %mul3A_393, %get3A_392 : vector<16xf32>
        %get3A_395 = arith.constant 5 : i32
        %get3A_396 = arith.index_cast %get3A_395 : i32 to index
        %get3A_397 = arith.index_cast %mul3A_364 : i32 to index
        %get3A_398 = tpu.vector_load %arg12[%get3A_396, %get3A_397] {strides = array<i32>} : memref<8x10752xf32, #tpu.memory_space<vmem>>, vector<16xf32>,
        %mul3A_399 = vector.broadcast %reduce_sum3A_81 : f32 to vector<16xf32>
        %mul3A_400 = arith.mulf %mul3A_399, %get3A_398 : vector<16xf32>
        %get3A_401 = arith.constant 6 : i32
        %get3A_402 = arith.index_cast %get3A_401 : i32 to index
        %get3A_403 = arith.index_cast %mul3A_364 : i32 to index
        %get3A_404 = tpu.vector_load %arg12[%get3A_402, %get3A_403] {strides = array<i32>} : memref<8x10752xf32, #tpu.memory_space<vmem>>, vector<16xf32>,
        %mul3A_405 = vector.broadcast %reduce_sum3A_92 : f32 to vector<16xf32>
        %mul3A_406 = arith.mulf %mul3A_405, %get3A_404 : vector<16xf32>
        %get3A_407 = arith.constant 7 : i32
        %get3A_408 = arith.index_cast %get3A_407 : i32 to index
        %get3A_409 = arith.index_cast %mul3A_364 : i32 to index
        %get3A_410 = tpu.vector_load %arg12[%get3A_408, %get3A_409] {strides = array<i32>} : memref<8x10752xf32, #tpu.memory_space<vmem>>, vector<16xf32>,
        %mul3A_411 = vector.broadcast %reduce_sum3A_103 : f32 to vector<16xf32>
        %mul3A_412 = arith.mulf %mul3A_411, %get3A_410 : vector<16xf32>
        %add3A_413 = arith.addf %mul3A_370, %mul3A_376 : vector<16xf32>
        %add3A_414 = arith.addf %mul3A_382, %mul3A_388 : vector<16xf32>
        %add3A_415 = arith.addf %add3A_413, %add3A_414 : vector<16xf32>
        %add3A_416 = arith.addf %mul3A_394, %mul3A_400 : vector<16xf32>
        %add3A_417 = arith.addf %mul3A_406, %mul3A_412 : vector<16xf32>
        %add3A_418 = arith.addf %add3A_416, %add3A_417 : vector<16xf32>
        %add3A_419 = arith.addf %add3A_415, %add3A_418 : vector<16xf32>
        %get3A_420 = arith.index_cast %mul3A_364 : i32 to index
        %get3A_421 = tpu.vector_load %arg14[%get3A_420] {strides = array<i32>} : memref<10752xf32, #tpu.memory_space<vmem>>, vector<16xf32>,
        %swap3A = arith.index_cast %mul3A_364 : i32 to index
        %swap3A_422 = tpu.vector_load %arg13[%swap3A] {strides = array<i32>} : memref<10752xf32, #tpu.memory_space<vmem>>, vector<16xf32>,
        tpu.vector_store %arg13[%swap3A], %add3A_419 {strides = array<i32>} : memref<10752xf32, #tpu.memory_space<vmem>>, vector<16xf32>,
        %mul3A_423 = arith.mulf %add3A_419, %add3A_419 : vector<16xf32>
        %add3A_424 = arith.addf %scan3A_360, %mul3A_423 : vector<16xf32>
        %mul3A_425 = arith.mulf %add3A_419, %get3A_421 : vector<16xf32>
        %add3A_426 = arith.addf %scan3A_361, %mul3A_425 : vector<16xf32>
        %mul3A_427 = arith.mulf %get3A_421, %get3A_421 : vector<16xf32>
        %add3A_428 = arith.addf %scan3A_362, %mul3A_427 : vector<16xf32>
        %scan3A_429 = arith.constant 1 : i32
        %scan3A_430 = arith.addi %scan3A_359, %scan3A_429 : i32
        %mul3A_431 = arith.constant 16 : i32
        %mul3A_432 = arith.muli %scan3A_430, %mul3A_431 : i32
        %get3A_433 = arith.constant 0 : i32
        %get3A_434 = arith.index_cast %get3A_433 : i32 to index
        %get3A_435 = arith.index_cast %mul3A_432 : i32 to index
        %get3A_436 = tpu.vector_load %arg12[%get3A_434, %get3A_435] {strides = array<i32>} : memref<8x10752xf32, #tpu.memory_space<vmem>>, vector<16xf32>,
        %mul3A_437 = vector.broadcast %reduce_sum3A_26 : f32 to vector<16xf32>
        %mul3A_438 = arith.mulf %mul3A_437, %get3A_436 : vector<16xf32>
        %get3A_439 = arith.constant 1 : i32
        %get3A_440 = arith.index_cast %get3A_439 : i32 to index
        %get3A_441 = arith.index_cast %mul3A_432 : i32 to index
        %get3A_442 = tpu.vector_load %arg12[%get3A_440, %get3A_441] {strides = array<i32>} : memref<8x10752xf32, #tpu.memory_space<vmem>>, vector<16xf32>,
        %mul3A_443 = vector.broadcast %reduce_sum3A_37 : f32 to vector<16xf32>
        %mul3A_444 = arith.mulf %mul3A_443, %get3A_442 : vector<16xf32>
        %get3A_445 = arith.constant 2 : i32
        %get3A_446 = arith.index_cast %get3A_445 : i32 to index
        %get3A_447 = arith.index_cast %mul3A_432 : i32 to index
        %get3A_448 = tpu.vector_load %arg12[%get3A_446, %get3A_447] {strides = array<i32>} : memref<8x10752xf32, #tpu.memory_space<vmem>>, vector<16xf32>,
        %mul3A_449 = vector.broadcast %reduce_sum3A_48 : f32 to vector<16xf32>
        %mul3A_450 = arith.mulf %mul3A_449, %get3A_448 : vector<16xf32>
        %get3A_451 = arith.constant 3 : i32
        %get3A_452 = arith.index_cast %get3A_451 : i32 to index
        %get3A_453 = arith.index_cast %mul3A_432 : i32 to index
        %get3A_454 = tpu.vector_load %arg12[%get3A_452, %get3A_453] {strides = array<i32>} : memref<8x10752xf32, #tpu.memory_space<vmem>>, vector<16xf32>,
        %mul3A_455 = vector.broadcast %reduce_sum3A_59 : f32 to vector<16xf32>
        %mul3A_456 = arith.mulf %mul3A_455, %get3A_454 : vector<16xf32>
        %get3A_457 = arith.constant 4 : i32
        %get3A_458 = arith.index_cast %get3A_457 : i32 to index
        %get3A_459 = arith.index_cast %mul3A_432 : i32 to index
        %get3A_460 = tpu.vector_load %arg12[%get3A_458, %get3A_459] {strides = array<i32>} : memref<8x10752xf32, #tpu.memory_space<vmem>>, vector<16xf32>,
        %mul3A_461 = vector.broadcast %reduce_sum3A_70 : f32 to vector<16xf32>
        %mul3A_462 = arith.mulf %mul3A_461, %get3A_460 : vector<16xf32>
        %get3A_463 = arith.constant 5 : i32
        %get3A_464 = arith.index_cast %get3A_463 : i32 to index
        %get3A_465 = arith.index_cast %mul3A_432 : i32 to index
        %get3A_466 = tpu.vector_load %arg12[%get3A_464, %get3A_465] {strides = array<i32>} : memref<8x10752xf32, #tpu.memory_space<vmem>>, vector<16xf32>,
        %mul3A_467 = vector.broadcast %reduce_sum3A_81 : f32 to vector<16xf32>
        %mul3A_468 = arith.mulf %mul3A_467, %get3A_466 : vector<16xf32>
        %get3A_469 = arith.constant 6 : i32
        %get3A_470 = arith.index_cast %get3A_469 : i32 to index
        %get3A_471 = arith.index_cast %mul3A_432 : i32 to index
        %get3A_472 = tpu.vector_load %arg12[%get3A_470, %get3A_471] {strides = array<i32>} : memref<8x10752xf32, #tpu.memory_space<vmem>>, vector<16xf32>,
        %mul3A_473 = vector.broadcast %reduce_sum3A_92 : f32 to vector<16xf32>
        %mul3A_474 = arith.mulf %mul3A_473, %get3A_472 : vector<16xf32>
        %get3A_475 = arith.constant 7 : i32
        %get3A_476 = arith.index_cast %get3A_475 : i32 to index
        %get3A_477 = arith.index_cast %mul3A_432 : i32 to index
        %get3A_478 = tpu.vector_load %arg12[%get3A_476, %get3A_477] {strides = array<i32>} : memref<8x10752xf32, #tpu.memory_space<vmem>>, vector<16xf32>,
        %mul3A_479 = vector.broadcast %reduce_sum3A_103 : f32 to vector<16xf32>
        %mul3A_480 = arith.mulf %mul3A_479, %get3A_478 : vector<16xf32>
        %add3A_481 = arith.addf %mul3A_438, %mul3A_444 : vector<16xf32>
        %add3A_482 = arith.addf %mul3A_450, %mul3A_456 : vector<16xf32>
        %add3A_483 = arith.addf %add3A_481, %add3A_482 : vector<16xf32>
        %add3A_484 = arith.addf %mul3A_462, %mul3A_468 : vector<16xf32>
        %add3A_485 = arith.addf %mul3A_474, %mul3A_480 : vector<16xf32>
        %add3A_486 = arith.addf %add3A_484, %add3A_485 : vector<16xf32>
        %add3A_487 = arith.addf %add3A_483, %add3A_486 : vector<16xf32>
        %get3A_488 = arith.index_cast %mul3A_432 : i32 to index
        %get3A_489 = tpu.vector_load %arg14[%get3A_488] {strides = array<i32>} : memref<10752xf32, #tpu.memory_space<vmem>>, vector<16xf32>,
        %swap3A_490 = arith.index_cast %mul3A_432 : i32 to index
        %swap3A_491 = tpu.vector_load %arg13[%swap3A_490] {strides = array<i32>} : memref<10752xf32, #tpu.memory_space<vmem>>, vector<16xf32>,
        tpu.vector_store %arg13[%swap3A_490], %add3A_487 {strides = array<i32>} : memref<10752xf32, #tpu.memory_space<vmem>>, vector<16xf32>,
        %mul3A_492 = arith.mulf %add3A_487, %add3A_487 : vector<16xf32>
        %add3A_493 = arith.addf %add3A_424, %mul3A_492 : vector<16xf32>
        %mul3A_494 = arith.mulf %add3A_487, %get3A_489 : vector<16xf32>
        %add3A_495 = arith.addf %add3A_426, %mul3A_494 : vector<16xf32>
        %mul3A_496 = arith.mulf %get3A_489, %get3A_489 : vector<16xf32>
        %add3A_497 = arith.addf %add3A_428, %mul3A_496 : vector<16xf32>
        %scan3A_498 = arith.constant 2 : i32
        %scan3A_499 = arith.addi %scan3A_359, %scan3A_498 : i32
        %mul3A_500 = arith.constant 16 : i32
        %mul3A_501 = arith.muli %scan3A_499, %mul3A_500 : i32
        %get3A_502 = arith.constant 0 : i32
        %get3A_503 = arith.index_cast %get3A_502 : i32 to index
        %get3A_504 = arith.index_cast %mul3A_501 : i32 to index
        %get3A_505 = tpu.vector_load %arg12[%get3A_503, %get3A_504] {strides = array<i32>} : memref<8x10752xf32, #tpu.memory_space<vmem>>, vector<16xf32>,
        %mul3A_506 = vector.broadcast %reduce_sum3A_26 : f32 to vector<16xf32>
        %mul3A_507 = arith.mulf %mul3A_506, %get3A_505 : vector<16xf32>
        %get3A_508 = arith.constant 1 : i32
        %get3A_509 = arith.index_cast %get3A_508 : i32 to index
        %get3A_510 = arith.index_cast %mul3A_501 : i32 to index
        %get3A_511 = tpu.vector_load %arg12[%get3A_509, %get3A_510] {strides = array<i32>} : memref<8x10752xf32, #tpu.memory_space<vmem>>, vector<16xf32>,
        %mul3A_512 = vector.broadcast %reduce_sum3A_37 : f32 to vector<16xf32>
        %mul3A_513 = arith.mulf %mul3A_512, %get3A_511 : vector<16xf32>
        %get3A_514 = arith.constant 2 : i32
        %get3A_515 = arith.index_cast %get3A_514 : i32 to index
        %get3A_516 = arith.index_cast %mul3A_501 : i32 to index
        %get3A_517 = tpu.vector_load %arg12[%get3A_515, %get3A_516] {strides = array<i32>} : memref<8x10752xf32, #tpu.memory_space<vmem>>, vector<16xf32>,
        %mul3A_518 = vector.broadcast %reduce_sum3A_48 : f32 to vector<16xf32>
        %mul3A_519 = arith.mulf %mul3A_518, %get3A_517 : vector<16xf32>
        %get3A_520 = arith.constant 3 : i32
        %get3A_521 = arith.index_cast %get3A_520 : i32 to index
        %get3A_522 = arith.index_cast %mul3A_501 : i32 to index
        %get3A_523 = tpu.vector_load %arg12[%get3A_521, %get3A_522] {strides = array<i32>} : memref<8x10752xf32, #tpu.memory_space<vmem>>, vector<16xf32>,
        %mul3A_524 = vector.broadcast %reduce_sum3A_59 : f32 to vector<16xf32>
        %mul3A_525 = arith.mulf %mul3A_524, %get3A_523 : vector<16xf32>
        %get3A_526 = arith.constant 4 : i32
        %get3A_527 = arith.index_cast %get3A_526 : i32 to index
        %get3A_528 = arith.index_cast %mul3A_501 : i32 to index
        %get3A_529 = tpu.vector_load %arg12[%get3A_527, %get3A_528] {strides = array<i32>} : memref<8x10752xf32, #tpu.memory_space<vmem>>, vector<16xf32>,
        %mul3A_530 = vector.broadcast %reduce_sum3A_70 : f32 to vector<16xf32>
        %mul3A_531 = arith.mulf %mul3A_530, %get3A_529 : vector<16xf32>
        %get3A_532 = arith.constant 5 : i32
        %get3A_533 = arith.index_cast %get3A_532 : i32 to index
        %get3A_534 = arith.index_cast %mul3A_501 : i32 to index
        %get3A_535 = tpu.vector_load %arg12[%get3A_533, %get3A_534] {strides = array<i32>} : memref<8x10752xf32, #tpu.memory_space<vmem>>, vector<16xf32>,
        %mul3A_536 = vector.broadcast %reduce_sum3A_81 : f32 to vector<16xf32>
        %mul3A_537 = arith.mulf %mul3A_536, %get3A_535 : vector<16xf32>
        %get3A_538 = arith.constant 6 : i32
        %get3A_539 = arith.index_cast %get3A_538 : i32 to index
        %get3A_540 = arith.index_cast %mul3A_501 : i32 to index
        %get3A_541 = tpu.vector_load %arg12[%get3A_539, %get3A_540] {strides = array<i32>} : memref<8x10752xf32, #tpu.memory_space<vmem>>, vector<16xf32>,
        %mul3A_542 = vector.broadcast %reduce_sum3A_92 : f32 to vector<16xf32>
        %mul3A_543 = arith.mulf %mul3A_542, %get3A_541 : vector<16xf32>
        %get3A_544 = arith.constant 7 : i32
        %get3A_545 = arith.index_cast %get3A_544 : i32 to index
        %get3A_546 = arith.index_cast %mul3A_501 : i32 to index
        %get3A_547 = tpu.vector_load %arg12[%get3A_545, %get3A_546] {strides = array<i32>} : memref<8x10752xf32, #tpu.memory_space<vmem>>, vector<16xf32>,
        %mul3A_548 = vector.broadcast %reduce_sum3A_103 : f32 to vector<16xf32>
        %mul3A_549 = arith.mulf %mul3A_548, %get3A_547 : vector<16xf32>
        %add3A_550 = arith.addf %mul3A_507, %mul3A_513 : vector<16xf32>
        %add3A_551 = arith.addf %mul3A_519, %mul3A_525 : vector<16xf32>
        %add3A_552 = arith.addf %add3A_550, %add3A_551 : vector<16xf32>
        %add3A_553 = arith.addf %mul3A_531, %mul3A_537 : vector<16xf32>
        %add3A_554 = arith.addf %mul3A_543, %mul3A_549 : vector<16xf32>
        %add3A_555 = arith.addf %add3A_553, %add3A_554 : vector<16xf32>
        %add3A_556 = arith.addf %add3A_552, %add3A_555 : vector<16xf32>
        %get3A_557 = arith.index_cast %mul3A_501 : i32 to index
        %get3A_558 = tpu.vector_load %arg14[%get3A_557] {strides = array<i32>} : memref<10752xf32, #tpu.memory_space<vmem>>, vector<16xf32>,
        %swap3A_559 = arith.index_cast %mul3A_501 : i32 to index
        %swap3A_560 = tpu.vector_load %arg13[%swap3A_559] {strides = array<i32>} : memref<10752xf32, #tpu.memory_space<vmem>>, vector<16xf32>,
        tpu.vector_store %arg13[%swap3A_559], %add3A_556 {strides = array<i32>} : memref<10752xf32, #tpu.memory_space<vmem>>, vector<16xf32>,
        %mul3A_561 = arith.mulf %add3A_556, %add3A_556 : vector<16xf32>
        %add3A_562 = arith.addf %add3A_493, %mul3A_561 : vector<16xf32>
        %mul3A_563 = arith.mulf %add3A_556, %get3A_558 : vector<16xf32>
        %add3A_564 = arith.addf %add3A_495, %mul3A_563 : vector<16xf32>
        %mul3A_565 = arith.mulf %get3A_558, %get3A_558 : vector<16xf32>
        %add3A_566 = arith.addf %add3A_497, %mul3A_565 : vector<16xf32>
        %scan3A_567 = arith.constant 3 : i32
        %scan3A_568 = arith.addi %scan3A_359, %scan3A_567 : i32
        %mul3A_569 = arith.constant 16 : i32
        %mul3A_570 = arith.muli %scan3A_568, %mul3A_569 : i32
        %get3A_571 = arith.constant 0 : i32
        %get3A_572 = arith.index_cast %get3A_571 : i32 to index
        %get3A_573 = arith.index_cast %mul3A_570 : i32 to index
        %get3A_574 = tpu.vector_load %arg12[%get3A_572, %get3A_573] {strides = array<i32>} : memref<8x10752xf32, #tpu.memory_space<vmem>>, vector<16xf32>,
        %mul3A_575 = vector.broadcast %reduce_sum3A_26 : f32 to vector<16xf32>
        %mul3A_576 = arith.mulf %mul3A_575, %get3A_574 : vector<16xf32>
        %get3A_577 = arith.constant 1 : i32
        %get3A_578 = arith.index_cast %get3A_577 : i32 to index
        %get3A_579 = arith.index_cast %mul3A_570 : i32 to index
        %get3A_580 = tpu.vector_load %arg12[%get3A_578, %get3A_579] {strides = array<i32>} : memref<8x10752xf32, #tpu.memory_space<vmem>>, vector<16xf32>,
        %mul3A_581 = vector.broadcast %reduce_sum3A_37 : f32 to vector<16xf32>
        %mul3A_582 = arith.mulf %mul3A_581, %get3A_580 : vector<16xf32>
        %get3A_583 = arith.constant 2 : i32
        %get3A_584 = arith.index_cast %get3A_583 : i32 to index
        %get3A_585 = arith.index_cast %mul3A_570 : i32 to index
        %get3A_586 = tpu.vector_load %arg12[%get3A_584, %get3A_585] {strides = array<i32>} : memref<8x10752xf32, #tpu.memory_space<vmem>>, vector<16xf32>,
        %mul3A_587 = vector.broadcast %reduce_sum3A_48 : f32 to vector<16xf32>
        %mul3A_588 = arith.mulf %mul3A_587, %get3A_586 : vector<16xf32>
        %get3A_589 = arith.constant 3 : i32
        %get3A_590 = arith.index_cast %get3A_589 : i32 to index
        %get3A_591 = arith.index_cast %mul3A_570 : i32 to index
        %get3A_592 = tpu.vector_load %arg12[%get3A_590, %get3A_591] {strides = array<i32>} : memref<8x10752xf32, #tpu.memory_space<vmem>>, vector<16xf32>,
        %mul3A_593 = vector.broadcast %reduce_sum3A_59 : f32 to vector<16xf32>
        %mul3A_594 = arith.mulf %mul3A_593, %get3A_592 : vector<16xf32>
        %get3A_595 = arith.constant 4 : i32
        %get3A_596 = arith.index_cast %get3A_595 : i32 to index
        %get3A_597 = arith.index_cast %mul3A_570 : i32 to index
        %get3A_598 = tpu.vector_load %arg12[%get3A_596, %get3A_597] {strides = array<i32>} : memref<8x10752xf32, #tpu.memory_space<vmem>>, vector<16xf32>,
        %mul3A_599 = vector.broadcast %reduce_sum3A_70 : f32 to vector<16xf32>
        %mul3A_600 = arith.mulf %mul3A_599, %get3A_598 : vector<16xf32>
        %get3A_601 = arith.constant 5 : i32
        %get3A_602 = arith.index_cast %get3A_601 : i32 to index
        %get3A_603 = arith.index_cast %mul3A_570 : i32 to index
        %get3A_604 = tpu.vector_load %arg12[%get3A_602, %get3A_603] {strides = array<i32>} : memref<8x10752xf32, #tpu.memory_space<vmem>>, vector<16xf32>,
        %mul3A_605 = vector.broadcast %reduce_sum3A_81 : f32 to vector<16xf32>
        %mul3A_606 = arith.mulf %mul3A_605, %get3A_604 : vector<16xf32>
        %get3A_607 = arith.constant 6 : i32
        %get3A_608 = arith.index_cast %get3A_607 : i32 to index
        %get3A_609 = arith.index_cast %mul3A_570 : i32 to index
        %get3A_610 = tpu.vector_load %arg12[%get3A_608, %get3A_609] {strides = array<i32>} : memref<8x10752xf32, #tpu.memory_space<vmem>>, vector<16xf32>,
        %mul3A_611 = vector.broadcast %reduce_sum3A_92 : f32 to vector<16xf32>
        %mul3A_612 = arith.mulf %mul3A_611, %get3A_610 : vector<16xf32>
        %get3A_613 = arith.constant 7 : i32
        %get3A_614 = arith.index_cast %get3A_613 : i32 to index
        %get3A_615 = arith.index_cast %mul3A_570 : i32 to index
        %get3A_616 = tpu.vector_load %arg12[%get3A_614, %get3A_615] {strides = array<i32>} : memref<8x10752xf32, #tpu.memory_space<vmem>>, vector<16xf32>,
        %mul3A_617 = vector.broadcast %reduce_sum3A_103 : f32 to vector<16xf32>
        %mul3A_618 = arith.mulf %mul3A_617, %get3A_616 : vector<16xf32>
        %add3A_619 = arith.addf %mul3A_576, %mul3A_582 : vector<16xf32>
        %add3A_620 = arith.addf %mul3A_588, %mul3A_594 : vector<16xf32>
        %add3A_621 = arith.addf %add3A_619, %add3A_620 : vector<16xf32>
        %add3A_622 = arith.addf %mul3A_600, %mul3A_606 : vector<16xf32>
        %add3A_623 = arith.addf %mul3A_612, %mul3A_618 : vector<16xf32>
        %add3A_624 = arith.addf %add3A_622, %add3A_623 : vector<16xf32>
        %add3A_625 = arith.addf %add3A_621, %add3A_624 : vector<16xf32>
        %get3A_626 = arith.index_cast %mul3A_570 : i32 to index
        %get3A_627 = tpu.vector_load %arg14[%get3A_626] {strides = array<i32>} : memref<10752xf32, #tpu.memory_space<vmem>>, vector<16xf32>,
        %swap3A_628 = arith.index_cast %mul3A_570 : i32 to index
        %swap3A_629 = tpu.vector_load %arg13[%swap3A_628] {strides = array<i32>} : memref<10752xf32, #tpu.memory_space<vmem>>, vector<16xf32>,
        tpu.vector_store %arg13[%swap3A_628], %add3A_625 {strides = array<i32>} : memref<10752xf32, #tpu.memory_space<vmem>>, vector<16xf32>,
        %mul3A_630 = arith.mulf %add3A_625, %add3A_625 : vector<16xf32>
        %add3A_631 = arith.addf %add3A_562, %mul3A_630 : vector<16xf32>
        %mul3A_632 = arith.mulf %add3A_625, %get3A_627 : vector<16xf32>
        %add3A_633 = arith.addf %add3A_564, %mul3A_632 : vector<16xf32>
        %mul3A_634 = arith.mulf %get3A_627, %get3A_627 : vector<16xf32>
        %add3A_635 = arith.addf %add3A_566, %mul3A_634 : vector<16xf32>
        scf.yield %add3A_631, %add3A_633, %add3A_635 : vector<16xf32>, vector<16xf32>, vector<16xf32>
      }
      %scan3A_108 = arith.constant 672 : i32
      %reduce_sum3A_109 = arith.constant true
      %reduce_sum3A_110 = vector.broadcast %reduce_sum3A_109 : i1 to vector<16xi1>
      %reduce_sum3A_111 = tpu.scan <sum>, %scan3A_107#0 masked %reduce_sum3A_110 : vector<16xf32>, vector<16xi1> -> vector<16xf32>
      %reduce_sum3A_112 = vector.extract %reduce_sum3A_111[15] : f32 from vector<16xf32>
      %reduce_sum3A_113 = arith.constant true
      %reduce_sum3A_114 = vector.broadcast %reduce_sum3A_113 : i1 to vector<16xi1>
      %reduce_sum3A_115 = tpu.scan <sum>, %scan3A_107#1 masked %reduce_sum3A_114 : vector<16xf32>, vector<16xi1> -> vector<16xf32>
      %reduce_sum3A_116 = vector.extract %reduce_sum3A_115[15] : f32 from vector<16xf32>
      %reduce_sum3A_117 = arith.constant true
      %reduce_sum3A_118 = vector.broadcast %reduce_sum3A_117 : i1 to vector<16xi1>
      %reduce_sum3A_119 = tpu.scan <sum>, %scan3A_107#2 masked %reduce_sum3A_118 : vector<16xf32>, vector<16xi1> -> vector<16xf32>
      %reduce_sum3A_120 = vector.extract %reduce_sum3A_119[15] : f32 from vector<16xf32>
      %mul3A = arith.constant 2.000000e+00 : f32
      %mul3A_121 = arith.mulf %mul3A, %reduce_sum3A_116 : f32
      %mul3A_122 = vector.broadcast %mul3A_121 : f32 to vector<16xf32>
      %mul3A_123 = arith.mulf %mul3A_122, %get3A_16 : vector<16xf32>
      %add3A = vector.broadcast %reduce_sum3A_112 : f32 to vector<16xf32>
      %add3A_124 = arith.addf %add3A, %mul3A_123 : vector<16xf32>
      %mul3A_125 = vector.broadcast %reduce_sum3A_120 : f32 to vector<16xf32>
      %mul3A_126 = arith.mulf %mul3A_125, %get3A_16 : vector<16xf32>
      %mul3A_127 = arith.mulf %mul3A_126, %get3A_16 : vector<16xf32>
      %add3A_128 = arith.addf %add3A_124, %mul3A_127 : vector<16xf32>
      %bitcast3A = vector.bitcast %add3A_128 : vector<16xf32> to vector<16xi32>
      %shift_right_arithmetic3A = arith.constant 1 : i32
      %shift_right_arithmetic3A_129 = vector.broadcast %shift_right_arithmetic3A : i32 to vector<16xi32>
      %shift_right_arithmetic3A_130 = arith.shrsi %bitcast3A, %shift_right_arithmetic3A_129 : vector<16xi32>
      %sub3A = arith.constant 1597463007 : i32
      %sub3A_131 = vector.broadcast %sub3A : i32 to vector<16xi32>
      %sub3A_132 = arith.subi %sub3A_131, %shift_right_arithmetic3A_130 : vector<16xi32>
      %bitcast3A_133 = vector.bitcast %sub3A_132 : vector<16xi32> to vector<16xf32>
      %mul3A_134 = arith.constant 5.000000e-01 : f32
      %mul3A_135 = vector.broadcast %mul3A_134 : f32 to vector<16xf32>
      %mul3A_136 = arith.mulf %mul3A_135, %add3A_128 : vector<16xf32>
      %mul3A_137 = arith.mulf %mul3A_136, %bitcast3A_133 : vector<16xf32>
      %mul3A_138 = arith.mulf %mul3A_137, %bitcast3A_133 : vector<16xf32>
      %sub3A_139 = arith.constant 1.500000e+00 : f32
      %sub3A_140 = vector.broadcast %sub3A_139 : f32 to vector<16xf32>
      %sub3A_141 = arith.subf %sub3A_140, %mul3A_138 : vector<16xf32>
      %mul3A_142 = arith.mulf %bitcast3A_133, %sub3A_141 : vector<16xf32>
      %mul3A_143 = arith.constant 5.000000e-01 : f32
      %mul3A_144 = vector.broadcast %mul3A_143 : f32 to vector<16xf32>
      %mul3A_145 = arith.mulf %mul3A_144, %add3A_128 : vector<16xf32>
      %mul3A_146 = arith.mulf %mul3A_145, %mul3A_142 : vector<16xf32>
      %mul3A_147 = arith.mulf %mul3A_146, %mul3A_142 : vector<16xf32>
      %sub3A_148 = arith.constant 1.500000e+00 : f32
      %sub3A_149 = vector.broadcast %sub3A_148 : f32 to vector<16xf32>
      %sub3A_150 = arith.subf %sub3A_149, %mul3A_147 : vector<16xf32>
      %mul3A_151 = arith.mulf %mul3A_142, %sub3A_150 : vector<16xf32>
      %mul3A_152 = arith.constant 5.000000e-01 : f32
      %mul3A_153 = vector.broadcast %mul3A_152 : f32 to vector<16xf32>
      %mul3A_154 = arith.mulf %mul3A_153, %add3A_128 : vector<16xf32>
      %mul3A_155 = arith.mulf %mul3A_154, %mul3A_151 : vector<16xf32>
      %mul3A_156 = arith.mulf %mul3A_155, %mul3A_151 : vector<16xf32>
      %sub3A_157 = arith.constant 1.500000e+00 : f32
      %sub3A_158 = vector.broadcast %sub3A_157 : f32 to vector<16xf32>
      %sub3A_159 = arith.subf %sub3A_158, %mul3A_156 : vector<16xf32>
      %mul3A_160 = arith.mulf %mul3A_151, %sub3A_159 : vector<16xf32>
      %mul3A_161 = arith.constant 5.000000e-01 : f32
      %mul3A_162 = vector.broadcast %mul3A_161 : f32 to vector<16xf32>
      %mul3A_163 = arith.mulf %mul3A_162, %add3A_128 : vector<16xf32>
      %mul3A_164 = arith.mulf %mul3A_163, %mul3A_160 : vector<16xf32>
      %mul3A_165 = arith.mulf %mul3A_164, %mul3A_160 : vector<16xf32>
      %sub3A_166 = arith.constant 1.500000e+00 : f32
      %sub3A_167 = vector.broadcast %sub3A_166 : f32 to vector<16xf32>
      %sub3A_168 = arith.subf %sub3A_167, %mul3A_165 : vector<16xf32>
      %mul3A_169 = arith.mulf %mul3A_160, %sub3A_168 : vector<16xf32>
      %mul3A_170 = arith.mulf %add3A_128, %mul3A_169 : vector<16xf32>
      %add3A_171 = arith.constant 9.99999996E-13 : f32
      %add3A_172 = vector.broadcast %add3A_171 : f32 to vector<16xf32>
      %add3A_173 = arith.addf %mul3A_170, %add3A_172 : vector<16xf32>
      %div3A = arith.constant 1.000000e+00 : f32
      %div3A_174 = vector.broadcast %div3A : f32 to vector<16xf32>
      %div3A_175 = arith.divf %div3A_174, %add3A_173 : vector<16xf32>
      %iota3A_176 = tpu.iota {dimensions = array<i32: 0>} : vector<16xi32>
      %eq3A_177 = arith.constant 0 : i32
      %eq3A_178 = vector.broadcast %eq3A_177 : i32 to vector<16xi32>
      %eq3A_179 = arith.cmpi eq, %iota3A_176, %eq3A_178 : vector<16xi32>
      %jit3A_180 = arith.constant 0.000000e+00 : f32
      %broadcast_in_dim3A_181 = vector.broadcast %jit3A_180 : f32 to vector<16xf32>
      %select_n3A_182 = arith.select %eq3A_179, %get3A_16, %broadcast_in_dim3A_181 : vector<16xi1>, vector<16xf32>
      %reduce_sum3A_183 = arith.constant true
      %reduce_sum3A_184 = vector.broadcast %reduce_sum3A_183 : i1 to vector<16xi1>
      %reduce_sum3A_185 = tpu.scan <sum>, %select_n3A_182 masked %reduce_sum3A_184 : vector<16xf32>, vector<16xi1> -> vector<16xf32>
      %reduce_sum3A_186 = vector.extract %reduce_sum3A_185[15] : f32 from vector<16xf32>
      %iota3A_187 = tpu.iota {dimensions = array<i32: 0>} : vector<16xi32>
      %eq3A_188 = arith.constant 1 : i32
      %eq3A_189 = vector.broadcast %eq3A_188 : i32 to vector<16xi32>
      %eq3A_190 = arith.cmpi eq, %iota3A_187, %eq3A_189 : vector<16xi32>
      %jit3A_191 = arith.constant 0.000000e+00 : f32
      %broadcast_in_dim3A_192 = vector.broadcast %jit3A_191 : f32 to vector<16xf32>
      %select_n3A_193 = arith.select %eq3A_190, %get3A_16, %broadcast_in_dim3A_192 : vector<16xi1>, vector<16xf32>
      %reduce_sum3A_194 = arith.constant true
      %reduce_sum3A_195 = vector.broadcast %reduce_sum3A_194 : i1 to vector<16xi1>
      %reduce_sum3A_196 = tpu.scan <sum>, %select_n3A_193 masked %reduce_sum3A_195 : vector<16xf32>, vector<16xi1> -> vector<16xf32>
      %reduce_sum3A_197 = vector.extract %reduce_sum3A_196[15] : f32 from vector<16xf32>
      %iota3A_198 = tpu.iota {dimensions = array<i32: 0>} : vector<16xi32>
      %eq3A_199 = arith.constant 2 : i32
      %eq3A_200 = vector.broadcast %eq3A_199 : i32 to vector<16xi32>
      %eq3A_201 = arith.cmpi eq, %iota3A_198, %eq3A_200 : vector<16xi32>
      %jit3A_202 = arith.constant 0.000000e+00 : f32
      %broadcast_in_dim3A_203 = vector.broadcast %jit3A_202 : f32 to vector<16xf32>
      %select_n3A_204 = arith.select %eq3A_201, %get3A_16, %broadcast_in_dim3A_203 : vector<16xi1>, vector<16xf32>
      %reduce_sum3A_205 = arith.constant true
      %reduce_sum3A_206 = vector.broadcast %reduce_sum3A_205 : i1 to vector<16xi1>
      %reduce_sum3A_207 = tpu.scan <sum>, %select_n3A_204 masked %reduce_sum3A_206 : vector<16xf32>, vector<16xi1> -> vector<16xf32>
      %reduce_sum3A_208 = vector.extract %reduce_sum3A_207[15] : f32 from vector<16xf32>
      %iota3A_209 = tpu.iota {dimensions = array<i32: 0>} : vector<16xi32>
      %eq3A_210 = arith.constant 3 : i32
      %eq3A_211 = vector.broadcast %eq3A_210 : i32 to vector<16xi32>
      %eq3A_212 = arith.cmpi eq, %iota3A_209, %eq3A_211 : vector<16xi32>
      %jit3A_213 = arith.constant 0.000000e+00 : f32
      %broadcast_in_dim3A_214 = vector.broadcast %jit3A_213 : f32 to vector<16xf32>
      %select_n3A_215 = arith.select %eq3A_212, %get3A_16, %broadcast_in_dim3A_214 : vector<16xi1>, vector<16xf32>
      %reduce_sum3A_216 = arith.constant true
      %reduce_sum3A_217 = vector.broadcast %reduce_sum3A_216 : i1 to vector<16xi1>
      %reduce_sum3A_218 = tpu.scan <sum>, %select_n3A_215 masked %reduce_sum3A_217 : vector<16xf32>, vector<16xi1> -> vector<16xf32>
      %reduce_sum3A_219 = vector.extract %reduce_sum3A_218[15] : f32 from vector<16xf32>
      %iota3A_220 = tpu.iota {dimensions = array<i32: 0>} : vector<16xi32>
      %eq3A_221 = arith.constant 4 : i32
      %eq3A_222 = vector.broadcast %eq3A_221 : i32 to vector<16xi32>
      %eq3A_223 = arith.cmpi eq, %iota3A_220, %eq3A_222 : vector<16xi32>
      %jit3A_224 = arith.constant 0.000000e+00 : f32
      %broadcast_in_dim3A_225 = vector.broadcast %jit3A_224 : f32 to vector<16xf32>
      %select_n3A_226 = arith.select %eq3A_223, %get3A_16, %broadcast_in_dim3A_225 : vector<16xi1>, vector<16xf32>
      %reduce_sum3A_227 = arith.constant true
      %reduce_sum3A_228 = vector.broadcast %reduce_sum3A_227 : i1 to vector<16xi1>
      %reduce_sum3A_229 = tpu.scan <sum>, %select_n3A_226 masked %reduce_sum3A_228 : vector<16xf32>, vector<16xi1> -> vector<16xf32>
      %reduce_sum3A_230 = vector.extract %reduce_sum3A_229[15] : f32 from vector<16xf32>
      %iota3A_231 = tpu.iota {dimensions = array<i32: 0>} : vector<16xi32>
      %eq3A_232 = arith.constant 5 : i32
      %eq3A_233 = vector.broadcast %eq3A_232 : i32 to vector<16xi32>
      %eq3A_234 = arith.cmpi eq, %iota3A_231, %eq3A_233 : vector<16xi32>
      %jit3A_235 = arith.constant 0.000000e+00 : f32
      %broadcast_in_dim3A_236 = vector.broadcast %jit3A_235 : f32 to vector<16xf32>
      %select_n3A_237 = arith.select %eq3A_234, %get3A_16, %broadcast_in_dim3A_236 : vector<16xi1>, vector<16xf32>
      %reduce_sum3A_238 = arith.constant true
      %reduce_sum3A_239 = vector.broadcast %reduce_sum3A_238 : i1 to vector<16xi1>
      %reduce_sum3A_240 = tpu.scan <sum>, %select_n3A_237 masked %reduce_sum3A_239 : vector<16xf32>, vector<16xi1> -> vector<16xf32>
      %reduce_sum3A_241 = vector.extract %reduce_sum3A_240[15] : f32 from vector<16xf32>
      %iota3A_242 = tpu.iota {dimensions = array<i32: 0>} : vector<16xi32>
      %eq3A_243 = arith.constant 6 : i32
      %eq3A_244 = vector.broadcast %eq3A_243 : i32 to vector<16xi32>
      %eq3A_245 = arith.cmpi eq, %iota3A_242, %eq3A_244 : vector<16xi32>
      %jit3A_246 = arith.constant 0.000000e+00 : f32
      %broadcast_in_dim3A_247 = vector.broadcast %jit3A_246 : f32 to vector<16xf32>
      %select_n3A_248 = arith.select %eq3A_245, %get3A_16, %broadcast_in_dim3A_247 : vector<16xi1>, vector<16xf32>
      %reduce_sum3A_249 = arith.constant true
      %reduce_sum3A_250 = vector.broadcast %reduce_sum3A_249 : i1 to vector<16xi1>
      %reduce_sum3A_251 = tpu.scan <sum>, %select_n3A_248 masked %reduce_sum3A_250 : vector<16xf32>, vector<16xi1> -> vector<16xf32>
      %reduce_sum3A_252 = vector.extract %reduce_sum3A_251[15] : f32 from vector<16xf32>
      %iota3A_253 = tpu.iota {dimensions = array<i32: 0>} : vector<16xi32>
      %eq3A_254 = arith.constant 7 : i32
      %eq3A_255 = vector.broadcast %eq3A_254 : i32 to vector<16xi32>
      %eq3A_256 = arith.cmpi eq, %iota3A_253, %eq3A_255 : vector<16xi32>
      %jit3A_257 = arith.constant 0.000000e+00 : f32
      %broadcast_in_dim3A_258 = vector.broadcast %jit3A_257 : f32 to vector<16xf32>
      %select_n3A_259 = arith.select %eq3A_256, %get3A_16, %broadcast_in_dim3A_258 : vector<16xi1>, vector<16xf32>
      %reduce_sum3A_260 = arith.constant true
      %reduce_sum3A_261 = vector.broadcast %reduce_sum3A_260 : i1 to vector<16xi1>
      %reduce_sum3A_262 = tpu.scan <sum>, %select_n3A_259 masked %reduce_sum3A_261 : vector<16xf32>, vector<16xi1> -> vector<16xf32>
      %reduce_sum3A_263 = vector.extract %reduce_sum3A_262[15] : f32 from vector<16xf32>
      %iota3A_264 = tpu.iota {dimensions = array<i32: 0>} : vector<16xi32>
      %eq3A_265 = arith.constant 0 : i32
      %eq3A_266 = vector.broadcast %eq3A_265 : i32 to vector<16xi32>
      %eq3A_267 = arith.cmpi eq, %iota3A_264, %eq3A_266 : vector<16xi32>
      %jit3A_268 = arith.constant 0.000000e+00 : f32
      %broadcast_in_dim3A_269 = vector.broadcast %jit3A_268 : f32 to vector<16xf32>
      %select_n3A_270 = arith.select %eq3A_267, %div3A_175, %broadcast_in_dim3A_269 : vector<16xi1>, vector<16xf32>
      %reduce_sum3A_271 = arith.constant true
      %reduce_sum3A_272 = vector.broadcast %reduce_sum3A_271 : i1 to vector<16xi1>
      %reduce_sum3A_273 = tpu.scan <sum>, %select_n3A_270 masked %reduce_sum3A_272 : vector<16xf32>, vector<16xi1> -> vector<16xf32>
      %reduce_sum3A_274 = vector.extract %reduce_sum3A_273[15] : f32 from vector<16xf32>
      %iota3A_275 = tpu.iota {dimensions = array<i32: 0>} : vector<16xi32>
      %eq3A_276 = arith.constant 1 : i32
      %eq3A_277 = vector.broadcast %eq3A_276 : i32 to vector<16xi32>
      %eq3A_278 = arith.cmpi eq, %iota3A_275, %eq3A_277 : vector<16xi32>
      %jit3A_279 = arith.constant 0.000000e+00 : f32
      %broadcast_in_dim3A_280 = vector.broadcast %jit3A_279 : f32 to vector<16xf32>
      %select_n3A_281 = arith.select %eq3A_278, %div3A_175, %broadcast_in_dim3A_280 : vector<16xi1>, vector<16xf32>
      %reduce_sum3A_282 = arith.constant true
      %reduce_sum3A_283 = vector.broadcast %reduce_sum3A_282 : i1 to vector<16xi1>
      %reduce_sum3A_284 = tpu.scan <sum>, %select_n3A_281 masked %reduce_sum3A_283 : vector<16xf32>, vector<16xi1> -> vector<16xf32>
      %reduce_sum3A_285 = vector.extract %reduce_sum3A_284[15] : f32 from vector<16xf32>
      %iota3A_286 = tpu.iota {dimensions = array<i32: 0>} : vector<16xi32>
      %eq3A_287 = arith.constant 2 : i32
      %eq3A_288 = vector.broadcast %eq3A_287 : i32 to vector<16xi32>
      %eq3A_289 = arith.cmpi eq, %iota3A_286, %eq3A_288 : vector<16xi32>
      %jit3A_290 = arith.constant 0.000000e+00 : f32
      %broadcast_in_dim3A_291 = vector.broadcast %jit3A_290 : f32 to vector<16xf32>
      %select_n3A_292 = arith.select %eq3A_289, %div3A_175, %broadcast_in_dim3A_291 : vector<16xi1>, vector<16xf32>
      %reduce_sum3A_293 = arith.constant true
      %reduce_sum3A_294 = vector.broadcast %reduce_sum3A_293 : i1 to vector<16xi1>
      %reduce_sum3A_295 = tpu.scan <sum>, %select_n3A_292 masked %reduce_sum3A_294 : vector<16xf32>, vector<16xi1> -> vector<16xf32>
      %reduce_sum3A_296 = vector.extract %reduce_sum3A_295[15] : f32 from vector<16xf32>
      %iota3A_297 = tpu.iota {dimensions = array<i32: 0>} : vector<16xi32>
      %eq3A_298 = arith.constant 3 : i32
      %eq3A_299 = vector.broadcast %eq3A_298 : i32 to vector<16xi32>
      %eq3A_300 = arith.cmpi eq, %iota3A_297, %eq3A_299 : vector<16xi32>
      %jit3A_301 = arith.constant 0.000000e+00 : f32
      %broadcast_in_dim3A_302 = vector.broadcast %jit3A_301 : f32 to vector<16xf32>
      %select_n3A_303 = arith.select %eq3A_300, %div3A_175, %broadcast_in_dim3A_302 : vector<16xi1>, vector<16xf32>
      %reduce_sum3A_304 = arith.constant true
      %reduce_sum3A_305 = vector.broadcast %reduce_sum3A_304 : i1 to vector<16xi1>
      %reduce_sum3A_306 = tpu.scan <sum>, %select_n3A_303 masked %reduce_sum3A_305 : vector<16xf32>, vector<16xi1> -> vector<16xf32>
      %reduce_sum3A_307 = vector.extract %reduce_sum3A_306[15] : f32 from vector<16xf32>
      %iota3A_308 = tpu.iota {dimensions = array<i32: 0>} : vector<16xi32>
      %eq3A_309 = arith.constant 4 : i32
      %eq3A_310 = vector.broadcast %eq3A_309 : i32 to vector<16xi32>
      %eq3A_311 = arith.cmpi eq, %iota3A_308, %eq3A_310 : vector<16xi32>
      %jit3A_312 = arith.constant 0.000000e+00 : f32
      %broadcast_in_dim3A_313 = vector.broadcast %jit3A_312 : f32 to vector<16xf32>
      %select_n3A_314 = arith.select %eq3A_311, %div3A_175, %broadcast_in_dim3A_313 : vector<16xi1>, vector<16xf32>
      %reduce_sum3A_315 = arith.constant true
      %reduce_sum3A_316 = vector.broadcast %reduce_sum3A_315 : i1 to vector<16xi1>
      %reduce_sum3A_317 = tpu.scan <sum>, %select_n3A_314 masked %reduce_sum3A_316 : vector<16xf32>, vector<16xi1> -> vector<16xf32>
      %reduce_sum3A_318 = vector.extract %reduce_sum3A_317[15] : f32 from vector<16xf32>
      %iota3A_319 = tpu.iota {dimensions = array<i32: 0>} : vector<16xi32>
      %eq3A_320 = arith.constant 5 : i32
      %eq3A_321 = vector.broadcast %eq3A_320 : i32 to vector<16xi32>
      %eq3A_322 = arith.cmpi eq, %iota3A_319, %eq3A_321 : vector<16xi32>
      %jit3A_323 = arith.constant 0.000000e+00 : f32
      %broadcast_in_dim3A_324 = vector.broadcast %jit3A_323 : f32 to vector<16xf32>
      %select_n3A_325 = arith.select %eq3A_322, %div3A_175, %broadcast_in_dim3A_324 : vector<16xi1>, vector<16xf32>
      %reduce_sum3A_326 = arith.constant true
      %reduce_sum3A_327 = vector.broadcast %reduce_sum3A_326 : i1 to vector<16xi1>
      %reduce_sum3A_328 = tpu.scan <sum>, %select_n3A_325 masked %reduce_sum3A_327 : vector<16xf32>, vector<16xi1> -> vector<16xf32>
      %reduce_sum3A_329 = vector.extract %reduce_sum3A_328[15] : f32 from vector<16xf32>
      %iota3A_330 = tpu.iota {dimensions = array<i32: 0>} : vector<16xi32>
      %eq3A_331 = arith.constant 6 : i32
      %eq3A_332 = vector.broadcast %eq3A_331 : i32 to vector<16xi32>
      %eq3A_333 = arith.cmpi eq, %iota3A_330, %eq3A_332 : vector<16xi32>
      %jit3A_334 = arith.constant 0.000000e+00 : f32
      %broadcast_in_dim3A_335 = vector.broadcast %jit3A_334 : f32 to vector<16xf32>
      %select_n3A_336 = arith.select %eq3A_333, %div3A_175, %broadcast_in_dim3A_335 : vector<16xi1>, vector<16xf32>
      %reduce_sum3A_337 = arith.constant true
      %reduce_sum3A_338 = vector.broadcast %reduce_sum3A_337 : i1 to vector<16xi1>
      %reduce_sum3A_339 = tpu.scan <sum>, %select_n3A_336 masked %reduce_sum3A_338 : vector<16xf32>, vector<16xi1> -> vector<16xf32>
      %reduce_sum3A_340 = vector.extract %reduce_sum3A_339[15] : f32 from vector<16xf32>
      %iota3A_341 = tpu.iota {dimensions = array<i32: 0>} : vector<16xi32>
      %eq3A_342 = arith.constant 7 : i32
      %eq3A_343 = vector.broadcast %eq3A_342 : i32 to vector<16xi32>
      %eq3A_344 = arith.cmpi eq, %iota3A_341, %eq3A_343 : vector<16xi32>
      %jit3A_345 = arith.constant 0.000000e+00 : f32
      %broadcast_in_dim3A_346 = vector.broadcast %jit3A_345 : f32 to vector<16xf32>
      %select_n3A_347 = arith.select %eq3A_344, %div3A_175, %broadcast_in_dim3A_346 : vector<16xi1>, vector<16xf32>
      %reduce_sum3A_348 = arith.constant true
      %reduce_sum3A_349 = vector.broadcast %reduce_sum3A_348 : i1 to vector<16xi1>
      %reduce_sum3A_350 = tpu.scan <sum>, %select_n3A_347 masked %reduce_sum3A_349 : vector<16xf32>, vector<16xi1> -> vector<16xf32>
      %reduce_sum3A_351 = vector.extract %reduce_sum3A_350[15] : f32 from vector<16xf32>
      %scan3A_352 = arith.constant 0 : i32
      %scan3A_353 = arith.constant 0 : i32
      %scan3A_354 = arith.constant 672 : i32
      %scan3A_355 = arith.addi %scan3A_353, %scan3A_354 : i32
      %scan3A_356 = arith.constant 4 : i32
      %scan3A_357 = scf.for %scan3A_359 = %scan3A_353 to %scan3A_355 step %scan3A_356 iter_args(%scan3A_360 = %scan3A_352) -> (i32)  : i32 {
        %mul3A_361 = arith.constant 16 : i32
        %mul3A_362 = arith.muli %scan3A_359, %mul3A_361 : i32
        %get3A_363 = arith.index_cast %mul3A_362 : i32 to index
        %get3A_364 = tpu.vector_load %arg13[%get3A_363] {strides = array<i32>} : memref<10752xf32, #tpu.memory_space<vmem>>, vector<16xf32>,
        %get3A_365 = arith.index_cast %mul3A_362 : i32 to index
        %get3A_366 = tpu.vector_load %arg14[%get3A_365] {strides = array<i32>} : memref<10752xf32, #tpu.memory_space<vmem>>, vector<16xf32>,
        %mul3A_367 = vector.broadcast %reduce_sum3A_186 : f32 to vector<16xf32>
        %mul3A_368 = arith.mulf %mul3A_367, %get3A_366 : vector<16xf32>
        %add3A_369 = arith.addf %get3A_364, %mul3A_368 : vector<16xf32>
        %mul3A_370 = vector.broadcast %reduce_sum3A_274 : f32 to vector<16xf32>
        %mul3A_371 = arith.mulf %add3A_369, %mul3A_370 : vector<16xf32>
        %swap3A = arith.constant 0 : i32
        %swap3A_372 = arith.index_cast %swap3A : i32 to index
        %swap3A_373 = arith.index_cast %mul3A_362 : i32 to index
        %swap3A_374 = tpu.vector_load %arg12[%swap3A_372, %swap3A_373] {strides = array<i32>} : memref<8x10752xf32, #tpu.memory_space<vmem>>, vector<16xf32>,
        tpu.vector_store %arg12[%swap3A_372, %swap3A_373], %mul3A_371 {strides = array<i32>} : memref<8x10752xf32, #tpu.memory_space<vmem>>, vector<16xf32>,
        %mul3A_375 = vector.broadcast %reduce_sum3A_197 : f32 to vector<16xf32>
        %mul3A_376 = arith.mulf %mul3A_375, %get3A_366 : vector<16xf32>
        %add3A_377 = arith.addf %get3A_364, %mul3A_376 : vector<16xf32>
        %mul3A_378 = vector.broadcast %reduce_sum3A_285 : f32 to vector<16xf32>
        %mul3A_379 = arith.mulf %add3A_377, %mul3A_378 : vector<16xf32>
        %swap3A_380 = arith.constant 1 : i32
        %swap3A_381 = arith.index_cast %swap3A_380 : i32 to index
        %swap3A_382 = arith.index_cast %mul3A_362 : i32 to index
        %swap3A_383 = tpu.vector_load %arg12[%swap3A_381, %swap3A_382] {strides = array<i32>} : memref<8x10752xf32, #tpu.memory_space<vmem>>, vector<16xf32>,
        tpu.vector_store %arg12[%swap3A_381, %swap3A_382], %mul3A_379 {strides = array<i32>} : memref<8x10752xf32, #tpu.memory_space<vmem>>, vector<16xf32>,
        %mul3A_384 = vector.broadcast %reduce_sum3A_208 : f32 to vector<16xf32>
        %mul3A_385 = arith.mulf %mul3A_384, %get3A_366 : vector<16xf32>
        %add3A_386 = arith.addf %get3A_364, %mul3A_385 : vector<16xf32>
        %mul3A_387 = vector.broadcast %reduce_sum3A_296 : f32 to vector<16xf32>
        %mul3A_388 = arith.mulf %add3A_386, %mul3A_387 : vector<16xf32>
        %swap3A_389 = arith.constant 2 : i32
        %swap3A_390 = arith.index_cast %swap3A_389 : i32 to index
        %swap3A_391 = arith.index_cast %mul3A_362 : i32 to index
        %swap3A_392 = tpu.vector_load %arg12[%swap3A_390, %swap3A_391] {strides = array<i32>} : memref<8x10752xf32, #tpu.memory_space<vmem>>, vector<16xf32>,
        tpu.vector_store %arg12[%swap3A_390, %swap3A_391], %mul3A_388 {strides = array<i32>} : memref<8x10752xf32, #tpu.memory_space<vmem>>, vector<16xf32>,
        %mul3A_393 = vector.broadcast %reduce_sum3A_219 : f32 to vector<16xf32>
        %mul3A_394 = arith.mulf %mul3A_393, %get3A_366 : vector<16xf32>
        %add3A_395 = arith.addf %get3A_364, %mul3A_394 : vector<16xf32>
        %mul3A_396 = vector.broadcast %reduce_sum3A_307 : f32 to vector<16xf32>
        %mul3A_397 = arith.mulf %add3A_395, %mul3A_396 : vector<16xf32>
        %swap3A_398 = arith.constant 3 : i32
        %swap3A_399 = arith.index_cast %swap3A_398 : i32 to index
        %swap3A_400 = arith.index_cast %mul3A_362 : i32 to index
        %swap3A_401 = tpu.vector_load %arg12[%swap3A_399, %swap3A_400] {strides = array<i32>} : memref<8x10752xf32, #tpu.memory_space<vmem>>, vector<16xf32>,
        tpu.vector_store %arg12[%swap3A_399, %swap3A_400], %mul3A_397 {strides = array<i32>} : memref<8x10752xf32, #tpu.memory_space<vmem>>, vector<16xf32>,
        %mul3A_402 = vector.broadcast %reduce_sum3A_230 : f32 to vector<16xf32>
        %mul3A_403 = arith.mulf %mul3A_402, %get3A_366 : vector<16xf32>
        %add3A_404 = arith.addf %get3A_364, %mul3A_403 : vector<16xf32>
        %mul3A_405 = vector.broadcast %reduce_sum3A_318 : f32 to vector<16xf32>
        %mul3A_406 = arith.mulf %add3A_404, %mul3A_405 : vector<16xf32>
        %swap3A_407 = arith.constant 4 : i32
        %swap3A_408 = arith.index_cast %swap3A_407 : i32 to index
        %swap3A_409 = arith.index_cast %mul3A_362 : i32 to index
        %swap3A_410 = tpu.vector_load %arg12[%swap3A_408, %swap3A_409] {strides = array<i32>} : memref<8x10752xf32, #tpu.memory_space<vmem>>, vector<16xf32>,
        tpu.vector_store %arg12[%swap3A_408, %swap3A_409], %mul3A_406 {strides = array<i32>} : memref<8x10752xf32, #tpu.memory_space<vmem>>, vector<16xf32>,
        %mul3A_411 = vector.broadcast %reduce_sum3A_241 : f32 to vector<16xf32>
        %mul3A_412 = arith.mulf %mul3A_411, %get3A_366 : vector<16xf32>
        %add3A_413 = arith.addf %get3A_364, %mul3A_412 : vector<16xf32>
        %mul3A_414 = vector.broadcast %reduce_sum3A_329 : f32 to vector<16xf32>
        %mul3A_415 = arith.mulf %add3A_413, %mul3A_414 : vector<16xf32>
        %swap3A_416 = arith.constant 5 : i32
        %swap3A_417 = arith.index_cast %swap3A_416 : i32 to index
        %swap3A_418 = arith.index_cast %mul3A_362 : i32 to index
        %swap3A_419 = tpu.vector_load %arg12[%swap3A_417, %swap3A_418] {strides = array<i32>} : memref<8x10752xf32, #tpu.memory_space<vmem>>, vector<16xf32>,
        tpu.vector_store %arg12[%swap3A_417, %swap3A_418], %mul3A_415 {strides = array<i32>} : memref<8x10752xf32, #tpu.memory_space<vmem>>, vector<16xf32>,
        %mul3A_420 = vector.broadcast %reduce_sum3A_252 : f32 to vector<16xf32>
        %mul3A_421 = arith.mulf %mul3A_420, %get3A_366 : vector<16xf32>
        %add3A_422 = arith.addf %get3A_364, %mul3A_421 : vector<16xf32>
        %mul3A_423 = vector.broadcast %reduce_sum3A_340 : f32 to vector<16xf32>
        %mul3A_424 = arith.mulf %add3A_422, %mul3A_423 : vector<16xf32>
        %swap3A_425 = arith.constant 6 : i32
        %swap3A_426 = arith.index_cast %swap3A_425 : i32 to index
        %swap3A_427 = arith.index_cast %mul3A_362 : i32 to index
        %swap3A_428 = tpu.vector_load %arg12[%swap3A_426, %swap3A_427] {strides = array<i32>} : memref<8x10752xf32, #tpu.memory_space<vmem>>, vector<16xf32>,
        tpu.vector_store %arg12[%swap3A_426, %swap3A_427], %mul3A_424 {strides = array<i32>} : memref<8x10752xf32, #tpu.memory_space<vmem>>, vector<16xf32>,
        %mul3A_429 = vector.broadcast %reduce_sum3A_263 : f32 to vector<16xf32>
        %mul3A_430 = arith.mulf %mul3A_429, %get3A_366 : vector<16xf32>
        %add3A_431 = arith.addf %get3A_364, %mul3A_430 : vector<16xf32>
        %mul3A_432 = vector.broadcast %reduce_sum3A_351 : f32 to vector<16xf32>
        %mul3A_433 = arith.mulf %add3A_431, %mul3A_432 : vector<16xf32>
        %swap3A_434 = arith.constant 7 : i32
        %swap3A_435 = arith.index_cast %swap3A_434 : i32 to index
        %swap3A_436 = arith.index_cast %mul3A_362 : i32 to index
        %swap3A_437 = tpu.vector_load %arg12[%swap3A_435, %swap3A_436] {strides = array<i32>} : memref<8x10752xf32, #tpu.memory_space<vmem>>, vector<16xf32>,
        tpu.vector_store %arg12[%swap3A_435, %swap3A_436], %mul3A_433 {strides = array<i32>} : memref<8x10752xf32, #tpu.memory_space<vmem>>, vector<16xf32>,
        %scan3A_438 = arith.constant 0 : i32
        %scan3A_439 = arith.constant 1 : i32
        %scan3A_440 = arith.addi %scan3A_359, %scan3A_439 : i32
        %mul3A_441 = arith.constant 16 : i32
        %mul3A_442 = arith.muli %scan3A_440, %mul3A_441 : i32
        %get3A_443 = arith.index_cast %mul3A_442 : i32 to index
        %get3A_444 = tpu.vector_load %arg13[%get3A_443] {strides = array<i32>} : memref<10752xf32, #tpu.memory_space<vmem>>, vector<16xf32>,
        %get3A_445 = arith.index_cast %mul3A_442 : i32 to index
        %get3A_446 = tpu.vector_load %arg14[%get3A_445] {strides = array<i32>} : memref<10752xf32, #tpu.memory_space<vmem>>, vector<16xf32>,
        %mul3A_447 = vector.broadcast %reduce_sum3A_186 : f32 to vector<16xf32>
        %mul3A_448 = arith.mulf %mul3A_447, %get3A_446 : vector<16xf32>
        %add3A_449 = arith.addf %get3A_444, %mul3A_448 : vector<16xf32>
        %mul3A_450 = vector.broadcast %reduce_sum3A_274 : f32 to vector<16xf32>
        %mul3A_451 = arith.mulf %add3A_449, %mul3A_450 : vector<16xf32>
        %swap3A_452 = arith.constant 0 : i32
        %swap3A_453 = arith.index_cast %swap3A_452 : i32 to index
        %swap3A_454 = arith.index_cast %mul3A_442 : i32 to index
        %swap3A_455 = tpu.vector_load %arg12[%swap3A_453, %swap3A_454] {strides = array<i32>} : memref<8x10752xf32, #tpu.memory_space<vmem>>, vector<16xf32>,
        tpu.vector_store %arg12[%swap3A_453, %swap3A_454], %mul3A_451 {strides = array<i32>} : memref<8x10752xf32, #tpu.memory_space<vmem>>, vector<16xf32>,
        %mul3A_456 = vector.broadcast %reduce_sum3A_197 : f32 to vector<16xf32>
        %mul3A_457 = arith.mulf %mul3A_456, %get3A_446 : vector<16xf32>
        %add3A_458 = arith.addf %get3A_444, %mul3A_457 : vector<16xf32>
        %mul3A_459 = vector.broadcast %reduce_sum3A_285 : f32 to vector<16xf32>
        %mul3A_460 = arith.mulf %add3A_458, %mul3A_459 : vector<16xf32>
        %swap3A_461 = arith.constant 1 : i32
        %swap3A_462 = arith.index_cast %swap3A_461 : i32 to index
        %swap3A_463 = arith.index_cast %mul3A_442 : i32 to index
        %swap3A_464 = tpu.vector_load %arg12[%swap3A_462, %swap3A_463] {strides = array<i32>} : memref<8x10752xf32, #tpu.memory_space<vmem>>, vector<16xf32>,
        tpu.vector_store %arg12[%swap3A_462, %swap3A_463], %mul3A_460 {strides = array<i32>} : memref<8x10752xf32, #tpu.memory_space<vmem>>, vector<16xf32>,
        %mul3A_465 = vector.broadcast %reduce_sum3A_208 : f32 to vector<16xf32>
        %mul3A_466 = arith.mulf %mul3A_465, %get3A_446 : vector<16xf32>
        %add3A_467 = arith.addf %get3A_444, %mul3A_466 : vector<16xf32>
        %mul3A_468 = vector.broadcast %reduce_sum3A_296 : f32 to vector<16xf32>
        %mul3A_469 = arith.mulf %add3A_467, %mul3A_468 : vector<16xf32>
        %swap3A_470 = arith.constant 2 : i32
        %swap3A_471 = arith.index_cast %swap3A_470 : i32 to index
        %swap3A_472 = arith.index_cast %mul3A_442 : i32 to index
        %swap3A_473 = tpu.vector_load %arg12[%swap3A_471, %swap3A_472] {strides = array<i32>} : memref<8x10752xf32, #tpu.memory_space<vmem>>, vector<16xf32>,
        tpu.vector_store %arg12[%swap3A_471, %swap3A_472], %mul3A_469 {strides = array<i32>} : memref<8x10752xf32, #tpu.memory_space<vmem>>, vector<16xf32>,
        %mul3A_474 = vector.broadcast %reduce_sum3A_219 : f32 to vector<16xf32>
        %mul3A_475 = arith.mulf %mul3A_474, %get3A_446 : vector<16xf32>
        %add3A_476 = arith.addf %get3A_444, %mul3A_475 : vector<16xf32>
        %mul3A_477 = vector.broadcast %reduce_sum3A_307 : f32 to vector<16xf32>
        %mul3A_478 = arith.mulf %add3A_476, %mul3A_477 : vector<16xf32>
        %swap3A_479 = arith.constant 3 : i32
        %swap3A_480 = arith.index_cast %swap3A_479 : i32 to index
        %swap3A_481 = arith.index_cast %mul3A_442 : i32 to index
        %swap3A_482 = tpu.vector_load %arg12[%swap3A_480, %swap3A_481] {strides = array<i32>} : memref<8x10752xf32, #tpu.memory_space<vmem>>, vector<16xf32>,
        tpu.vector_store %arg12[%swap3A_480, %swap3A_481], %mul3A_478 {strides = array<i32>} : memref<8x10752xf32, #tpu.memory_space<vmem>>, vector<16xf32>,
        %mul3A_483 = vector.broadcast %reduce_sum3A_230 : f32 to vector<16xf32>
        %mul3A_484 = arith.mulf %mul3A_483, %get3A_446 : vector<16xf32>
        %add3A_485 = arith.addf %get3A_444, %mul3A_484 : vector<16xf32>
        %mul3A_486 = vector.broadcast %reduce_sum3A_318 : f32 to vector<16xf32>
        %mul3A_487 = arith.mulf %add3A_485, %mul3A_486 : vector<16xf32>
        %swap3A_488 = arith.constant 4 : i32
        %swap3A_489 = arith.index_cast %swap3A_488 : i32 to index
        %swap3A_490 = arith.index_cast %mul3A_442 : i32 to index
        %swap3A_491 = tpu.vector_load %arg12[%swap3A_489, %swap3A_490] {strides = array<i32>} : memref<8x10752xf32, #tpu.memory_space<vmem>>, vector<16xf32>,
        tpu.vector_store %arg12[%swap3A_489, %swap3A_490], %mul3A_487 {strides = array<i32>} : memref<8x10752xf32, #tpu.memory_space<vmem>>, vector<16xf32>,
        %mul3A_492 = vector.broadcast %reduce_sum3A_241 : f32 to vector<16xf32>
        %mul3A_493 = arith.mulf %mul3A_492, %get3A_446 : vector<16xf32>
        %add3A_494 = arith.addf %get3A_444, %mul3A_493 : vector<16xf32>
        %mul3A_495 = vector.broadcast %reduce_sum3A_329 : f32 to vector<16xf32>
        %mul3A_496 = arith.mulf %add3A_494, %mul3A_495 : vector<16xf32>
        %swap3A_497 = arith.constant 5 : i32
        %swap3A_498 = arith.index_cast %swap3A_497 : i32 to index
        %swap3A_499 = arith.index_cast %mul3A_442 : i32 to index
        %swap3A_500 = tpu.vector_load %arg12[%swap3A_498, %swap3A_499] {strides = array<i32>} : memref<8x10752xf32, #tpu.memory_space<vmem>>, vector<16xf32>,
        tpu.vector_store %arg12[%swap3A_498, %swap3A_499], %mul3A_496 {strides = array<i32>} : memref<8x10752xf32, #tpu.memory_space<vmem>>, vector<16xf32>,
        %mul3A_501 = vector.broadcast %reduce_sum3A_252 : f32 to vector<16xf32>
        %mul3A_502 = arith.mulf %mul3A_501, %get3A_446 : vector<16xf32>
        %add3A_503 = arith.addf %get3A_444, %mul3A_502 : vector<16xf32>
        %mul3A_504 = vector.broadcast %reduce_sum3A_340 : f32 to vector<16xf32>
        %mul3A_505 = arith.mulf %add3A_503, %mul3A_504 : vector<16xf32>
        %swap3A_506 = arith.constant 6 : i32
        %swap3A_507 = arith.index_cast %swap3A_506 : i32 to index
        %swap3A_508 = arith.index_cast %mul3A_442 : i32 to index
        %swap3A_509 = tpu.vector_load %arg12[%swap3A_507, %swap3A_508] {strides = array<i32>} : memref<8x10752xf32, #tpu.memory_space<vmem>>, vector<16xf32>,
        tpu.vector_store %arg12[%swap3A_507, %swap3A_508], %mul3A_505 {strides = array<i32>} : memref<8x10752xf32, #tpu.memory_space<vmem>>, vector<16xf32>,
        %mul3A_510 = vector.broadcast %reduce_sum3A_263 : f32 to vector<16xf32>
        %mul3A_511 = arith.mulf %mul3A_510, %get3A_446 : vector<16xf32>
        %add3A_512 = arith.addf %get3A_444, %mul3A_511 : vector<16xf32>
        %mul3A_513 = vector.broadcast %reduce_sum3A_351 : f32 to vector<16xf32>
        %mul3A_514 = arith.mulf %add3A_512, %mul3A_513 : vector<16xf32>
        %swap3A_515 = arith.constant 7 : i32
        %swap3A_516 = arith.index_cast %swap3A_515 : i32 to index
        %swap3A_517 = arith.index_cast %mul3A_442 : i32 to index
        %swap3A_518 = tpu.vector_load %arg12[%swap3A_516, %swap3A_517] {strides = array<i32>} : memref<8x10752xf32, #tpu.memory_space<vmem>>, vector<16xf32>,
        tpu.vector_store %arg12[%swap3A_516, %swap3A_517], %mul3A_514 {strides = array<i32>} : memref<8x10752xf32, #tpu.memory_space<vmem>>, vector<16xf32>,
        %scan3A_519 = arith.constant 0 : i32
        %scan3A_520 = arith.constant 2 : i32
        %scan3A_521 = arith.addi %scan3A_359, %scan3A_520 : i32
        %mul3A_522 = arith.constant 16 : i32
        %mul3A_523 = arith.muli %scan3A_521, %mul3A_522 : i32
        %get3A_524 = arith.index_cast %mul3A_523 : i32 to index
        %get3A_525 = tpu.vector_load %arg13[%get3A_524] {strides = array<i32>} : memref<10752xf32, #tpu.memory_space<vmem>>, vector<16xf32>,
        %get3A_526 = arith.index_cast %mul3A_523 : i32 to index
        %get3A_527 = tpu.vector_load %arg14[%get3A_526] {strides = array<i32>} : memref<10752xf32, #tpu.memory_space<vmem>>, vector<16xf32>,
        %mul3A_528 = vector.broadcast %reduce_sum3A_186 : f32 to vector<16xf32>
        %mul3A_529 = arith.mulf %mul3A_528, %get3A_527 : vector<16xf32>
        %add3A_530 = arith.addf %get3A_525, %mul3A_529 : vector<16xf32>
        %mul3A_531 = vector.broadcast %reduce_sum3A_274 : f32 to vector<16xf32>
        %mul3A_532 = arith.mulf %add3A_530, %mul3A_531 : vector<16xf32>
        %swap3A_533 = arith.constant 0 : i32
        %swap3A_534 = arith.index_cast %swap3A_533 : i32 to index
        %swap3A_535 = arith.index_cast %mul3A_523 : i32 to index
        %swap3A_536 = tpu.vector_load %arg12[%swap3A_534, %swap3A_535] {strides = array<i32>} : memref<8x10752xf32, #tpu.memory_space<vmem>>, vector<16xf32>,
        tpu.vector_store %arg12[%swap3A_534, %swap3A_535], %mul3A_532 {strides = array<i32>} : memref<8x10752xf32, #tpu.memory_space<vmem>>, vector<16xf32>,
        %mul3A_537 = vector.broadcast %reduce_sum3A_197 : f32 to vector<16xf32>
        %mul3A_538 = arith.mulf %mul3A_537, %get3A_527 : vector<16xf32>
        %add3A_539 = arith.addf %get3A_525, %mul3A_538 : vector<16xf32>
        %mul3A_540 = vector.broadcast %reduce_sum3A_285 : f32 to vector<16xf32>
        %mul3A_541 = arith.mulf %add3A_539, %mul3A_540 : vector<16xf32>
        %swap3A_542 = arith.constant 1 : i32
        %swap3A_543 = arith.index_cast %swap3A_542 : i32 to index
        %swap3A_544 = arith.index_cast %mul3A_523 : i32 to index
        %swap3A_545 = tpu.vector_load %arg12[%swap3A_543, %swap3A_544] {strides = array<i32>} : memref<8x10752xf32, #tpu.memory_space<vmem>>, vector<16xf32>,
        tpu.vector_store %arg12[%swap3A_543, %swap3A_544], %mul3A_541 {strides = array<i32>} : memref<8x10752xf32, #tpu.memory_space<vmem>>, vector<16xf32>,
        %mul3A_546 = vector.broadcast %reduce_sum3A_208 : f32 to vector<16xf32>
        %mul3A_547 = arith.mulf %mul3A_546, %get3A_527 : vector<16xf32>
        %add3A_548 = arith.addf %get3A_525, %mul3A_547 : vector<16xf32>
        %mul3A_549 = vector.broadcast %reduce_sum3A_296 : f32 to vector<16xf32>
        %mul3A_550 = arith.mulf %add3A_548, %mul3A_549 : vector<16xf32>
        %swap3A_551 = arith.constant 2 : i32
        %swap3A_552 = arith.index_cast %swap3A_551 : i32 to index
        %swap3A_553 = arith.index_cast %mul3A_523 : i32 to index
        %swap3A_554 = tpu.vector_load %arg12[%swap3A_552, %swap3A_553] {strides = array<i32>} : memref<8x10752xf32, #tpu.memory_space<vmem>>, vector<16xf32>,
        tpu.vector_store %arg12[%swap3A_552, %swap3A_553], %mul3A_550 {strides = array<i32>} : memref<8x10752xf32, #tpu.memory_space<vmem>>, vector<16xf32>,
        %mul3A_555 = vector.broadcast %reduce_sum3A_219 : f32 to vector<16xf32>
        %mul3A_556 = arith.mulf %mul3A_555, %get3A_527 : vector<16xf32>
        %add3A_557 = arith.addf %get3A_525, %mul3A_556 : vector<16xf32>
        %mul3A_558 = vector.broadcast %reduce_sum3A_307 : f32 to vector<16xf32>
        %mul3A_559 = arith.mulf %add3A_557, %mul3A_558 : vector<16xf32>
        %swap3A_560 = arith.constant 3 : i32
        %swap3A_561 = arith.index_cast %swap3A_560 : i32 to index
        %swap3A_562 = arith.index_cast %mul3A_523 : i32 to index
        %swap3A_563 = tpu.vector_load %arg12[%swap3A_561, %swap3A_562] {strides = array<i32>} : memref<8x10752xf32, #tpu.memory_space<vmem>>, vector<16xf32>,
        tpu.vector_store %arg12[%swap3A_561, %swap3A_562], %mul3A_559 {strides = array<i32>} : memref<8x10752xf32, #tpu.memory_space<vmem>>, vector<16xf32>,
        %mul3A_564 = vector.broadcast %reduce_sum3A_230 : f32 to vector<16xf32>
        %mul3A_565 = arith.mulf %mul3A_564, %get3A_527 : vector<16xf32>
        %add3A_566 = arith.addf %get3A_525, %mul3A_565 : vector<16xf32>
        %mul3A_567 = vector.broadcast %reduce_sum3A_318 : f32 to vector<16xf32>
        %mul3A_568 = arith.mulf %add3A_566, %mul3A_567 : vector<16xf32>
        %swap3A_569 = arith.constant 4 : i32
        %swap3A_570 = arith.index_cast %swap3A_569 : i32 to index
        %swap3A_571 = arith.index_cast %mul3A_523 : i32 to index
        %swap3A_572 = tpu.vector_load %arg12[%swap3A_570, %swap3A_571] {strides = array<i32>} : memref<8x10752xf32, #tpu.memory_space<vmem>>, vector<16xf32>,
        tpu.vector_store %arg12[%swap3A_570, %swap3A_571], %mul3A_568 {strides = array<i32>} : memref<8x10752xf32, #tpu.memory_space<vmem>>, vector<16xf32>,
        %mul3A_573 = vector.broadcast %reduce_sum3A_241 : f32 to vector<16xf32>
        %mul3A_574 = arith.mulf %mul3A_573, %get3A_527 : vector<16xf32>
        %add3A_575 = arith.addf %get3A_525, %mul3A_574 : vector<16xf32>
        %mul3A_576 = vector.broadcast %reduce_sum3A_329 : f32 to vector<16xf32>
        %mul3A_577 = arith.mulf %add3A_575, %mul3A_576 : vector<16xf32>
        %swap3A_578 = arith.constant 5 : i32
        %swap3A_579 = arith.index_cast %swap3A_578 : i32 to index
        %swap3A_580 = arith.index_cast %mul3A_523 : i32 to index
        %swap3A_581 = tpu.vector_load %arg12[%swap3A_579, %swap3A_580] {strides = array<i32>} : memref<8x10752xf32, #tpu.memory_space<vmem>>, vector<16xf32>,
        tpu.vector_store %arg12[%swap3A_579, %swap3A_580], %mul3A_577 {strides = array<i32>} : memref<8x10752xf32, #tpu.memory_space<vmem>>, vector<16xf32>,
        %mul3A_582 = vector.broadcast %reduce_sum3A_252 : f32 to vector<16xf32>
        %mul3A_583 = arith.mulf %mul3A_582, %get3A_527 : vector<16xf32>
        %add3A_584 = arith.addf %get3A_525, %mul3A_583 : vector<16xf32>
        %mul3A_585 = vector.broadcast %reduce_sum3A_340 : f32 to vector<16xf32>
        %mul3A_586 = arith.mulf %add3A_584, %mul3A_585 : vector<16xf32>
        %swap3A_587 = arith.constant 6 : i32
        %swap3A_588 = arith.index_cast %swap3A_587 : i32 to index
        %swap3A_589 = arith.index_cast %mul3A_523 : i32 to index
        %swap3A_590 = tpu.vector_load %arg12[%swap3A_588, %swap3A_589] {strides = array<i32>} : memref<8x10752xf32, #tpu.memory_space<vmem>>, vector<16xf32>,
        tpu.vector_store %arg12[%swap3A_588, %swap3A_589], %mul3A_586 {strides = array<i32>} : memref<8x10752xf32, #tpu.memory_space<vmem>>, vector<16xf32>,
        %mul3A_591 = vector.broadcast %reduce_sum3A_263 : f32 to vector<16xf32>
        %mul3A_592 = arith.mulf %mul3A_591, %get3A_527 : vector<16xf32>
        %add3A_593 = arith.addf %get3A_525, %mul3A_592 : vector<16xf32>
        %mul3A_594 = vector.broadcast %reduce_sum3A_351 : f32 to vector<16xf32>
        %mul3A_595 = arith.mulf %add3A_593, %mul3A_594 : vector<16xf32>
        %swap3A_596 = arith.constant 7 : i32
        %swap3A_597 = arith.index_cast %swap3A_596 : i32 to index
        %swap3A_598 = arith.index_cast %mul3A_523 : i32 to index
        %swap3A_599 = tpu.vector_load %arg12[%swap3A_597, %swap3A_598] {strides = array<i32>} : memref<8x10752xf32, #tpu.memory_space<vmem>>, vector<16xf32>,
        tpu.vector_store %arg12[%swap3A_597, %swap3A_598], %mul3A_595 {strides = array<i32>} : memref<8x10752xf32, #tpu.memory_space<vmem>>, vector<16xf32>,
        %scan3A_600 = arith.constant 0 : i32
        %scan3A_601 = arith.constant 3 : i32
        %scan3A_602 = arith.addi %scan3A_359, %scan3A_601 : i32
        %mul3A_603 = arith.constant 16 : i32
        %mul3A_604 = arith.muli %scan3A_602, %mul3A_603 : i32
        %get3A_605 = arith.index_cast %mul3A_604 : i32 to index
        %get3A_606 = tpu.vector_load %arg13[%get3A_605] {strides = array<i32>} : memref<10752xf32, #tpu.memory_space<vmem>>, vector<16xf32>,
        %get3A_607 = arith.index_cast %mul3A_604 : i32 to index
        %get3A_608 = tpu.vector_load %arg14[%get3A_607] {strides = array<i32>} : memref<10752xf32, #tpu.memory_space<vmem>>, vector<16xf32>,
        %mul3A_609 = vector.broadcast %reduce_sum3A_186 : f32 to vector<16xf32>
        %mul3A_610 = arith.mulf %mul3A_609, %get3A_608 : vector<16xf32>
        %add3A_611 = arith.addf %get3A_606, %mul3A_610 : vector<16xf32>
        %mul3A_612 = vector.broadcast %reduce_sum3A_274 : f32 to vector<16xf32>
        %mul3A_613 = arith.mulf %add3A_611, %mul3A_612 : vector<16xf32>
        %swap3A_614 = arith.constant 0 : i32
        %swap3A_615 = arith.index_cast %swap3A_614 : i32 to index
        %swap3A_616 = arith.index_cast %mul3A_604 : i32 to index
        %swap3A_617 = tpu.vector_load %arg12[%swap3A_615, %swap3A_616] {strides = array<i32>} : memref<8x10752xf32, #tpu.memory_space<vmem>>, vector<16xf32>,
        tpu.vector_store %arg12[%swap3A_615, %swap3A_616], %mul3A_613 {strides = array<i32>} : memref<8x10752xf32, #tpu.memory_space<vmem>>, vector<16xf32>,
        %mul3A_618 = vector.broadcast %reduce_sum3A_197 : f32 to vector<16xf32>
        %mul3A_619 = arith.mulf %mul3A_618, %get3A_608 : vector<16xf32>
        %add3A_620 = arith.addf %get3A_606, %mul3A_619 : vector<16xf32>
        %mul3A_621 = vector.broadcast %reduce_sum3A_285 : f32 to vector<16xf32>
        %mul3A_622 = arith.mulf %add3A_620, %mul3A_621 : vector<16xf32>
        %swap3A_623 = arith.constant 1 : i32
        %swap3A_624 = arith.index_cast %swap3A_623 : i32 to index
        %swap3A_625 = arith.index_cast %mul3A_604 : i32 to index
        %swap3A_626 = tpu.vector_load %arg12[%swap3A_624, %swap3A_625] {strides = array<i32>} : memref<8x10752xf32, #tpu.memory_space<vmem>>, vector<16xf32>,
        tpu.vector_store %arg12[%swap3A_624, %swap3A_625], %mul3A_622 {strides = array<i32>} : memref<8x10752xf32, #tpu.memory_space<vmem>>, vector<16xf32>,
        %mul3A_627 = vector.broadcast %reduce_sum3A_208 : f32 to vector<16xf32>
        %mul3A_628 = arith.mulf %mul3A_627, %get3A_608 : vector<16xf32>
        %add3A_629 = arith.addf %get3A_606, %mul3A_628 : vector<16xf32>
        %mul3A_630 = vector.broadcast %reduce_sum3A_296 : f32 to vector<16xf32>
        %mul3A_631 = arith.mulf %add3A_629, %mul3A_630 : vector<16xf32>
        %swap3A_632 = arith.constant 2 : i32
        %swap3A_633 = arith.index_cast %swap3A_632 : i32 to index
        %swap3A_634 = arith.index_cast %mul3A_604 : i32 to index
        %swap3A_635 = tpu.vector_load %arg12[%swap3A_633, %swap3A_634] {strides = array<i32>} : memref<8x10752xf32, #tpu.memory_space<vmem>>, vector<16xf32>,
        tpu.vector_store %arg12[%swap3A_633, %swap3A_634], %mul3A_631 {strides = array<i32>} : memref<8x10752xf32, #tpu.memory_space<vmem>>, vector<16xf32>,
        %mul3A_636 = vector.broadcast %reduce_sum3A_219 : f32 to vector<16xf32>
        %mul3A_637 = arith.mulf %mul3A_636, %get3A_608 : vector<16xf32>
        %add3A_638 = arith.addf %get3A_606, %mul3A_637 : vector<16xf32>
        %mul3A_639 = vector.broadcast %reduce_sum3A_307 : f32 to vector<16xf32>
        %mul3A_640 = arith.mulf %add3A_638, %mul3A_639 : vector<16xf32>
        %swap3A_641 = arith.constant 3 : i32
        %swap3A_642 = arith.index_cast %swap3A_641 : i32 to index
        %swap3A_643 = arith.index_cast %mul3A_604 : i32 to index
        %swap3A_644 = tpu.vector_load %arg12[%swap3A_642, %swap3A_643] {strides = array<i32>} : memref<8x10752xf32, #tpu.memory_space<vmem>>, vector<16xf32>,
        tpu.vector_store %arg12[%swap3A_642, %swap3A_643], %mul3A_640 {strides = array<i32>} : memref<8x10752xf32, #tpu.memory_space<vmem>>, vector<16xf32>,
        %mul3A_645 = vector.broadcast %reduce_sum3A_230 : f32 to vector<16xf32>
        %mul3A_646 = arith.mulf %mul3A_645, %get3A_608 : vector<16xf32>
        %add3A_647 = arith.addf %get3A_606, %mul3A_646 : vector<16xf32>
        %mul3A_648 = vector.broadcast %reduce_sum3A_318 : f32 to vector<16xf32>
        %mul3A_649 = arith.mulf %add3A_647, %mul3A_648 : vector<16xf32>
        %swap3A_650 = arith.constant 4 : i32
        %swap3A_651 = arith.index_cast %swap3A_650 : i32 to index
        %swap3A_652 = arith.index_cast %mul3A_604 : i32 to index
        %swap3A_653 = tpu.vector_load %arg12[%swap3A_651, %swap3A_652] {strides = array<i32>} : memref<8x10752xf32, #tpu.memory_space<vmem>>, vector<16xf32>,
        tpu.vector_store %arg12[%swap3A_651, %swap3A_652], %mul3A_649 {strides = array<i32>} : memref<8x10752xf32, #tpu.memory_space<vmem>>, vector<16xf32>,
        %mul3A_654 = vector.broadcast %reduce_sum3A_241 : f32 to vector<16xf32>
        %mul3A_655 = arith.mulf %mul3A_654, %get3A_608 : vector<16xf32>
        %add3A_656 = arith.addf %get3A_606, %mul3A_655 : vector<16xf32>
        %mul3A_657 = vector.broadcast %reduce_sum3A_329 : f32 to vector<16xf32>
        %mul3A_658 = arith.mulf %add3A_656, %mul3A_657 : vector<16xf32>
        %swap3A_659 = arith.constant 5 : i32
        %swap3A_660 = arith.index_cast %swap3A_659 : i32 to index
        %swap3A_661 = arith.index_cast %mul3A_604 : i32 to index
        %swap3A_662 = tpu.vector_load %arg12[%swap3A_660, %swap3A_661] {strides = array<i32>} : memref<8x10752xf32, #tpu.memory_space<vmem>>, vector<16xf32>,
        tpu.vector_store %arg12[%swap3A_660, %swap3A_661], %mul3A_658 {strides = array<i32>} : memref<8x10752xf32, #tpu.memory_space<vmem>>, vector<16xf32>,
        %mul3A_663 = vector.broadcast %reduce_sum3A_252 : f32 to vector<16xf32>
        %mul3A_664 = arith.mulf %mul3A_663, %get3A_608 : vector<16xf32>
        %add3A_665 = arith.addf %get3A_606, %mul3A_664 : vector<16xf32>
        %mul3A_666 = vector.broadcast %reduce_sum3A_340 : f32 to vector<16xf32>
        %mul3A_667 = arith.mulf %add3A_665, %mul3A_666 : vector<16xf32>
        %swap3A_668 = arith.constant 6 : i32
        %swap3A_669 = arith.index_cast %swap3A_668 : i32 to index
        %swap3A_670 = arith.index_cast %mul3A_604 : i32 to index
        %swap3A_671 = tpu.vector_load %arg12[%swap3A_669, %swap3A_670] {strides = array<i32>} : memref<8x10752xf32, #tpu.memory_space<vmem>>, vector<16xf32>,
        tpu.vector_store %arg12[%swap3A_669, %swap3A_670], %mul3A_667 {strides = array<i32>} : memref<8x10752xf32, #tpu.memory_space<vmem>>, vector<16xf32>,
        %mul3A_672 = vector.broadcast %reduce_sum3A_263 : f32 to vector<16xf32>
        %mul3A_673 = arith.mulf %mul3A_672, %get3A_608 : vector<16xf32>
        %add3A_674 = arith.addf %get3A_606, %mul3A_673 : vector<16xf32>
        %mul3A_675 = vector.broadcast %reduce_sum3A_351 : f32 to vector<16xf32>
        %mul3A_676 = arith.mulf %add3A_674, %mul3A_675 : vector<16xf32>
        %swap3A_677 = arith.constant 7 : i32
        %swap3A_678 = arith.index_cast %swap3A_677 : i32 to index
        %swap3A_679 = arith.index_cast %mul3A_604 : i32 to index
        %swap3A_680 = tpu.vector_load %arg12[%swap3A_678, %swap3A_679] {strides = array<i32>} : memref<8x10752xf32, #tpu.memory_space<vmem>>, vector<16xf32>,
        tpu.vector_store %arg12[%swap3A_678, %swap3A_679], %mul3A_676 {strides = array<i32>} : memref<8x10752xf32, #tpu.memory_space<vmem>>, vector<16xf32>,
        %scan3A_681 = arith.constant 0 : i32
        scf.yield %scan3A_681 : i32
      }
      %scan3A_358 = arith.constant 672 : i32
      "tpu.region"() ({
        %run_scoped3A = tpu.sem_alloc : memref<!tpu.dma_semaphore, #tpu.memory_space<semaphore_mem>>
        %dma_start3A_359 = arith.constant 8 : i32
        %dma_start3A_360 = arith.constant 0 : i32
        %dma_start3A_361 = tpu.memref_slice %arg10[%dma_start3A_359, %dma_start3A_360] : memref<16x10752xf32, #tpu.memory_space<hbm>> -> memref<8x10752xf32, #tpu.memory_space<hbm>>
        %dma_start3A_362 = arith.constant 8 : i32
        %dma_start3A_363 = arith.constant 0 : i32
        %dma_start3A_364 = tpu.memref_slice %arg10[%dma_start3A_362, %dma_start3A_363] : memref<16x10752xf32, #tpu.memory_space<hbm>> -> memref<8x10752xf32, #tpu.memory_space<hbm>>
        tpu.enqueue_dma source(%arg12 : memref<8x10752xf32, #tpu.memory_space<vmem>>) target(%dma_start3A_364 : memref<8x10752xf32, #tpu.memory_space<hbm>>) target_semaphore(%run_scoped3A : memref<!tpu.dma_semaphore, #tpu.memory_space<semaphore_mem>>)
        %dma_wait3A_365 = arith.constant 8 : i32
        %dma_wait3A_366 = arith.constant 0 : i32
        %dma_wait3A_367 = tpu.memref_slice %arg10[%dma_wait3A_365, %dma_wait3A_366] : memref<16x10752xf32, #tpu.memory_space<hbm>> -> memref<8x10752xf32, #tpu.memory_space<hbm>>
        %dma_wait3A_368 = arith.constant 8 : i32
        %dma_wait3A_369 = arith.constant 0 : i32
        %dma_wait3A_370 = tpu.memref_slice %arg10[%dma_wait3A_368, %dma_wait3A_369] : memref<16x10752xf32, #tpu.memory_space<hbm>> -> memref<8x10752xf32, #tpu.memory_space<hbm>>
        tpu.wait_dma2 semaphore(%run_scoped3A : memref<!tpu.dma_semaphore, #tpu.memory_space<semaphore_mem>>) src(%arg12 : memref<8x10752xf32, #tpu.memory_space<vmem>>) dst(%dma_wait3A_370 : memref<8x10752xf32, #tpu.memory_space<hbm>>)
        tpu.yield
      }) : () -> ()
    } else {
    }
    return
  }
}

</mosaic_0001>

<sc_bundles>
// kernel: _run_d.3.cloned.1.call-start
scs
__scs_entry_jumppad:
0x0: {  	(pc) =	sbr.rel $0x88, $3  }
0x1: {  	(tag) =	ssettag $0x0;
	lr =	simm.s32 $0x1  }
0x2: {  	[smem:$0x3F99] =	sst lr;
	_ =	strace $0xD0000000  }
0x3: {  	_ = 	snop  }
0x4: {  	_ = 	snop  }
0x5: {  	_ = 	snop  }
0x6: {  	_ = 	snop  }
0x7: {  	_ = 	snop  }
__scs_overlays_trampoline_lowered:
0x8: {  	[smem:$0x3FA8] =	sst s0  }
0x9: {  	[smem:$0x3FA9] =	sst s1  }
0xa: {  	[smem:$0x3FAA] =	sst s2  }
0xb: {  	[smem:$0x3FAB] =	sst s3  }
0xc: {  	[smem:$0x3FAC] =	sst s4  }
0xd: {  	[smem:$0x3FAD] =	sst s5  }
0xe: {  	[smem:$0x3FAE] =	sst s6  }
0xf: {  	[smem:$0x3FAF] =	sst s7  }
0x10: {  	[smem:$0x3FB0] =	sst s8  }
0x11: {  	[smem:$0x3FB1] =	sst s9;
	s0 =	simm.s32 @!p0 $0x0  }
0x12: {  	s1 =	sld [smem:$0x3F97];
	s0 =	simm.s32 @p0 $0x1  }
0x13: {  	[smem:$0x3FB2] =	sst s0;
	s0 =	simm.s32 @!p1 $0x0  }
0x14: {  	s2 =	sld [smem:$0x3F96];
	s0 =	simm.s32 @p1 $0x1  }
0x15: {  	[smem:$0x3FB3] =	sst s0;
	s0 =	simm.s32 @!p2 $0x0  }
0x16: {  	s3 =	sld [smem:$0x3FDB];
	s0 =	simm.s32 @p2 $0x1  }
0x17: {  	s4 =	simm.s32 $0x1BF5;
	[smem:$0x3FB5] =	sst s0  }
0x18: {  	s0 =	sld [smem:$0x3F98];
	_ =	swait.ge [sflag:s4], $0x0  }
0x19: {  	s7 =	sld [smem:$0x3F99]  }
0x1a: {  	s8 =	sadd.s32 $0xFFFFE003, lr  }
0x1b: {  	s9 =	sadd.s32 $0xFFFFFEF7, lr;
	s5 =	simm.s32 $0xFFFFFFFF;
	p2 =	slt.u32 s8, $0xFFFFF086  }
0x1c: {  	p1 =	slt.u32 s9, $0xF7A;
	s5 =	simm.s32 @!p2 $0x0  }
0x1d: {  	s5 =	simm.s32 @p1 $0x1;
	p0 =	seq.s32 s7, s2  }
0x1e: {  	s7 =	smul.u32 @!p0 $0xF7A, s2;
	p2 =	seq.s32 @!p0 s5, $0x0  }
0x1f: {  	s9 =	smul.u32 $0xF7A, s1;
	s8 =	simm.s32 @!p0 $0x1BF5;
	p2 =	por !p2, p0  }
0x20: {  	[sflag:s8] =	ssyncset.s32 @!p0 $0xFFFFF086;
	s6 =	sadd.s32 @!p0 s3, s7;
	s7 =	simm.s32 @!p0 $0x108  }
0x21: {  	s3 =	sadd.s32 s3, s9;
	s6 =	sadd.s32 @!p0 $0x88, s6;
	s7 =	simm.s32 @p2 $0x1082  }
0x22: {  	[simem:s7], [sflag:s8] =	dma.local @!p0 [hbm:s6], $0xF7A  }
0x23: {  	s9 =	sor.u32 $0xD0000000, s2;
	s6 =	simm.s32 $0x108;
	_ =	swait.ge @!p0 [sflag:s8], $0x0  }
0x24: {  	s3 =	sadd.s32 $0x88, s3;
	s6 =	simm.s32 @!p1 $0x1082;
	[sflag:s4] =	ssyncset.s32 $0xFFFFF086  }
0x25: {  	[simem:s6], [sflag:s4] =	dma.local [hbm:s3], $0xF7A  }
0x26: {  	[smem:$0x3F99] =	sst s1;
	(tag) =	ssettag s2;
	_ =	strace s9  }
0x27: {  	s1 =	sld [smem:$0x3FA9]  }
0x28: {  	s2 =	sld [smem:$0x3FAA]  }
0x29: {  	s4 =	sld [smem:$0x3FAC]  }
0x2a: {  	p0 =	seq.s32 s5, $0x0;
	s5 =	sld [smem:$0x3FAD]  }
0x2b: {  	s6 =	sld [smem:$0x3FAE]  }
0x2c: {  	s7 =	sld [smem:$0x3FAF]  }
0x2d: {  	s3 =	simm.s32 $0x108;
	s8 =	sld [smem:$0x3FB0]  }
0x2e: {  	s3 =	simm.s32 @!p0 $0x1082;
	s9 =	sld [smem:$0x3FB1]  }
0x2f: {  	lr =	sadd.s32 s0, s3;
	s0 =	sld [smem:$0x3FA8]  }
0x30: {  	s3 =	sld [smem:$0x3FAB]  }
0x31: {  	[smem:$0x3FB4] =	sst s10  }
0x32: {  	s10 =	sld [smem:$0x3FB2];
	_ =	sdelay $0x3  }
0x33: {  	p0 =	seq.s32 s10, $0x1;
	s10 =	sld [smem:$0x3FB4];
	_ =	sdelay $0x3  }
0x34: {  	[smem:$0x3FB4] =	sst s10  }
0x35: {  	s10 =	sld [smem:$0x3FB3];
	_ =	sdelay $0x3  }
0x36: {  	p1 =	seq.s32 s10, $0x1;
	s10 =	sld [smem:$0x3FB4];
	_ =	sdelay $0x3  }
0x37: {  	[smem:$0x3FB4] =	sst s10  }
0x38: {  	s10 =	sld [smem:$0x3FB5]  }
0x39: {  	_ = 	snop;
	(pc) =	sbr.ind lr, $3  }
0x3a: {  	_ = 	snop  }
0x3b: {  	_ = 	snop  }
0x3c: {  	p2 =	seq.s32 s10, $0x1;
	s10 =	sld [smem:$0x3FB4]  }
0x3d: {  	_ =	shalt  }
0x3e: {  	_ =	shalt  }
0x3f: {  	_ =	shalt  }
0x40: {  	_ =	shalt  }
0x41: {  	_ =	shalt  }
0x42: {  	_ =	shalt  }
0x43: {  	_ =	shalt  }
0x44: {  	_ =	shalt  }
0x45: {  	_ =	shalt  }
0x46: {  	_ =	shalt  }
0x47: {  	_ =	shalt  }
0x48: {  	_ =	shalt  }
0x49: {  	_ =	shalt  }
0x4a: {  	_ =	shalt  }
0x4b: {  	_ =	shalt  }
0x4c: {  	_ =	shalt  }
0x4d: {  	_ =	shalt  }
0x4e: {  	_ =	shalt  }
0x4f: {  	_ =	shalt  }
0x50: {  	_ =	shalt  }
0x51: {  	_ =	shalt  }
0x52: {  	_ =	shalt  }
0x53: {  	_ =	shalt  }
0x54: {  	_ =	shalt  }
0x55: {  	_ =	shalt  }
0x56: {  	_ =	shalt  }
0x57: {  	_ =	shalt  }
0x58: {  	_ =	shalt  }
0x59: {  	_ =	shalt  }
0x5a: {  	_ =	shalt  }
0x5b: {  	_ =	shalt  }
0x5c: {  	_ =	shalt  }
0x5d: {  	_ =	shalt  }
0x5e: {  	_ =	shalt  }
0x5f: {  	_ =	shalt  }
0x60: {  	_ =	shalt  }
0x61: {  	_ =	shalt  }
0x62: {  	_ =	shalt  }
0x63: {  	_ =	shalt  }
0x64: {  	_ =	shalt  }
0x65: {  	_ =	shalt  }
0x66: {  	_ =	shalt  }
0x67: {  	_ =	shalt  }
0x68: {  	_ =	shalt  }
0x69: {  	_ =	shalt  }
0x6a: {  	_ =	shalt  }
0x6b: {  	_ =	shalt  }
0x6c: {  	_ =	shalt  }
0x6d: {  	_ =	shalt  }
0x6e: {  	_ =	shalt  }
0x6f: {  	_ =	shalt  }
0x70: {  	_ =	shalt  }
0x71: {  	_ =	shalt  }
0x72: {  	_ =	shalt  }
0x73: {  	_ =	shalt  }
0x74: {  	_ =	shalt  }
0x75: {  	_ =	shalt  }
0x76: {  	_ =	shalt  }
0x77: {  	_ =	shalt  }
0x78: {  	_ =	shalt  }
0x79: {  	_ =	shalt  }
0x7a: {  	_ =	shalt  }
0x7b: {  	_ =	shalt  }
0x7c: {  	_ =	shalt  }
0x7d: {  	_ =	shalt  }
0x7e: {  	_ =	shalt  }
0x7f: {  	_ =	shalt  }
0x80: {  	_ =	shalt  }
0x81: {  	_ =	shalt  }
0x82: {  	_ =	shalt  }
0x83: {  	_ =	shalt  }
0x84: {  	_ =	shalt  }
0x85: {  	_ =	shalt  }
0x86: {  	_ =	shalt  }
0x87: {  	_ =	shalt  }
.Lfunc_end0:
.L_simem_size_0:
called_computation_lowered:
.L_overlay_start_0:
0x88: {  	s2 =	sld [smem:$0x3FD9]  }
0x89: {  	s3 =	sld [smem:$0x3FFE];
	_ =	sdelay $0x1  }
0x8a: {  	s1 =	srdreg.scid  }
0x8b: {  	s0 =	sand.u32 $0x1, s1  }
0x8c: {  	s18 =	sshll.u32 s0, $0xA;
	s2 =	sadd.s32 s3, s2  }
0x8d: {  	s2 =	sadd.s32 s2, s18  }
0x8e: {  	[smem:$0x3FC0] =	sst s2  }
0x8f: {  	_ = 	snop  }
0x90: {  	s2 =	sld [smem:$0x3FC9]  }
0x91: {  	s19 =	sld [smem:$0x3FC8]  }
0x92: {  	s4 =	sld [smem:$0x3FC7]  }
0x93: {  	s5 =	sld [smem:$0x3FC6]  }
0x94: {  	s6 =	sld [smem:$0x3FC5]  }
0x95: {  	s7 =	sld [smem:$0x3FC4]  }
0x96: {  	s8 =	sld [smem:$0x3FC3]  }
0x97: {  	s9 =	sld [smem:$0x3FC2]  }
0x98: {  	s10 =	sld [smem:$0x3FD0];
	(tm) =	ssettm $0x1  }
0x99: {  	s11 =	sld [smem:$0x3FFB];
	_ =	sdelay $0x3  }
0x9a: {  	_ =	strace s11  }
0x9b: {  	s11 =	sld [smem:$0x3FFC];
	_ =	sdelay $0x3  }
0x9c: {  	_ =	strace s11  }
0x9d: {  	s11 =	sld [smem:$0x3FFD];
	_ =	sdelay $0x3  }
0x9e: {  	_ =	strace s11  }
0x9f: {  	_ =	strace $0x8FFFFFFF  }
0xa0: {  	s20 =	sld [smem:$0x3FDB];
	_ =	sdelay $0x1  }
0xa1: {  	s12 =	simm.s32 $_scs_section_size  }
0xa2: {  	s13 =	simm.s32 $_size__tile_overlayer_lowered;
	s14 =	simm.s32 $_tile_overlayer_lowered  }
0xa3: {  	s23 =	simm.s32 $0x1BFF;
	s22 =	sshll.u32 s14, $0x1;
	s11 =	sadd.s32 s12, s20  }
0xa4: {  	s15 =	simm.s32 $0x0;
	s21 =	sshll.u32 s13, $0x1;
	s13 =	sadd.s32 s22, s11  }
0xa5: {  	[timem:s15], [sflag:s23] =	dma.local [hbm:s13], s21  }
0xa6: {  	_ =	swait.ge [sflag:s23], s21  }
0xa7: {  	s12 =	ssub.s32 $0x0, s21;
	[sflag:s23] =	ssyncset.done $0x0  }
0xa8: {  	[sflag:s23] =	ssyncadd.s32 s12;
	_ =	sdelay $0x1  }
0xa9: {  	s24 =	simm.s32 $0x1B8B  }
0xaa: {  	_ =	swait.ge [sflag:s24], $0x1  }
0xab: {  	[sflag:s24] =	ssyncset.done $0x0  }
0xac: {  	s25 =	simm.s32 $0x1B8E;
	[sflag:s24] =	ssyncadd.s32 $0xFFFFFFFF  }
0xad: {  	s26 =	simm.s32 $execute0_lowered;
	[smem:$0x3FD2] =	sst s25  }
0xae: {  	s12 =	sshll.u32 s26, $0x1;
	_ =	strace $0x80000046;
	[dreg:$0x1] =	wrdreg $0xFFFFFFFF  }
0xaf: {  	s28 =	simm.s32 $_size_execute0_lowered;
	s11 =	sadd.s32 s11, s12;
	[dreg:$0x0] =	wrdreg $0x0  }
0xb0: {  	s12 =	sshll.u32 s28, $0x1;
	[dreg:$0x2] =	wrdreg s11  }
0xb1: {  	[dreg:$0x3] =	wrdreg s12  }
0xb2: {  	[dreg:$0x4] =	wrdreg $0xC0  }
0xb3: {  	_ =	task [dreg:s15], $0x5FFFF  }
0xb4: {  	[dreg:$0x1] =	wrdreg $0xFFFFFFFF  }
0xb5: {  	[dreg:$0x0] =	wrdreg $0x60  }
0xb6: {  	[dreg:$0x2] =	wrdreg s2  }
0xb7: {  	[dreg:$0x3] =	wrdreg s19  }
0xb8: {  	[dreg:$0x4] =	wrdreg s4  }
0xb9: {  	[dreg:$0x5] =	wrdreg s5  }
0xba: {  	[dreg:$0x6] =	wrdreg s6  }
0xbb: {  	[dreg:$0x7] =	wrdreg s7  }
0xbc: {  	[dreg:$0x8] =	wrdreg s8  }
0xbd: {  	[dreg:$0x9] =	wrdreg s9  }
0xbe: {  	[dreg:$0xa] =	wrdreg s10  }
0xbf: {  	[dreg:$0xb] =	wrdreg $0x9  }
0xc0: {  	_ =	task.clear_ibuf [dreg:s15], $0xCFFFF;
	_ =	strace $0x90000046  }
0xc1: {  	s29 =	simm.s32 $0x9;
	_ =	strace $0x80000048  }
0xc2: {  	_ =	swait.ge [sflag:s29], $0x1  }
0xc3: {  	[sflag:s29] =	ssyncadd.s32 $0xFFFFFFFF  }
0xc4: {  	_ =	strace $0x90000048  }
0xc5: {  	_ =	sfence  }
0xc6: {  	s30 =	sld [smem:$0x0];
	_ =	sdelay $0x2  }
0xc7: {  	s31 =	sshll.u32 s1, $0xD;
	s1 =	sshrl.u32 s1, $0x2  }
0xc8: {  	s3 =	sand.u32 $0x4000, s31;
	s1 =	sadd.s32 s1, s30  }
0xc9: {  	s0 =	sor.u32 s3, s0;
	s1 =	sshll.u32 s1, $0x11  }
0xca: {  	s0 =	sor.u32 s1, s0  }
0xcb: {  	s0 =	sadd.s32 $0x8F2B, s0  }
0xcc: {  	[sflag:s0] =	ssyncadd.remote.s32 $0x1  }
0xcd: {  	_ =	sfence.sel $0xFFFF  }
0xce: {  	[dreg:$0x0] =	wrdreg $0xFFFFFFFF;
	(pc) =	sbr.abs _section_cstart, $3  }
0xcf: {  	[dreg:$0x1] =	wrdreg $0xFFFFFFFF  }
0xd0: {  	_ =	task.clear_ibuf [dreg:s15], $0x2FFFF;
	_ =	strace $0x9FFFFFFF  }
0xd1: {  	(tm) =	ssettm $0x7FFFFFFF  }
tec
execute0_lowered:
.L_overlay_start_1:
0x0: {  	(tag) =	ssettag $0x1  }
0x1: {  	s0 =	rddreg [dreg:$0x0]  }
0x2: {  	s4 =	rddreg [dreg:$0x8];
	s3 =	simm.s32 $0x0  }
0x3: {  	[smem:$0x7FF] =	sst s3;
	s23 =	sadd.s32 $0x100, s0  }
0x4: {  	s24 =	sadd.s32 $0x200, s0;
	_ =	strace $0x80000047;
	[dreg:$0xa] =	wrdreg s23  }
0x5: {  	s25 =	sadd.s32 $0x300, s0;
	[dreg:$0xb] =	wrdreg s24  }
0x6: {  	s26 =	sadd.s32 $0x400, s0;
	[dreg:$0xc] =	wrdreg s25  }
0x7: {  	s29 =	sadd.s32 $0x500, s0;
	[dreg:$0xd] =	wrdreg s26  }
0x8: {  	s30 =	sadd.s32 $0x600, s0;
	[dreg:$0xe] =	wrdreg s29  }
0x9: {  	s31 =	sadd.s32 $0x700, s0;
	[dreg:$0xf] =	wrdreg s30  }
0xa: {  	s6 =	sadd.s32 $0x800, s0;
	[dreg:$0x10] =	wrdreg s31  }
0xb: {  	s7 =	sadd.s32 $0x900, s0;
	[dreg:$0x11] =	wrdreg s6  }
0xc: {  	s8 =	sadd.s32 $0xA00, s0;
	[dreg:$0x12] =	wrdreg s7  }
0xd: {  	s9 =	sadd.s32 $0xB00, s0;
	[dreg:$0x13] =	wrdreg s8  }
0xe: {  	s10 =	sadd.s32 $0xC00, s0;
	[dreg:$0x14] =	wrdreg s9  }
0xf: {  	s11 =	sadd.s32 $0xD00, s0;
	[dreg:$0x15] =	wrdreg s10  }
0x10: {  	s12 =	sadd.s32 $0xE00, s0;
	[dreg:$0x16] =	wrdreg s11  }
0x11: {  	s1 =	srdreg.scid;
	s13 =	sadd.s32 $0xF00, s0;
	[dreg:$0x17] =	wrdreg s12  }
0x12: {  	s5 =	stileid.u32;
	s14 =	sadd.s32 $0x1000, s0;
	[dreg:$0x18] =	wrdreg s13  }
0x13: {  	s28 =	simm.s32 $0x0;
	s15 =	sadd.s32 $0x1100, s0;
	[dreg:$0x19] =	wrdreg s14  }
0x14: {  	s1 =	sand.u32 $0x1, s1;
	s16 =	sadd.s32 $0x1200, s0;
	[dreg:$0x1a] =	wrdreg s15  }
0x15: {  	p0 =	seq.s32 s5, $0x0;
	s17 =	sadd.s32 $0x1300, s0;
	[dreg:$0x1b] =	wrdreg s16  }
0x16: {  	s18 =	sadd.s32 $0x1400, s0;
	s19 =	sadd.s32 $0x1500, s0;
	[dreg:$0x1c] =	wrdreg s17  }
0x17: {  	s20 =	sadd.s32 $0x1600, s0;
	s3 =	simm.s32 $0x80;
	[dreg:$0x1d] =	wrdreg s18  }
0x18: {  	s2 =	ssub.s32 $0x2, s1;
	s22 =	sor.u32 s5, s1;
	[dreg:$0x1e] =	wrdreg s19  }
0x19: {  	p1 =	seq.s32 s1, $0x1;
	[dreg:$0x1f] =	wrdreg s20;
	s23 =	sadd.s32 $0x1900, s0  }
0x1a: {  	s24 =	sadd.s32 $0x1A00, s0;
	s26 =	sadd.s32 $0x1B00, s0;
	s29 =	sadd.s32 $0x1C00, s0  }
0x1b: {  	s30 =	sadd.s32 $0x1D00, s0;
	s12 =	sadd.s32 $0x1E00, s0;
	s13 =	sadd.s32 $0x1F00, s0  }
0x1c: {  	s14 =	sadd.s32 $0x2000, s0;
	s15 =	sadd.s32 $0x2100, s0;
	s16 =	sadd.s32 $0x2200, s0  }
0x1d: {  	s17 =	sadd.s32 $0x2300, s0;
	s18 =	sadd.s32 $0x2400, s0;
	[smem:$0x7F8] =	sst s23  }
0x1e: {  	s19 =	sadd.s32 $0x2500, s0;
	s20 =	sadd.s32 $0x2600, s0;
	[smem:$0x7F9] =	sst s24  }
0x1f: {  	s31 =	sadd.s32 $0x2A00, s4;
	s21 =	sshrl.u32 s2, $0x1;
	[smem:$0x7FA] =	sst s26  }
0x20: {  	p1 =	por !p0, !p1;
	p0 =	sne.s32 s22, $0x0;
	[smem:$0x7FB] =	sst s29  }
.Ltmp0:
0x21: {  	v0 =	vlaneseq.u32;
	s22 =	sadd.s32 $0x1800, s0;
	[smem:$0x7FC] =	sst s30;
	(pc) =	sbr.rel .LBB2_1-.Ltmp0, $4  }
0x22: {  	vm0 =	vmmov $0xffff;
	vm1 =	vmmov $0x1;
	vm2 =	vcmask $0x308;
	s23 =	sadd.s32 $0x2900, s0;
	[smem:$0x7FD] =	sst s31;
	s24 =	simm.s32 $0x2  }
0x23: {  	vm3 =	vcmask $0x70C;
	vm4 =	vcmask $0xB10;
	vm5 =	vcmask $0xF14;
	s26 =	simm.s32 $0x1;
	s2 =	ssub.s32 s2, s21;
	p1 =	por !p1, !p1  }
0x24: {  	vm6 =	vcmask $0x1318;
	vm7 =	vcmask $0x171C;
	v1 =	vshrl.u32 v0, $0x3;
	s21 =	sadd.s32 $0x1700, s0;
	[smem:$0x7F7] =	sst s22;
	s22 =	sadd.s32 $0x2800, s0  }
0x25: {  	vm8 =	vcmask $0x1B20;
	v0 =	vand.u32 $0x7, v0;
	v1 =	vmul.u32 $0x8, v1;
	s25 =	smax.u32 s2, $0x1;
	[smem:$0x7F6] =	sst s21;
	s21 =	sadd.s32 $0x2700, s0  }
.LBB2_12:
0x26: {  	v7 =	vmul.f32 v19, v8;
	v56 =	vadd.f32 v21, v18  }
0x27: {  	v10 =	vmul.f32 v19, v10;
	v15 =	vadd.f32 v20, v18  }
0x28: {  	v13 =	vmul.f32 v19, v13;
	v3 =	vmul.f32 v56, v3;
	v7 =	vadd.f32 v7, v18  }
0x29: {  	v58 =	vmul.f32 v19, v12;
	s1 =	sor.u32 s6, s30;
	v57 =	vadd.f32 v10, v18;
	v9 =	vmul.f32 v15, v9  }
0x2a: {  	v59 =	vmul.f32 v19, v14;
	v13 =	vadd.f32 v13, v18;
	[tilespmem:s1+$0x0] =	vst v3;
	v2 =	vmul.f32 v7, v2  }
0x2b: {  	v61 =	vmul.f32 v19, v11;
	v60 =	vadd.f32 v58, v18;
	v3 =	vmul.f32 v57, v4;
	[tilespmem:s1+$0x180] =	vst v9  }
0x2c: {  	v62 =	vadd.f32 v59, v18;
	v5 =	vmul.f32 v13, v5;
	[tilespmem:s1+$0x80] =	vst v2  }
0x2d: {  	s10 =	sor.u32 $0x200, s3;
	v63 =	vadd.f32 v61, v18;
	v2 =	vmul.f32 v60, v6;
	[tilespmem:s1+$0x100] =	vst v3  }
0x2e: {  	s11 =	sor.u32 $0x280, s3;
	v3 =	vmul.f32 v62, v16;
	[tilespmem:s10+$0x80] =	vst v5  }
0x2f: {  	s29 =	sor.u32 $0x300, s3;
	s2 =	sld [smem:$0x7FD];
	[tilespmem:s11+$0x80] =	vst v2;
	v2 =	vmul.f32 v63, v17  }
0x30: {  	s30 =	sor.u32 $0x380, s3;
	[tilespmem:s29+$0x80] =	vst v3  }
0x31: {  	s31 =	simm.s32 $0x0;
	s3 =	simm.s32 $0x80;
	[tilespmem:s30+$0x80] =	vst v2  }
0x32: {  	[hbm4b:s2+s31] =	stream.linear.scatter [tilespmem:s3], [sflag:$0x2], $0x15000, $0x38;
	[tilespmem:$0x1A580] =	vst v63  }
0x33: {  	_ =	swait.ge [sflag:s24], $0x15000  }
0x34: {  	[sflag:s24] =	ssyncset.done $0x0  }
0x35: {  	[sflag:s24] =	ssyncadd.s32 $0xFFFEB000  }
.LBB2_13:
0x36: {  	s28 =	sadd.s32 $0x1, s28  }
0x37: {  	p2 =	sne.s32 s28, s25  }
.Ltmp1:
0x38: {  	_ = 	snop;
	(pc) =	sbr.rel @!p2 .LBB2_14-.Ltmp1, $1  }
0x39: {  	_ =	sdelay $0x3  }
.LBB2_1:
.Ltmp2:
0x3a: {  	(pc) =	sbr.rel @p0 .LBB2_7-.Ltmp2, $1  }
0x3b: {  	_ =	sdelay $0x3  }
0x3c: {  	s29 =	simm.s32 $0x0;
	s1 =	rddreg [dreg:$0x1]  }
0x3d: {  	[tilespmem:s29], [sflag:$0x2] =	stream.linear.gather [hbm4b:s1+s29], $0x8, $0x38;
	[tilespmem:$0x1A580] =	vst v63  }
0x3e: {  	_ =	swait.ge [sflag:s24], $0x8  }
0x3f: {  	[sflag:s24] =	ssyncset.done $0x0  }
0x40: {  	[sflag:s24] =	ssyncadd.s32 $0xFFFFFFF8  }
0x41: {  	s2 =	simm.s32 $0x1A480;
	s6 =	rddreg [dreg:$0x3]  }
0x42: {  	[tilespmem:s2], [sflag:$0x2] =	stream.linear.gather [hbm4b:s6+s29], $0x80, $0x38;
	[tilespmem:$0x1A580] =	vst v63  }
0x43: {  	_ =	swait.ge [sflag:s24], $0x80  }
0x44: {  	[sflag:s24] =	ssyncset.done $0x0  }
0x45: {  	[sflag:s24] =	ssyncadd.s32 $0xFFFFFF80  }
0x46: {  	s8 =	simm.s32 $0x1A500;
	s7 =	rddreg [dreg:$0x5]  }
0x47: {  	[tilespmem:s8], [sflag:$0x2] =	stream.linear.gather [hbm4b:s7+s29], $0x80, $0x38;
	[tilespmem:$0x1A580] =	vst v63  }
0x48: {  	_ =	swait.ge [sflag:s24], $0x80  }
0x49: {  	[sflag:s24] =	ssyncset.done $0x0  }
0x4a: {  	[sflag:s24] =	ssyncadd.s32 $0xFFFFFF80  }
0x4b: {  	s1 =	simm.s32 $0x17A80;
	s9 =	rddreg [dreg:$0x7]  }
0x4c: {  	[tilespmem:s1], [sflag:$0x2] =	stream.linear.gather [hbm4b:s9+s29], $0x2A00, $0x38;
	[tilespmem:$0x1A580] =	vst v63  }
0x4d: {  	_ =	swait.ge [sflag:s24], $0x2A00  }
0x4e: {  	[sflag:s24] =	ssyncset.done $0x0  }
0x4f: {  	[sflag:s24] =	ssyncadd.s32 $0xFFFFD600  }
0x50: {  	v2 =	vld.msk [tilespmem:$0x0], $0xff;
	_ =	sdelay $0x4  }
0x51: {  	v3 =	vshrl.u32 v2, $0x3  }
0x52: {  	v3 =	vmul.u32 $0x2A0, v3  }
0x53: {  	v2 =	vand.u32 $0x7, v2  }
0x54: {  	v2 =	vor.u32 v2, v3  }
0x55: {  	v2 =	vperm.xlane v2, v0;
	_ =	sdelay $0x1  }
0x56: {  	v2 =	vadd.s32 v1, v2;
	_ =	sdelay $0x3  }
0x57: {  	s10 =	rddreg [dreg:$0xa]  }
0x58: {  	[tilespmem:s3], [sflag:$0x1] =	stream.indirect_vreg.gather [hbm4b:s0+s29], $0x80, v2, vm0, $0xb8;
	[tilespmem:$0x1A580] =	vst v63  }
0x59: {  	s11 =	simm.s32 $0x880;
	s4 =	rddreg [dreg:$0xb]  }
0x5a: {  	[tilespmem:s11], [sflag:$0x1] =	stream.indirect_vreg.gather [hbm4b:s10+s29], $0x80, v2, vm0, $0xb8;
	[tilespmem:$0x1A580] =	vst v63  }
0x5b: {  	s5 =	simm.s32 $0x1080;
	s6 =	rddreg [dreg:$0xc]  }
0x5c: {  	[tilespmem:s5], [sflag:$0x1] =	stream.indirect_vreg.gather [hbm4b:s4+s29], $0x80, v2, vm0, $0xb8;
	[tilespmem:$0x1A580] =	vst v63  }
0x5d: {  	s7 =	simm.s32 $0x1880;
	s8 =	rddreg [dreg:$0xd]  }
0x5e: {  	[tilespmem:s7], [sflag:$0x1] =	stream.indirect_vreg.gather [hbm4b:s6+s29], $0x80, v2, vm0, $0xb8;
	[tilespmem:$0x1A580] =	vst v63  }
0x5f: {  	s9 =	simm.s32 $0x2080;
	s10 =	rddreg [dreg:$0xe]  }
0x60: {  	[tilespmem:s9], [sflag:$0x1] =	stream.indirect_vreg.gather [hbm4b:s8+s29], $0x80, v2, vm0, $0xb8;
	[tilespmem:$0x1A580] =	vst v63  }
0x61: {  	s11 =	simm.s32 $0x2880;
	s4 =	rddreg [dreg:$0xf]  }
0x62: {  	[tilespmem:s11], [sflag:$0x1] =	stream.indirect_vreg.gather [hbm4b:s10+s29], $0x80, v2, vm0, $0xb8;
	[tilespmem:$0x1A580] =	vst v63  }
0x63: {  	s5 =	simm.s32 $0x3080;
	s6 =	rddreg [dreg:$0x10]  }
0x64: {  	[tilespmem:s5], [sflag:$0x1] =	stream.indirect_vreg.gather [hbm4b:s4+s29], $0x80, v2, vm0, $0xb8;
	[tilespmem:$0x1A580] =	vst v63  }
0x65: {  	s7 =	simm.s32 $0x3880;
	s8 =	rddreg [dreg:$0x11]  }
0x66: {  	[tilespmem:s7], [sflag:$0x1] =	stream.indirect_vreg.gather [hbm4b:s6+s29], $0x80, v2, vm0, $0xb8;
	[tilespmem:$0x1A580] =	vst v63  }
0x67: {  	s9 =	simm.s32 $0x4080;
	s10 =	rddreg [dreg:$0x12]  }
0x68: {  	[tilespmem:s9], [sflag:$0x1] =	stream.indirect_vreg.gather [hbm4b:s8+s29], $0x80, v2, vm0, $0xb8;
	[tilespmem:$0x1A580] =	vst v63  }
0x69: {  	s11 =	simm.s32 $0x4880;
	s4 =	rddreg [dreg:$0x13]  }
0x6a: {  	[tilespmem:s11], [sflag:$0x1] =	stream.indirect_vreg.gather [hbm4b:s10+s29], $0x80, v2, vm0, $0xb8;
	[tilespmem:$0x1A580] =	vst v63  }
0x6b: {  	s5 =	simm.s32 $0x5080;
	s6 =	rddreg [dreg:$0x14]  }
0x6c: {  	[tilespmem:s5], [sflag:$0x1] =	stream.indirect_vreg.gather [hbm4b:s4+s29], $0x80, v2, vm0, $0xb8;
	[tilespmem:$0x1A580] =	vst v63  }
0x6d: {  	s7 =	simm.s32 $0x5880;
	s8 =	rddreg [dreg:$0x15]  }
0x6e: {  	[tilespmem:s7], [sflag:$0x1] =	stream.indirect_vreg.gather [hbm4b:s6+s29], $0x80, v2, vm0, $0xb8;
	[tilespmem:$0x1A580] =	vst v63  }
0x6f: {  	s9 =	simm.s32 $0x6080;
	s10 =	rddreg [dreg:$0x16]  }
0x70: {  	[tilespmem:s9], [sflag:$0x1] =	stream.indirect_vreg.gather [hbm4b:s8+s29], $0x80, v2, vm0, $0xb8;
	[tilespmem:$0x1A580] =	vst v63  }
0x71: {  	s11 =	simm.s32 $0x6880;
	s4 =	rddreg [dreg:$0x17]  }
0x72: {  	[tilespmem:s11], [sflag:$0x1] =	stream.indirect_vreg.gather [hbm4b:s10+s29], $0x80, v2, vm0, $0xb8;
	[tilespmem:$0x1A580] =	vst v63  }
0x73: {  	s5 =	simm.s32 $0x7080;
	s6 =	rddreg [dreg:$0x18]  }
0x74: {  	[tilespmem:s5], [sflag:$0x1] =	stream.indirect_vreg.gather [hbm4b:s4+s29], $0x80, v2, vm0, $0xb8;
	[tilespmem:$0x1A580] =	vst v63  }
0x75: {  	s7 =	simm.s32 $0x7880;
	s8 =	rddreg [dreg:$0x19]  }
0x76: {  	[tilespmem:s7], [sflag:$0x1] =	stream.indirect_vreg.gather [hbm4b:s6+s29], $0x80, v2, vm0, $0xb8;
	[tilespmem:$0x1A580] =	vst v63  }
0x77: {  	s9 =	simm.s32 $0x8080;
	s10 =	rddreg [dreg:$0x1a]  }
0x78: {  	[tilespmem:s9], [sflag:$0x1] =	stream.indirect_vreg.gather [hbm4b:s8+s29], $0x80, v2, vm0, $0xb8;
	[tilespmem:$0x1A580] =	vst v63  }
0x79: {  	s11 =	simm.s32 $0x8880;
	s4 =	rddreg [dreg:$0x1b]  }
0x7a: {  	[tilespmem:s11], [sflag:$0x1] =	stream.indirect_vreg.gather [hbm4b:s10+s29], $0x80, v2, vm0, $0xb8;
	[tilespmem:$0x1A580] =	vst v63  }
0x7b: {  	s5 =	simm.s32 $0x9080;
	s6 =	rddreg [dreg:$0x1c]  }
0x7c: {  	[tilespmem:s5], [sflag:$0x1] =	stream.indirect_vreg.gather [hbm4b:s4+s29], $0x80, v2, vm0, $0xb8;
	[tilespmem:$0x1A580] =	vst v63  }
0x7d: {  	s7 =	simm.s32 $0x9880;
	s8 =	rddreg [dreg:$0x1d]  }
0x7e: {  	[tilespmem:s7], [sflag:$0x1] =	stream.indirect_vreg.gather [hbm4b:s6+s29], $0x80, v2, vm0, $0xb8;
	[tilespmem:$0x1A580] =	vst v63  }
0x7f: {  	s9 =	simm.s32 $0xA080;
	s10 =	rddreg [dreg:$0x1e]  }
0x80: {  	[tilespmem:s9], [sflag:$0x1] =	stream.indirect_vreg.gather [hbm4b:s8+s29], $0x80, v2, vm0, $0xb8;
	[tilespmem:$0x1A580] =	vst v63  }
0x81: {  	s11 =	simm.s32 $0xA880;
	s4 =	rddreg [dreg:$0x1f]  }
0x82: {  	[tilespmem:s11], [sflag:$0x1] =	stream.indirect_vreg.gather [hbm4b:s10+s29], $0x80, v2, vm0, $0xb8;
	[tilespmem:$0x1A580] =	vst v63  }
0x83: {  	s5 =	simm.s32 $0xB080;
	s6 =	sld [smem:$0x7F6]  }
0x84: {  	[tilespmem:s5], [sflag:$0x1] =	stream.indirect_vreg.gather [hbm4b:s4+s29], $0x80, v2, vm0, $0xb8;
	[tilespmem:$0x1A580] =	vst v63  }
0x85: {  	s7 =	simm.s32 $0xB880;
	s8 =	sld [smem:$0x7F7]  }
0x86: {  	[tilespmem:s7], [sflag:$0x1] =	stream.indirect_vreg.gather [hbm4b:s6+s29], $0x80, v2, vm0, $0xb8;
	[tilespmem:$0x1A580] =	vst v63  }
0x87: {  	s9 =	simm.s32 $0xC080;
	s10 =	sld [smem:$0x7F8]  }
0x88: {  	[tilespmem:s9], [sflag:$0x1] =	stream.indirect_vreg.gather [hbm4b:s8+s29], $0x80, v2, vm0, $0xb8;
	[tilespmem:$0x1A580] =	vst v63  }
0x89: {  	s11 =	simm.s32 $0xC880;
	s4 =	sld [smem:$0x7F9]  }
0x8a: {  	[tilespmem:s11], [sflag:$0x1] =	stream.indirect_vreg.gather [hbm4b:s10+s29], $0x80, v2, vm0, $0xb8;
	[tilespmem:$0x1A580] =	vst v63  }
0x8b: {  	s5 =	simm.s32 $0xD080;
	s6 =	sld [smem:$0x7FA]  }
0x8c: {  	[tilespmem:s5], [sflag:$0x1] =	stream.indirect_vreg.gather [hbm4b:s4+s29], $0x80, v2, vm0, $0xb8;
	[tilespmem:$0x1A580] =	vst v63  }
0x8d: {  	s7 =	simm.s32 $0xD880;
	s8 =	sld [smem:$0x7FB]  }
0x8e: {  	[tilespmem:s7], [sflag:$0x1] =	stream.indirect_vreg.gather [hbm4b:s6+s29], $0x80, v2, vm0, $0xb8;
	[tilespmem:$0x1A580] =	vst v63  }
0x8f: {  	s9 =	simm.s32 $0xE080;
	s10 =	sld [smem:$0x7FC]  }
0x90: {  	[tilespmem:s9], [sflag:$0x1] =	stream.indirect_vreg.gather [hbm4b:s8+s29], $0x80, v2, vm0, $0xb8;
	[tilespmem:$0x1A580] =	vst v63  }
0x91: {  	s11 =	simm.s32 $0xE880  }
0x92: {  	[tilespmem:s11], [sflag:$0x1] =	stream.indirect_vreg.gather [hbm4b:s10+s29], $0x80, v2, vm0, $0xb8;
	[tilespmem:$0x1A580] =	vst v63  }
0x93: {  	s3 =	simm.s32 $0xF080  }
0x94: {  	[tilespmem:s3], [sflag:$0x1] =	stream.indirect_vreg.gather [hbm4b:s12+s29], $0x80, v2, vm0, $0xb8;
	[tilespmem:$0x1A580] =	vst v63  }
0x95: {  	s4 =	simm.s32 $0xF880  }
0x96: {  	[tilespmem:s4], [sflag:$0x1] =	stream.indirect_vreg.gather [hbm4b:s13+s29], $0x80, v2, vm0, $0xb8;
	[tilespmem:$0x1A580] =	vst v63  }
0x97: {  	s5 =	simm.s32 $0x10080  }
0x98: {  	[tilespmem:s5], [sflag:$0x1] =	stream.indirect_vreg.gather [hbm4b:s14+s29], $0x80, v2, vm0, $0xb8;
	[tilespmem:$0x1A580] =	vst v63  }
0x99: {  	s6 =	simm.s32 $0x10880  }
0x9a: {  	[tilespmem:s6], [sflag:$0x1] =	stream.indirect_vreg.gather [hbm4b:s15+s29], $0x80, v2, vm0, $0xb8;
	[tilespmem:$0x1A580] =	vst v63  }
0x9b: {  	s7 =	simm.s32 $0x11080  }
0x9c: {  	[tilespmem:s7], [sflag:$0x1] =	stream.indirect_vreg.gather [hbm4b:s16+s29], $0x80, v2, vm0, $0xb8;
	[tilespmem:$0x1A580] =	vst v63  }
0x9d: {  	s8 =	simm.s32 $0x11880  }
0x9e: {  	[tilespmem:s8], [sflag:$0x1] =	stream.indirect_vreg.gather [hbm4b:s17+s29], $0x80, v2, vm0, $0xb8;
	[tilespmem:$0x1A580] =	vst v63  }
0x9f: {  	s9 =	simm.s32 $0x12080  }
0xa0: {  	[tilespmem:s9], [sflag:$0x1] =	stream.indirect_vreg.gather [hbm4b:s18+s29], $0x80, v2, vm0, $0xb8;
	[tilespmem:$0x1A580] =	vst v63  }
0xa1: {  	s10 =	simm.s32 $0x12880  }
0xa2: {  	[tilespmem:s10], [sflag:$0x1] =	stream.indirect_vreg.gather [hbm4b:s19+s29], $0x80, v2, vm0, $0xb8;
	[tilespmem:$0x1A580] =	vst v63  }
0xa3: {  	s11 =	simm.s32 $0x13080  }
0xa4: {  	[tilespmem:s11], [sflag:$0x1] =	stream.indirect_vreg.gather [hbm4b:s20+s29], $0x80, v2, vm0, $0xb8;
	[tilespmem:$0x1A580] =	vst v63  }
0xa5: {  	s3 =	simm.s32 $0x13880  }
0xa6: {  	[tilespmem:s3], [sflag:$0x1] =	stream.indirect_vreg.gather [hbm4b:s21+s29], $0x80, v2, vm0, $0xb8;
	[tilespmem:$0x1A580] =	vst v63  }
0xa7: {  	s4 =	simm.s32 $0x14080  }
0xa8: {  	[tilespmem:s4], [sflag:$0x1] =	stream.indirect_vreg.gather [hbm4b:s22+s29], $0x80, v2, vm0, $0xb8;
	[tilespmem:$0x1A580] =	vst v63  }
0xa9: {  	s5 =	simm.s32 $0x14880  }
0xaa: {  	[tilespmem:s5], [sflag:$0x1] =	stream.indirect_vreg.gather [hbm4b:s23+s29], $0x80, v2, vm0, $0xb8;
	[tilespmem:$0x1A580] =	vst v63  }
0xab: {  	_ =	swait.ge [sflag:s26], $0x15000  }
0xac: {  	[sflag:s26] =	ssyncset.done $0x0  }
0xad: {  	[sflag:s26] =	ssyncadd.s32 $0xFFFEB000  }
0xae: {  	v2 =	vld [tilespmem:$0x1A500];
	_ =	sdelay $0x4  }
0xaf: {  	v3 =	vnsel vm1, $0x0, v2  }
0xb0: {  	(xrf2) =	vadd.scan.msk.f32 $0xffff, v3;
	v3 =	vsel vm2, $0x0, v2  }
0xb1: {  	(xrf2) =	vadd.scan.msk.f32 $0xffff, v3;
	v3 =	vsel vm3, $0x0, v2  }
0xb2: {  	(xrf2) =	vadd.scan.msk.f32 $0xffff, v3;
	v3 =	vsel vm4, $0x0, v2  }
0xb3: {  	(xrf2) =	vadd.scan.msk.f32 $0xffff, v3;
	v3 =	vsel vm5, $0x0, v2  }
0xb4: {  	(xrf2) =	vadd.scan.msk.f32 $0xffff, v3;
	v3 =	vsel vm6, $0x0, v2  }
0xb5: {  	s6 =	sand.u32 $0x1FC00, s29;
	(xrf2) =	vadd.scan.msk.f32 $0xffff, v3;
	v3 =	vsel vm7, $0x0, v2  }
0xb6: {  	s30 =	sor.u32 $0x80, s6;
	s7 =	sand.u32 $0x40, s29;
	v2 =	vsel vm8, $0x0, v2;
	(xrf2) =	vadd.scan.msk.f32 $0xffff, v3  }
0xb7: {  	s3 =	sor.u32 s7, s30;
	(xrf2) =	vadd.scan.msk.f32 $0xffff, v2  }
0xb8: {  	v11 =	vld [tilespmem:s3+$0x200]  }
0xb9: {  	v12 =	vld [tilespmem:s3+$0x300]  }
0xba: {  	v16 =	vld [tilespmem:s3+$0x80];
	v2, _, _ =	vpop (xrf2)  }
0xbb: {  	v14 =	vld [tilespmem:s3+$0x100];
	v4, _, _ =	vpop (xrf2)  }
0xbc: {  	v15 =	vld [tilespmem:s3+$0x180];
	v5, _, _ =	vpop (xrf2)  }
0xbd: {  	v13 =	vld [tilespmem:s3+$0x280];
	v3 =	vbroadcast v2, $0xF;
	v4 =	vbroadcast v4, $0xF;
	v7, _, _ =	vpop (xrf2)  }
0xbe: {  	v18 =	vld [tilespmem:s3+$0x0];
	v6 =	vbroadcast v5, $0xF;
	v8, _, _ =	vpop (xrf2);
	v5 =	vbroadcast v7, $0xF  }
0xbf: {  	v2 =	vld [tilespmem:s3+$0x380];
	v16 =	vmul.f32 v16, v4;
	v9, _, _ =	vpop (xrf2);
	v7 =	vbroadcast v8, $0xF  }
0xc0: {  	v14 =	vmul.f32 v14, v6;
	v10, _, _ =	vpop (xrf2);
	v8 =	vbroadcast v9, $0xF  }
0xc1: {  	v15 =	vmul.f32 v15, v5;
	v17, _, _ =	vpop (xrf2);
	v9 =	vbroadcast v10, $0xF  }
0xc2: {  	v11 =	vmul.f32 v11, v7;
	v10 =	vbroadcast v17, $0xF  }
0xc3: {  	v13 =	vmul.f32 v13, v8;
	v17 =	vmul.f32 v18, v3  }
0xc4: {  	v12 =	vmul.f32 v12, v9;
	v2 =	vmul.f32 v2, v10  }
0xc5: {  	v14 =	vadd.f32 v15, v14;
	v11 =	vadd.f32 v13, v11  }
0xc6: {  	v2 =	vadd.f32 v2, v12;
	v12 =	vadd.f32 v16, v17;
	_ =	sdelay $0x1  }
0xc7: {  	v11 =	vadd.f32 v2, v11;
	v12 =	vadd.f32 v14, v12;
	_ =	sdelay $0x1  }
0xc8: {  	v11 =	vadd.f32 v11, v12  }
0xc9: {  	s8 =	simm.s32 $0x15080;
	s9 =	sor.u32 $0x10, s7;
	v2 =	vld [tilespmem:$0x1A480]  }
0xca: {  	s10 =	sor.u32 s9, s30;
	v12 =	vld [tilespmem:s1+$0x0];
	[tilespmem:s8+$0x0] =	vst v11  }
0xcb: {  	v13 =	vld [tilespmem:s10+$0x0]  }
0xcc: {  	v14 =	vld [tilespmem:s10+$0x80]  }
0xcd: {  	v15 =	vld [tilespmem:s10+$0x100]  }
0xce: {  	v16 =	vld [tilespmem:s10+$0x180]  }
0xcf: {  	v17 =	vld [tilespmem:s10+$0x380]  }
0xd0: {  	v18 =	vld [tilespmem:s10+$0x300]  }
0xd1: {  	v19 =	vld [tilespmem:s10+$0x280]  }
0xd2: {  	v20 =	vld [tilespmem:s10+$0x200];
	_ =	sdelay $0x1  }
0xd3: {  	v14 =	vmul.f32 v14, v4;
	v15 =	vmul.f32 v15, v6  }
0xd4: {  	v13 =	vmul.f32 v13, v3;
	v16 =	vmul.f32 v16, v5  }
0xd5: {  	v18 =	vmul.f32 v18, v9;
	v17 =	vmul.f32 v17, v10  }
0xd6: {  	v20 =	vmul.f32 v20, v7;
	v19 =	vmul.f32 v19, v8  }
0xd7: {  	v13 =	vadd.f32 v14, v13;
	v14 =	vadd.f32 v16, v15  }
0xd8: {  	v15 =	vadd.f32 v19, v20;
	v16 =	vadd.f32 v17, v18;
	_ =	sdelay $0x1  }
0xd9: {  	v13 =	vadd.f32 v14, v13;
	v14 =	vadd.f32 v16, v15;
	_ =	sdelay $0x1  }
0xda: {  	s6 =	sand.u32 $0x3F80, s29;
	v13 =	vadd.f32 v14, v13  }
0xdb: {  	s4 =	sor.u32 $0x20, s7;
	s1 =	sor.u32 s6, s9  }
0xdc: {  	s11 =	sor.u32 s4, s30;
	v19 =	vld [tilespmem:s1+$0x17A80];
	[tilespmem:s1+$0x15080] =	vst v13  }
0xdd: {  	v22 =	vld [tilespmem:s11+$0x380]  }
0xde: {  	v20 =	vld [tilespmem:s11+$0x80]  }
0xdf: {  	v21 =	vld [tilespmem:s11+$0x280]  }
0xe0: {  	v23 =	vld [tilespmem:s11+$0x180]  }
0xe1: {  	v24 =	vld [tilespmem:s11+$0x200]  }
0xe2: {  	v25 =	vld [tilespmem:s11+$0x0]  }
0xe3: {  	v15 =	vmul.f32 v11, v12;
	v16 =	vmul.f32 v12, v12;
	v26 =	vld [tilespmem:s11+$0x300]  }
0xe4: {  	v14 =	vmul.f32 v11, v11;
	v17 =	vmul.f32 v13, v13;
	v12 =	vld [tilespmem:s11+$0x100]  }
0xe5: {  	v18 =	vmul.f32 v13, v19;
	v19 =	vmul.f32 v19, v19  }
0xe6: {  	v13 =	vmul.f32 v20, v4;
	v20 =	vmul.f32 v23, v5  }
0xe7: {  	v23 =	vmul.f32 v24, v7;
	v27 =	vmul.f32 v25, v3  }
0xe8: {  	v11 =	vimm.f32 $0.0e+00;
	v28 =	vmul.f32 v21, v8;
	v21 =	vmul.f32 v26, v9  }
0xe9: {  	s31 =	sor.u32 $0x30, s7;
	s5 =	simm.s32 $0x150C0;
	v24 =	vmul.f32 v22, v10;
	v25 =	vmul.f32 v12, v6;
	v12 =	vimm.f32 $0.0e+00  }
0xea: {  	s3 =	simm.s32 $0x17AC0;
	s1 =	simm.s32 $0x0;
	s11 =	simm.s32 $0x0;
	v22 =	vadd.f32 v13, v27;
	v23 =	vadd.f32 v28, v23;
	v13 =	vimm.f32 $0.0e+00  }
.LBB2_3:
0xeb: {  	s1 =	sadd.s32 $0x4, s1;
	s29 =	sadd.s32 $0x200, s29;
	s11 =	sadd.s32 $0x40, s11  }
0xec: {  	v21 =	vadd.f32 v24, v21;
	s2 =	sor.u32 s6, s4;
	p2 =	slt.u32 s1, $0x29C;
	v20 =	vadd.f32 v20, v25  }
0xed: {  	v24 =	vld [tilespmem:s2+$0x17A80]  }
0xee: {  	v21 =	vadd.f32 v21, v23;
	v20 =	vadd.f32 v20, v22;
	_ =	sdelay $0x1  }
0xef: {  	v20 =	vadd.f32 v21, v20;
	_ =	sdelay $0x1  }
0xf0: {  	[tilespmem:s2+$0x15080] =	vst v20;
	v21 =	vmul.f32 v20, v20;
	v20 =	vmul.f32 v20, v24;
	s2 =	sor.u32 s31, s30  }
0xf1: {  	v22 =	vmul.f32 v24, v24;
	v23 =	vld [tilespmem:s2+$0x0]  }
0xf2: {  	v24 =	vld [tilespmem:s2+$0x80]  }
0xf3: {  	v25 =	vld [tilespmem:s2+$0x100]  }
0xf4: {  	v26 =	vld [tilespmem:s2+$0x180]  }
0xf5: {  	v27 =	vld [tilespmem:s2+$0x200]  }
0xf6: {  	v28 =	vld [tilespmem:s2+$0x280]  }
0xf7: {  	v24 =	vmul.f32 v24, v4;
	v29 =	vld [tilespmem:s2+$0x300]  }
0xf8: {  	s4 =	sor.u32 s6, s31;
	v25 =	vmul.f32 v25, v6;
	v30 =	vld [tilespmem:s2+$0x380]  }
0xf9: {  	v23 =	vmul.f32 v23, v3;
	v26 =	vmul.f32 v26, v5;
	v31 =	vld [tilespmem:s4+$0x17A80]  }
0xfa: {  	v11 =	vadd.f32 v16, v11;
	v16 =	vmul.f32 v27, v7  }
0xfb: {  	v23 =	vadd.f32 v24, v23;
	v27 =	vmul.f32 v28, v8;
	v24 =	vadd.f32 v26, v25  }
0xfc: {  	v11 =	vadd.f32 v19, v11;
	v19 =	vmul.f32 v29, v9  }
0xfd: {  	v25 =	vmul.f32 v30, v10;
	v23 =	vadd.f32 v24, v23;
	v16 =	vadd.f32 v27, v16  }
0xfe: {  	v11 =	vadd.f32 v22, v11;
	v22 =	vmul.f32 v31, v31  }
0xff: {  	v19 =	vadd.f32 v25, v19  }
0x100: {  	v13 =	vadd.f32 v15, v13;
	v11 =	vadd.f32 v22, v11  }
0x101: {  	v12 =	vadd.f32 v14, v12;
	v14 =	vadd.f32 v19, v16  }
0x102: {  	s6 =	sand.u32 $0x1FC00, s29;
	v13 =	vadd.f32 v18, v13  }
0x103: {  	v12 =	vadd.f32 v17, v12;
	s30 =	sor.u32 $0x80, s6;
	s2 =	sand.u32 $0x40, s11;
	v14 =	vadd.f32 v14, v23  }
0x104: {  	v13 =	vadd.f32 v20, v13;
	s6 =	sor.u32 s2, s30;
	s31 =	sor.u32 $0x30, s2  }
0x105: {  	v12 =	vadd.f32 v21, v12;
	[tilespmem:s4+$0x15080] =	vst v14;
	v15 =	vmul.f32 v14, v14;
	v14 =	vmul.f32 v14, v31  }
0x106: {  	v16 =	vld [tilespmem:s6+$0x200]  }
0x107: {  	v17 =	vld [tilespmem:s6+$0x300];
	v12 =	vadd.f32 v15, v12;
	v13 =	vadd.f32 v14, v13  }
0x108: {  	v14 =	vld [tilespmem:s6+$0x280]  }
0x109: {  	v15 =	vld [tilespmem:s6+$0x100]  }
0x10a: {  	v18 =	vld [tilespmem:s6+$0x180]  }
0x10b: {  	v19 =	vld [tilespmem:s6+$0x380]  }
0x10c: {  	v20 =	vld [tilespmem:s6+$0x80]  }
0x10d: {  	v21 =	vld [tilespmem:s6+$0x0]  }
0x10e: {  	v15 =	vmul.f32 v15, v6  }
0x10f: {  	v14 =	vmul.f32 v14, v8;
	v18 =	vmul.f32 v18, v5  }
0x110: {  	v17 =	vmul.f32 v17, v9;
	v19 =	vmul.f32 v19, v10  }
0x111: {  	v16 =	vmul.f32 v16, v7;
	v15 =	vadd.f32 v18, v15  }
0x112: {  	v20 =	vmul.f32 v20, v4;
	v18 =	vmul.f32 v21, v3;
	v17 =	vadd.f32 v19, v17  }
0x113: {  	v14 =	vadd.f32 v14, v16  }
0x114: {  	v16 =	vadd.f32 v20, v18  }
0x115: {  	v14 =	vadd.f32 v17, v14  }
0x116: {  	v15 =	vadd.f32 v15, v16;
	_ =	sdelay $0x1  }
0x117: {  	v15 =	vadd.f32 v14, v15  }
0x118: {  	s4 =	sor.u32 $0x10, s2;
	v16 =	vld [tilespmem:s3+$0x0]  }
0x119: {  	s6 =	sor.u32 s4, s30;
	[tilespmem:s5+$0x0] =	vst v15;
	v14 =	vmul.f32 v15, v15  }
0x11a: {  	v17 =	vld [tilespmem:s6+$0x0]  }
0x11b: {  	v18 =	vld [tilespmem:s6+$0x80]  }
0x11c: {  	v19 =	vld [tilespmem:s6+$0x100]  }
0x11d: {  	v15 =	vmul.f32 v15, v16;
	v16 =	vmul.f32 v16, v16;
	v20 =	vld [tilespmem:s6+$0x180];
	_ =	sdelay $0x1  }
0x11e: {  	v21 =	vld [tilespmem:s6+$0x380]  }
0x11f: {  	v18 =	vmul.f32 v18, v4;
	v22 =	vld [tilespmem:s6+$0x300]  }
0x120: {  	v19 =	vmul.f32 v19, v6;
	v23 =	vld [tilespmem:s6+$0x280]  }
0x121: {  	v17 =	vmul.f32 v17, v3;
	v20 =	vmul.f32 v20, v5;
	v24 =	vld [tilespmem:s6+$0x200];
	_ =	sdelay $0x1  }
0x122: {  	v17 =	vadd.f32 v18, v17;
	v18 =	vadd.f32 v20, v19  }
0x123: {  	v19 =	vmul.f32 v22, v9  }
0x124: {  	v20 =	vmul.f32 v21, v10;
	v17 =	vadd.f32 v18, v17  }
0x125: {  	v21 =	vmul.f32 v23, v8;
	v18 =	vmul.f32 v24, v7  }
0x126: {  	s6 =	sand.u32 $0x3F80, s11  }
0x127: {  	s7 =	sor.u32 s6, s4;
	v19 =	vadd.f32 v20, v19;
	v18 =	vadd.f32 v21, v18  }
0x128: {  	v20 =	vld [tilespmem:s7+$0x17A80]  }
0x129: {  	v18 =	vadd.f32 v19, v18;
	_ =	sdelay $0x1  }
0x12a: {  	v18 =	vadd.f32 v18, v17  }
0x12b: {  	s4 =	sor.u32 $0x20, s2  }
0x12c: {  	s2 =	sor.u32 s4, s30;
	[tilespmem:s7+$0x15080] =	vst v18;
	v17 =	vmul.f32 v18, v18;
	v18 =	vmul.f32 v18, v20  }
0x12d: {  	v19 =	vmul.f32 v20, v20;
	v22 =	vld [tilespmem:s2+$0x380]  }
0x12e: {  	v20 =	vld [tilespmem:s2+$0x80]  }
0x12f: {  	v21 =	vld [tilespmem:s2+$0x280]  }
0x130: {  	v23 =	vld [tilespmem:s2+$0x180]  }
0x131: {  	v24 =	vld [tilespmem:s2+$0x200]  }
0x132: {  	v25 =	vld [tilespmem:s2+$0x0]  }
0x133: {  	v26 =	vmul.f32 v20, v4;
	v27 =	vld [tilespmem:s2+$0x300]  }
0x134: {  	v28 =	vld [tilespmem:s2+$0x100]  }
.Ltmp3:
0x135: {  	v20 =	vmul.f32 v23, v5;
	(pc) =	sbr.rel @p2 .LBB2_3-.Ltmp3, $4  }
0x136: {  	v23 =	vmul.f32 v24, v7  }
0x137: {  	v30 =	vmul.f32 v21, v8;
	v29 =	vmul.f32 v25, v3  }
0x138: {  	v24 =	vmul.f32 v22, v10;
	v21 =	vmul.f32 v27, v9  }
0x139: {  	s3 =	sadd.s32 $0x40, s3;
	s5 =	sadd.s32 $0x40, s5;
	v23 =	vadd.f32 v30, v23;
	v25 =	vmul.f32 v28, v6;
	v22 =	vadd.f32 v26, v29  }
0x13a: {  	_ = 	snop  }
0x13b: {  	v21 =	vadd.f32 v24, v21;
	v20 =	vadd.f32 v20, v25;
	_ =	sdelay $0x1  }
0x13c: {  	v21 =	vadd.f32 v21, v23;
	v20 =	vadd.f32 v20, v22;
	_ =	sdelay $0x1  }
0x13d: {  	v20 =	vadd.f32 v21, v20  }
0x13e: {  	s1 =	sor.u32 s6, s4  }
0x13f: {  	s2 =	sor.u32 s31, s30;
	[tilespmem:s1+$0x15080] =	vst v20  }
0x140: {  	v21 =	vld [tilespmem:s2+$0x0]  }
0x141: {  	v22 =	vld [tilespmem:s2+$0x80]  }
0x142: {  	v23 =	vld [tilespmem:s2+$0x100]  }
0x143: {  	v56 =	vld [tilespmem:s2+$0x180]  }
0x144: {  	v57 =	vld [tilespmem:s2+$0x200]  }
0x145: {  	v26 =	vld [tilespmem:s2+$0x280]  }
0x146: {  	v27 =	vld [tilespmem:s2+$0x300]  }
0x147: {  	v28 =	vld [tilespmem:s2+$0x380];
	_ =	sdelay $0x1  }
0x148: {  	v4 =	vmul.f32 v22, v4;
	v6 =	vmul.f32 v23, v6  }
0x149: {  	v3 =	vmul.f32 v21, v3;
	v5 =	vmul.f32 v56, v5  }
0x14a: {  	v7 =	vmul.f32 v57, v7;
	v8 =	vmul.f32 v26, v8  }
0x14b: {  	v9 =	vmul.f32 v27, v9;
	v10 =	vmul.f32 v28, v10  }
0x14c: {  	v3 =	vadd.f32 v4, v3;
	v4 =	vadd.f32 v5, v6  }
0x14d: {  	v5 =	vld [tilespmem:s1+$0x17A80];
	v6 =	vadd.f32 v8, v7;
	v7 =	vadd.f32 v10, v9  }
0x14e: {  	s11 =	sor.u32 s6, s31;
	v8 =	vadd.f32 v14, v12  }
0x14f: {  	v3 =	vadd.f32 v4, v3;
	v4 =	vld [tilespmem:s11+$0x17A80];
	v6 =	vadd.f32 v7, v6  }
0x150: {  	v7 =	vadd.f32 v15, v13  }
0x151: {  	v9 =	vmul.f32 v20, v20;
	v8 =	vadd.f32 v17, v8;
	v3 =	vadd.f32 v6, v3  }
0x152: {  	v7 =	vadd.f32 v18, v7;
	v6 =	vmul.f32 v20, v5  }
0x153: {  	v8 =	vadd.f32 v9, v8;
	v9 =	vmul.f32 v3, v3  }
0x154: {  	v6 =	vadd.f32 v6, v7;
	v7 =	vmul.f32 v3, v4  }
0x155: {  	v8 =	vadd.f32 v9, v8  }
0x156: {  	v6 =	vadd.f32 v7, v6  }
0x157: {  	(xrf2) =	vadd.scan.msk.f32 $0xffff, v8  }
0x158: {  	(xrf2) =	vadd.scan.msk.f32 $0xffff, v6;
	_ =	sdelay $0x7  }
0x159: {  	v6 =	vadd.f32 v16, v11  }
0x15a: {  	v7, _, _ =	vpop (xrf2)  }
0x15b: {  	v5 =	vmul.f32 v5, v5;
	v6 =	vadd.f32 v19, v6;
	v8, _, _ =	vpop (xrf2)  }
0x15c: {  	(v2sf) =	vpush v8, $0xF  }
0x15d: {  	v4 =	vmul.f32 v4, v4;
	v5 =	vadd.f32 v5, v6;
	_ =	sdelay $0x1  }
0x15e: {  	v4 =	vadd.f32 v4, v5;
	_ =	sdelay $0x1  }
0x15f: {  	(xrf2) =	vadd.scan.msk.f32 $0xffff, v4;
	_ =	sdelay $0x9  }
0x160: {  	v4, _, _ =	vpop (xrf2);
	s3 =	spop (v2sf)  }
0x161: {  	v4 =	vbroadcast v4, $0xF;
	s2 =	sadd.f32 s3, s3  }
0x162: {  	v6 =	vbroadcast v7, $0xF  }
0x163: {  	v4 =	vmul.f32 v4, v2;
	v5 =	vmul.f32 s2, v2;
	_ =	sdelay $0x1  }
0x164: {  	v4 =	vmul.f32 v4, v2;
	v5 =	vadd.f32 v5, v6;
	_ =	sdelay $0x1  }
0x165: {  	v4 =	vadd.f32 v5, v4;
	_ =	sdelay $0x1  }
0x166: {  	v5 =	vshra.s32 v4, $0x1;
	v6 =	vmul.f32 $5.000000000e-01, v4  }
0x167: {  	v5 =	vsub.s32 $0x5F3759DF, v5  }
0x168: {  	v7 =	vmul.f32 v5, v6;
	_ =	sdelay $0x1  }
0x169: {  	v7 =	vmul.f32 v5, v7;
	_ =	sdelay $0x1  }
0x16a: {  	v7 =	vsub.f32 $1.500000000e+00, v7;
	_ =	sdelay $0x1  }
0x16b: {  	v5 =	vmul.f32 v5, v7;
	_ =	sdelay $0x1  }
0x16c: {  	v7 =	vmul.f32 v5, v6;
	_ =	sdelay $0x1  }
0x16d: {  	v7 =	vmul.f32 v7, v5;
	_ =	sdelay $0x1  }
0x16e: {  	v7 =	vsub.f32 $1.500000000e+00, v7;
	_ =	sdelay $0x1  }
0x16f: {  	v5 =	vmul.f32 v7, v5;
	_ =	sdelay $0x1  }
0x170: {  	v7 =	vmul.f32 v5, v6;
	_ =	sdelay $0x1  }
0x171: {  	v7 =	vmul.f32 v7, v5;
	_ =	sdelay $0x1  }
0x172: {  	v7 =	vsub.f32 $1.500000000e+00, v7;
	_ =	sdelay $0x1  }
0x173: {  	v5 =	vmul.f32 v7, v5;
	_ =	sdelay $0x1  }
0x174: {  	v6 =	vmul.f32 v5, v6;
	_ =	sdelay $0x1  }
0x175: {  	v6 =	vmul.f32 v6, v5;
	_ =	sdelay $0x1  }
0x176: {  	v6 =	vsub.f32 $1.500000000e+00, v6;
	_ =	sdelay $0x1  }
0x177: {  	v5 =	vmul.f32 v6, v5;
	_ =	sdelay $0x1  }
0x178: {  	v4 =	vmul.f32 v5, v4;
	_ =	sdelay $0x1  }
0x179: {  	v4 =	vadd.f32 $9.999999960e-13, v4;
	_ =	sdelay $0x1  }
0x17a: {  	(erf) = vrcp.f32 v4;
	_ =	sdelay $0x1  }
0x17b: {  	v4 =	vnsel vm1, $0x0, v2  }
0x17c: {  	(xrf2) =	vadd.scan.msk.f32 $0xffff, v4;
	v4 =	vsel vm2, $0x0, v2  }
0x17d: {  	(xrf2) =	vadd.scan.msk.f32 $0xffff, v4;
	v4 =	vsel vm3, $0x0, v2  }
0x17e: {  	(xrf2) =	vadd.scan.msk.f32 $0xffff, v4;
	v4 =	vsel vm4, $0x0, v2  }
0x17f: {  	(xrf2) =	vadd.scan.msk.f32 $0xffff, v4;
	v4 =	vsel vm5, $0x0, v2  }
0x180: {  	(xrf2) =	vadd.scan.msk.f32 $0xffff, v4;
	v4 =	vsel vm6, $0x0, v2  }
0x181: {  	(xrf2) =	vadd.scan.msk.f32 $0xffff, v4;
	v4 =	vsel vm7, $0x0, v2  }
0x182: {  	v2 =	vsel vm8, $0x0, v2;
	(xrf2) =	vadd.scan.msk.f32 $0xffff, v4;
	v5 =	vpop (erf)  }
0x183: {  	(xrf2) =	vadd.scan.msk.f32 $0xffff, v2;
	v2 =	vnsel vm1, $0x0, v5  }
0x184: {  	(xrf2) =	vadd.scan.msk.f32 $0xffff, v2;
	v2 =	vsel vm2, $0x0, v5  }
0x185: {  	(xrf2) =	vadd.scan.msk.f32 $0xffff, v2;
	v2 =	vsel vm3, $0x0, v5  }
0x186: {  	v4, _, _ =	vpop (xrf2);
	(xrf2) =	vadd.scan.msk.f32 $0xffff, v2;
	v2 =	vsel vm4, $0x0, v5  }
0x187: {  	v6, _, _ =	vpop (xrf2);
	(xrf2) =	vadd.scan.msk.f32 $0xffff, v2  }
0x188: {  	s4 =	simm.s32 $0x17A80;
	[tilespmem:s11+$0x15080] =	vst v3;
	v9, _, _ =	vpop (xrf2)  }
0x189: {  	v18 =	vld [tilespmem:s4+$0x0];
	v2 =	vsel vm5, $0x0, v5;
	v11, _, _ =	vpop (xrf2)  }
0x18a: {  	s5 =	simm.s32 $0x15080;
	(xrf2) =	vadd.scan.msk.f32 $0xffff, v2;
	v12, _, _ =	vpop (xrf2)  }
0x18b: {  	v19 =	vld [tilespmem:s5+$0x0];
	v2 =	vsel vm6, $0x0, v5;
	v14, _, _ =	vpop (xrf2)  }
0x18c: {  	v7 =	vbroadcast v4, $0xF;
	v16, _, _ =	vpop (xrf2)  }
0x18d: {  	v8 =	vbroadcast v6, $0xF;
	v17, _, _ =	vpop (xrf2)  }
0x18e: {  	v15 =	vbroadcast v11, $0xF;
	v11 =	vmul.f32 v18, v7;
	(xrf2) =	vadd.scan.msk.f32 $0xffff, v2;
	v2, _, _ =	vpop (xrf2)  }
0x18f: {  	v13 =	vsel vm7, $0x0, v5;
	v5 =	vsel vm8, $0x0, v5;
	v10, _, _ =	vpop (xrf2)  }
0x190: {  	v21 =	vadd.f32 v11, v19;
	v11 =	vbroadcast v17, $0xF;
	v17 =	vmul.f32 v18, v8;
	v4, _, _ =	vpop (xrf2);
	(xrf2) =	vadd.scan.msk.f32 $0xffff, v13  }
0x191: {  	v3 =	vbroadcast v2, $0xF;
	v2 =	vbroadcast v10, $0xF;
	v6, _, _ =	vpop (xrf2);
	(xrf2) =	vadd.scan.msk.f32 $0xffff, v5  }
0x192: {  	v10 =	vbroadcast v9, $0xF;
	v13 =	vbroadcast v12, $0xF  }
0x193: {  	v12 =	vbroadcast v14, $0xF;
	v14 =	vbroadcast v16, $0xF  }
0x194: {  	s29 =	simm.s32 $0x0;
	v4 =	vbroadcast v4, $0xF;
	v20, _, _ =	vpop (xrf2);
	v16 =	vmul.f32 v18, v10  }
0x195: {  	s6 =	sand.u32 $0x1FC00, s29;
	v17 =	vadd.f32 v17, v19;
	v5 =	vbroadcast v20, $0xF;
	v20 =	vmul.f32 v18, v15  }
0x196: {  	s30 =	sor.u32 $0x80, s6;
	s1 =	sand.u32 $0x40, s29;
	v21 =	vmul.f32 v21, v3;
	v23 =	vmul.f32 v18, v12;
	v16 =	vadd.f32 v16, v19  }
0x197: {  	s3 =	sor.u32 s1, s30;
	v9 =	vbroadcast v6, $0xF;
	v22 =	vmul.f32 v18, v13;
	v20 =	vadd.f32 v20, v19  }
0x198: {  	p2 =	por $0x0, $0x0;
	s2 =	simm.s32 $0x1;
	v58 =	vmul.f32 v18, v14;
	[tilespmem:s3+$0x0] =	vst v21;
	v21 =	vadd.f32 v23, v19;
	v23 =	vmul.f32 v17, v2  }
0x199: {  	s2 =	simm.s32 @!p2 $0x0;
	v6, _, _ =	vpop (xrf2);
	v18 =	vmul.f32 v18, v11;
	v22 =	vadd.f32 v22, v19;
	v20 =	vmul.f32 v20, v9  }
0x19a: {  	s2 =	sshll.u32 s2, $0x6;
	v6 =	vbroadcast v6, $0xF;
	v59 =	vmul.f32 v16, v4;
	[tilespmem:s3+$0x80] =	vst v23;
	v16, _, _ =	vpop (xrf2)  }
0x19b: {  	s2 =	sadd.s32 $0x0, s2;
	v22 =	vmul.f32 v22, v5;
	[tilespmem:s3+$0x180] =	vst v20;
	v20 =	vadd.f32 v58, v19;
	v17, _, _ =	vpop (xrf2);
	v16 =	vbroadcast v16, $0xF  }
0x19c: {  	s7 =	sor.u32 $0x200, s2;
	v18 =	vadd.f32 v18, v19;
	[tilespmem:s3+$0x100] =	vst v59;
	v19 =	vmul.f32 v21, v6;
	v17 =	vbroadcast v17, $0xF  }
0x19d: {  	s8 =	sor.u32 $0x280, s2;
	[tilespmem:s7+$0x80] =	vst v22;
	v20 =	vmul.f32 v20, v16  }
0x19e: {  	s9 =	sor.u32 $0x300, s2;
	[tilespmem:s8+$0x80] =	vst v19;
	v18 =	vmul.f32 v18, v17  }
0x19f: {  	s10 =	sor.u32 $0x10, s1;
	s5 =	sor.u32 $0x380, s2;
	s3 =	sand.u32 $0x3F80, s29;
	[tilespmem:s9+$0x80] =	vst v20  }
0x1a0: {  	s11 =	sor.u32 s3, s10;
	[tilespmem:s5+$0x80] =	vst v18  }
0x1a1: {  	v18 =	vld [tilespmem:s11+$0x17A80];
	_ =	sdelay $0x1  }
0x1a2: {  	v19 =	vld [tilespmem:s11+$0x15080];
	_ =	sdelay $0x2  }
0x1a3: {  	v20 =	vmul.f32 v18, v7  }
0x1a4: {  	v21 =	vmul.f32 v18, v15  }
0x1a5: {  	v22 =	vmul.f32 v18, v8;
	v20 =	vadd.f32 v20, v19  }
0x1a6: {  	v23 =	vmul.f32 v18, v10;
	v21 =	vadd.f32 v21, v19  }
0x1a7: {  	v60 =	vmul.f32 v18, v13;
	v22 =	vadd.f32 v22, v19;
	v20 =	vmul.f32 v20, v3  }
0x1a8: {  	s4 =	sor.u32 s10, s30;
	v61 =	vmul.f32 v18, v12;
	v23 =	vadd.f32 v23, v19;
	v21 =	vmul.f32 v21, v9  }
0x1a9: {  	v24 =	vadd.f32 v60, v19;
	v22 =	vmul.f32 v22, v2;
	[tilespmem:s4+$0x0] =	vst v20;
	v20 =	vmul.f32 v18, v14  }
0x1aa: {  	v25 =	vadd.f32 v61, v19;
	v23 =	vmul.f32 v23, v4;
	v18 =	vmul.f32 v18, v11;
	[tilespmem:s4+$0x180] =	vst v21  }
0x1ab: {  	s6 =	sadd.s32 $0x10, s2;
	[tilespmem:s4+$0x80] =	vst v22;
	v21 =	vmul.f32 v24, v5;
	v20 =	vadd.f32 v20, v19  }
0x1ac: {  	s7 =	sor.u32 $0x200, s6;
	[tilespmem:s4+$0x100] =	vst v23;
	v18 =	vadd.f32 v18, v19;
	v19 =	vmul.f32 v25, v6  }
0x1ad: {  	s8 =	sor.u32 $0x280, s6;
	[tilespmem:s7+$0x80] =	vst v21;
	v20 =	vmul.f32 v20, v16  }
0x1ae: {  	s9 =	sor.u32 $0x300, s6;
	[tilespmem:s8+$0x80] =	vst v19;
	v18 =	vmul.f32 v18, v17  }
0x1af: {  	s10 =	sor.u32 $0x20, s1;
	s11 =	sor.u32 $0x380, s6;
	[tilespmem:s9+$0x80] =	vst v20  }
0x1b0: {  	s5 =	sor.u32 s3, s10;
	[tilespmem:s11+$0x80] =	vst v18  }
0x1b1: {  	v18 =	vld [tilespmem:s5+$0x17A80];
	_ =	sdelay $0x1  }
0x1b2: {  	v19 =	vld [tilespmem:s5+$0x15080];
	_ =	sdelay $0x2  }
0x1b3: {  	v20 =	vmul.f32 v18, v7  }
0x1b4: {  	v21 =	vmul.f32 v18, v8  }
0x1b5: {  	v22 =	vmul.f32 v18, v15;
	v20 =	vadd.f32 v20, v19  }
0x1b6: {  	v23 =	vmul.f32 v18, v10;
	v21 =	vadd.f32 v21, v19  }
0x1b7: {  	v62 =	vmul.f32 v18, v13;
	v22 =	vadd.f32 v22, v19;
	v20 =	vmul.f32 v20, v3  }
0x1b8: {  	s6 =	sor.u32 s10, s30;
	v63 =	vmul.f32 v18, v12;
	v23 =	vadd.f32 v23, v19;
	v21 =	vmul.f32 v21, v2  }
0x1b9: {  	v24 =	vadd.f32 v62, v19;
	v22 =	vmul.f32 v22, v9;
	[tilespmem:s6+$0x0] =	vst v20;
	v20 =	vmul.f32 v18, v14  }
0x1ba: {  	v25 =	vadd.f32 v63, v19;
	v23 =	vmul.f32 v23, v4;
	v18 =	vmul.f32 v18, v11;
	[tilespmem:s6+$0x80] =	vst v21  }
0x1bb: {  	s7 =	sadd.s32 $0x20, s2;
	[tilespmem:s6+$0x180] =	vst v22;
	v21 =	vmul.f32 v24, v5;
	v20 =	vadd.f32 v20, v19  }
0x1bc: {  	s8 =	sor.u32 $0x200, s7;
	[tilespmem:s6+$0x100] =	vst v23;
	v18 =	vadd.f32 v18, v19;
	v19 =	vmul.f32 v25, v6  }
0x1bd: {  	s9 =	sor.u32 $0x280, s7;
	[tilespmem:s8+$0x80] =	vst v21;
	v20 =	vmul.f32 v20, v16  }
0x1be: {  	s10 =	sor.u32 $0x300, s7;
	[tilespmem:s9+$0x80] =	vst v19;
	v18 =	vmul.f32 v18, v17  }
0x1bf: {  	s11 =	sor.u32 $0x380, s7;
	s6 =	sor.u32 $0x30, s1;
	[tilespmem:s10+$0x80] =	vst v20  }
0x1c0: {  	s1 =	sor.u32 s3, s6;
	[tilespmem:s11+$0x80] =	vst v18  }
0x1c1: {  	v19 =	vld [tilespmem:s1+$0x17A80];
	_ =	sdelay $0x1  }
0x1c2: {  	v18 =	vld [tilespmem:s1+$0x15080];
	_ =	sdelay $0x1  }
0x1c3: {  	s31 =	simm.s32 $0x0;
	s5 =	simm.s32 $0x40  }
0x1c4: {  	s3 =	sadd.s32 $0x30, s2;
	s11 =	simm.s32 $0x150C0;
	s1 =	simm.s32 $0x17AC0;
	v21 =	vmul.f32 v19, v7;
	v20 =	vmul.f32 v19, v15  }
.LBB2_5:
0x1c5: {  	s31 =	sadd.s32 $0x4, s31;
	v22 =	vmul.f32 v19, v8;
	v23 =	vmul.f32 v19, v10;
	s29 =	sadd.s32 $0x200, s29;
	p2 =	por !p2, !p2  }
0x1c6: {  	v24 =	vmul.f32 v19, v13;
	v25 =	vmul.f32 v19, v14;
	p3 =	slt.u32 s31, $0x29C;
	v21 =	vadd.f32 v21, v18  }
0x1c7: {  	v26 =	vmul.f32 v19, v12;
	v20 =	vadd.f32 v20, v18;
	v23 =	vadd.f32 v23, v18  }
0x1c8: {  	v22 =	vadd.f32 v22, v18;
	v24 =	vadd.f32 v24, v18;
	v21 =	vmul.f32 v21, v3  }
0x1c9: {  	s2 =	sor.u32 s6, s30;
	v26 =	vadd.f32 v26, v18;
	v20 =	vmul.f32 v20, v9;
	v23 =	vmul.f32 v23, v4  }
0x1ca: {  	v19 =	vmul.f32 v19, v11;
	[tilespmem:s2+$0x0] =	vst v21;
	v21 =	vmul.f32 v22, v2;
	v22 =	vadd.f32 v25, v18  }
0x1cb: {  	[tilespmem:s2+$0x180] =	vst v20;
	v20 =	vmul.f32 v24, v5  }
0x1cc: {  	v18 =	vadd.f32 v19, v18;
	[tilespmem:s2+$0x80] =	vst v21;
	v21 =	vmul.f32 v26, v6  }
0x1cd: {  	v19 =	vmul.f32 v22, v16;
	[tilespmem:s2+$0x100] =	vst v23;
	s2 =	sor.u32 $0x200, s3  }
0x1ce: {  	[tilespmem:s2+$0x80] =	vst v20;
	s2 =	sor.u32 $0x280, s3  }
0x1cf: {  	v18 =	vmul.f32 v18, v17;
	[tilespmem:s2+$0x80] =	vst v21;
	s2 =	sor.u32 $0x300, s3  }
0x1d0: {  	[tilespmem:s2+$0x80] =	vst v19;
	s2 =	sor.u32 $0x380, s3  }
0x1d1: {  	[tilespmem:s2+$0x80] =	vst v18  }
0x1d2: {  	v18 =	vld [tilespmem:s1+$0x0];
	_ =	sdelay $0x1  }
0x1d3: {  	v19 =	vld [tilespmem:s11+$0x0];
	_ =	sdelay $0x2  }
0x1d4: {  	v20 =	vmul.f32 v18, v7;
	v21 =	vmul.f32 v18, v13  }
0x1d5: {  	v22 =	vmul.f32 v18, v10;
	v23 =	vmul.f32 v18, v15  }
0x1d6: {  	v24 =	vmul.f32 v18, v8;
	v20 =	vadd.f32 v20, v19;
	v21 =	vadd.f32 v21, v19  }
0x1d7: {  	s2 =	sand.u32 $0x1FC00, s29;
	v25 =	vmul.f32 v18, v12;
	v22 =	vadd.f32 v22, v19;
	v23 =	vadd.f32 v23, v19  }
0x1d8: {  	s6 =	sand.u32 $0x40, s5;
	s4 =	simm.s32 $0x1;
	s30 =	sor.u32 $0x80, s2;
	v26 =	vmul.f32 v18, v14;
	v24 =	vadd.f32 v24, v19;
	v20 =	vmul.f32 v20, v3  }
0x1d9: {  	s8 =	sor.u32 $0x10, s6;
	s2 =	sor.u32 $0x20, s6;
	s3 =	sor.u32 s6, s30;
	v25 =	vadd.f32 v25, v19;
	v22 =	vmul.f32 v22, v4;
	v23 =	vmul.f32 v23, v9  }
0x1da: {  	s4 =	simm.s32 @!p2 $0x0;
	v18 =	vmul.f32 v18, v11;
	[tilespmem:s3+$0x0] =	vst v20;
	v20 =	vmul.f32 v24, v2;
	v24 =	vadd.f32 v26, v19  }
0x1db: {  	s4 =	sshll.u32 s4, $0x6;
	[tilespmem:s3+$0x180] =	vst v23  }
0x1dc: {  	s4 =	sadd.s32 s4, s29;
	v18 =	vadd.f32 v18, v19;
	v21 =	vmul.f32 v21, v5;
	[tilespmem:s3+$0x100] =	vst v22  }
0x1dd: {  	s7 =	sadd.s32 $0x10, s4;
	s9 =	sadd.s32 $0x20, s4;
	v19 =	vmul.f32 v25, v6;
	[tilespmem:s3+$0x80] =	vst v20;
	s3 =	sor.u32 $0x200, s4  }
0x1de: {  	s10 =	sor.u32 $0x280, s4;
	v20 =	vmul.f32 v24, v16;
	[tilespmem:s3+$0x80] =	vst v21;
	s3 =	sadd.s32 $0x30, s4  }
0x1df: {  	v18 =	vmul.f32 v18, v17;
	[tilespmem:s10+$0x80] =	vst v19;
	s10 =	sor.u32 $0x300, s4  }
0x1e0: {  	[tilespmem:s10+$0x80] =	vst v20;
	s10 =	sor.u32 $0x380, s4;
	s4 =	sand.u32 $0x3F80, s5  }
0x1e1: {  	[tilespmem:s10+$0x80] =	vst v18;
	s10 =	sor.u32 s4, s8  }
0x1e2: {  	v18 =	vld [tilespmem:s10+$0x17A80];
	_ =	sdelay $0x1  }
0x1e3: {  	v19 =	vld [tilespmem:s10+$0x15080];
	_ =	sdelay $0x2  }
0x1e4: {  	v20 =	vmul.f32 v18, v7;
	v21 =	vmul.f32 v18, v8  }
0x1e5: {  	v22 =	vmul.f32 v18, v10;
	v23 =	vmul.f32 v18, v15  }
0x1e6: {  	v24 =	vmul.f32 v18, v13;
	v20 =	vadd.f32 v20, v19;
	v21 =	vadd.f32 v21, v19  }
0x1e7: {  	v25 =	vmul.f32 v18, v12;
	v22 =	vadd.f32 v22, v19;
	v23 =	vadd.f32 v23, v19  }
0x1e8: {  	v24 =	vadd.f32 v24, v19;
	v20 =	vmul.f32 v20, v3;
	v21 =	vmul.f32 v21, v2  }
0x1e9: {  	s8 =	sor.u32 s8, s30;
	v25 =	vadd.f32 v25, v19;
	v22 =	vmul.f32 v22, v4;
	v23 =	vmul.f32 v23, v9  }
0x1ea: {  	[tilespmem:s8+$0x0] =	vst v20;
	v20 =	vmul.f32 v18, v14;
	v18 =	vmul.f32 v18, v11  }
0x1eb: {  	[tilespmem:s8+$0x180] =	vst v23  }
0x1ec: {  	[tilespmem:s8+$0x80] =	vst v21;
	v21 =	vmul.f32 v24, v5;
	v20 =	vadd.f32 v20, v19;
	v18 =	vadd.f32 v18, v19  }
0x1ed: {  	v19 =	vmul.f32 v25, v6;
	[tilespmem:s8+$0x100] =	vst v22;
	s8 =	sor.u32 $0x200, s7  }
0x1ee: {  	[tilespmem:s8+$0x80] =	vst v21;
	s8 =	sor.u32 $0x280, s7;
	v20 =	vmul.f32 v20, v16  }
0x1ef: {  	v18 =	vmul.f32 v18, v17;
	[tilespmem:s8+$0x80] =	vst v19;
	s8 =	sor.u32 $0x300, s7  }
0x1f0: {  	s7 =	sor.u32 $0x380, s7;
	[tilespmem:s8+$0x80] =	vst v20  }
0x1f1: {  	[tilespmem:s7+$0x80] =	vst v18;
	s7 =	sor.u32 s4, s2  }
0x1f2: {  	v18 =	vld [tilespmem:s7+$0x17A80];
	_ =	sdelay $0x1  }
0x1f3: {  	v19 =	vld [tilespmem:s7+$0x15080];
	_ =	sdelay $0x2  }
0x1f4: {  	v20 =	vmul.f32 v18, v7;
	v21 =	vmul.f32 v18, v8  }
0x1f5: {  	v22 =	vmul.f32 v18, v10;
	v23 =	vmul.f32 v18, v15  }
0x1f6: {  	v24 =	vmul.f32 v18, v13;
	v20 =	vadd.f32 v20, v19;
	v21 =	vadd.f32 v21, v19  }
0x1f7: {  	v25 =	vmul.f32 v18, v12;
	v22 =	vadd.f32 v22, v19;
	v23 =	vadd.f32 v23, v19  }
0x1f8: {  	v24 =	vadd.f32 v24, v19;
	v20 =	vmul.f32 v20, v3;
	v21 =	vmul.f32 v21, v2  }
0x1f9: {  	s2 =	sor.u32 s2, s30;
	v25 =	vadd.f32 v25, v19;
	v22 =	vmul.f32 v22, v4;
	v23 =	vmul.f32 v23, v9  }
0x1fa: {  	[tilespmem:s2+$0x0] =	vst v20;
	v20 =	vmul.f32 v18, v14;
	v18 =	vmul.f32 v18, v11  }
0x1fb: {  	[tilespmem:s2+$0x80] =	vst v21  }
0x1fc: {  	v21 =	vmul.f32 v24, v5;
	[tilespmem:s2+$0x180] =	vst v23;
	v20 =	vadd.f32 v20, v19;
	v18 =	vadd.f32 v18, v19  }
0x1fd: {  	v19 =	vmul.f32 v25, v6;
	[tilespmem:s2+$0x100] =	vst v22;
	s2 =	sor.u32 $0x200, s9  }
0x1fe: {  	[tilespmem:s2+$0x80] =	vst v21;
	s2 =	sor.u32 $0x280, s9;
	v20 =	vmul.f32 v20, v16  }
0x1ff: {  	v18 =	vmul.f32 v18, v17;
	[tilespmem:s2+$0x80] =	vst v19;
	s2 =	sor.u32 $0x300, s9  }
0x200: {  	s6 =	sor.u32 $0x30, s6;
	[tilespmem:s2+$0x80] =	vst v20;
	s2 =	sor.u32 $0x380, s9  }
0x201: {  	[tilespmem:s2+$0x80] =	vst v18;
	s2 =	sor.u32 s4, s6  }
0x202: {  	v19 =	vld [tilespmem:s2+$0x17A80]  }
.Ltmp4:
0x203: {  	v18 =	vld [tilespmem:s2+$0x15080];
	(pc) =	sbr.rel @p3 .LBB2_5-.Ltmp4, $2  }
0x204: {  	_ =	sdelay $0x2  }
0x205: {  	s1 =	sadd.s32 $0x40, s1;
	s11 =	sadd.s32 $0x40, s11;
	s5 =	sadd.s32 $0x40, s5;
	v21 =	vmul.f32 v19, v7;
	v20 =	vmul.f32 v19, v15  }
0x206: {  	_ = 	snop  }
0x207: {  	v7 =	vmul.f32 v19, v8;
	v56 =	vadd.f32 v21, v18  }
0x208: {  	v10 =	vmul.f32 v19, v10;
	v15 =	vadd.f32 v20, v18  }
0x209: {  	v13 =	vmul.f32 v19, v13;
	v7 =	vadd.f32 v7, v18;
	v3 =	vmul.f32 v56, v3  }
0x20a: {  	v58 =	vmul.f32 v19, v12;
	s1 =	sor.u32 s6, s30;
	v57 =	vadd.f32 v10, v18;
	v9 =	vmul.f32 v15, v9  }
0x20b: {  	v59 =	vmul.f32 v19, v14;
	v13 =	vadd.f32 v13, v18;
	v2 =	vmul.f32 v7, v2;
	[tilespmem:s1+$0x0] =	vst v3  }
0x20c: {  	v61 =	vmul.f32 v19, v11;
	v60 =	vadd.f32 v58, v18;
	v3 =	vmul.f32 v57, v4;
	[tilespmem:s1+$0x180] =	vst v9  }
0x20d: {  	v62 =	vadd.f32 v59, v18;
	v5 =	vmul.f32 v13, v5;
	[tilespmem:s1+$0x80] =	vst v2  }
0x20e: {  	s10 =	sor.u32 $0x200, s3;
	v63 =	vadd.f32 v61, v18;
	v2 =	vmul.f32 v60, v6;
	[tilespmem:s1+$0x100] =	vst v3  }
0x20f: {  	s11 =	sor.u32 $0x280, s3;
	v3 =	vmul.f32 v62, v16;
	[tilespmem:s10+$0x80] =	vst v5  }
0x210: {  	s29 =	sor.u32 $0x300, s3;
	[tilespmem:s11+$0x80] =	vst v2;
	v2 =	vmul.f32 v63, v17  }
0x211: {  	s30 =	sor.u32 $0x380, s3;
	[tilespmem:s29+$0x80] =	vst v3  }
0x212: {  	s31 =	rddreg [dreg:$0x8];
	s2 =	simm.s32 $0x0;
	s3 =	simm.s32 $0x80;
	[tilespmem:s30+$0x80] =	vst v2  }
0x213: {  	[hbm4b:s31+s2] =	stream.linear.scatter [tilespmem:s3], [sflag:$0x2], $0x15000, $0x38;
	[tilespmem:$0x1A580] =	vst v63  }
0x214: {  	_ =	swait.ge [sflag:s24], $0x15000  }
0x215: {  	[sflag:s24] =	ssyncset.done $0x0  }
0x216: {  	[sflag:s24] =	ssyncadd.s32 $0xFFFEB000  }
.LBB2_7:
.Ltmp5:
0x217: {  	(pc) =	sbr.rel @!p1 .LBB2_13-.Ltmp5, $1  }
0x218: {  	_ =	sdelay $0x3  }
0x219: {  	s29 =	simm.s32 $0x0;
	s1 =	rddreg [dreg:$0x2]  }
0x21a: {  	[tilespmem:s29], [sflag:$0x2] =	stream.linear.gather [hbm4b:s1+s29], $0x8, $0x38;
	[tilespmem:$0x1A580] =	vst v63  }
0x21b: {  	_ =	swait.ge [sflag:s24], $0x8  }
0x21c: {  	[sflag:s24] =	ssyncset.done $0x0  }
0x21d: {  	[sflag:s24] =	ssyncadd.s32 $0xFFFFFFF8  }
0x21e: {  	s2 =	simm.s32 $0x1A480;
	s6 =	rddreg [dreg:$0x4]  }
0x21f: {  	[tilespmem:s2], [sflag:$0x2] =	stream.linear.gather [hbm4b:s6+s29], $0x80, $0x38;
	[tilespmem:$0x1A580] =	vst v63  }
0x220: {  	_ =	swait.ge [sflag:s24], $0x80  }
0x221: {  	[sflag:s24] =	ssyncset.done $0x0  }
0x222: {  	[sflag:s24] =	ssyncadd.s32 $0xFFFFFF80  }
0x223: {  	s8 =	simm.s32 $0x1A500;
	s7 =	rddreg [dreg:$0x6]  }
0x224: {  	[tilespmem:s8], [sflag:$0x2] =	stream.linear.gather [hbm4b:s7+s29], $0x80, $0x38;
	[tilespmem:$0x1A580] =	vst v63  }
0x225: {  	_ =	swait.ge [sflag:s24], $0x80  }
0x226: {  	[sflag:s24] =	ssyncset.done $0x0  }
0x227: {  	[sflag:s24] =	ssyncadd.s32 $0xFFFFFF80  }
0x228: {  	s1 =	simm.s32 $0x17A80;
	s9 =	rddreg [dreg:$0x7]  }
0x229: {  	[tilespmem:s1], [sflag:$0x2] =	stream.linear.gather [hbm4b:s9+s29], $0x2A00, $0x38;
	[tilespmem:$0x1A580] =	vst v63  }
0x22a: {  	_ =	swait.ge [sflag:s24], $0x2A00  }
0x22b: {  	[sflag:s24] =	ssyncset.done $0x0  }
0x22c: {  	[sflag:s24] =	ssyncadd.s32 $0xFFFFD600  }
0x22d: {  	v2 =	vld.msk [tilespmem:$0x0], $0xff;
	_ =	sdelay $0x4  }
0x22e: {  	v3 =	vshrl.u32 v2, $0x3  }
0x22f: {  	v3 =	vmul.u32 $0x2A0, v3  }
0x230: {  	v2 =	vand.u32 $0x7, v2  }
0x231: {  	v2 =	vor.u32 v2, v3  }
0x232: {  	v2 =	vperm.xlane v2, v0;
	_ =	sdelay $0x1  }
0x233: {  	v2 =	vadd.s32 v1, v2;
	_ =	sdelay $0x3  }
0x234: {  	s10 =	rddreg [dreg:$0xa]  }
0x235: {  	[tilespmem:s3], [sflag:$0x1] =	stream.indirect_vreg.gather [hbm4b:s0+s29], $0x80, v2, vm0, $0xb8;
	[tilespmem:$0x1A580] =	vst v63  }
0x236: {  	s11 =	simm.s32 $0x880;
	s4 =	rddreg [dreg:$0xb]  }
0x237: {  	[tilespmem:s11], [sflag:$0x1] =	stream.indirect_vreg.gather [hbm4b:s10+s29], $0x80, v2, vm0, $0xb8;
	[tilespmem:$0x1A580] =	vst v63  }
0x238: {  	s5 =	simm.s32 $0x1080;
	s6 =	rddreg [dreg:$0xc]  }
0x239: {  	[tilespmem:s5], [sflag:$0x1] =	stream.indirect_vreg.gather [hbm4b:s4+s29], $0x80, v2, vm0, $0xb8;
	[tilespmem:$0x1A580] =	vst v63  }
0x23a: {  	s7 =	simm.s32 $0x1880;
	s8 =	rddreg [dreg:$0xd]  }
0x23b: {  	[tilespmem:s7], [sflag:$0x1] =	stream.indirect_vreg.gather [hbm4b:s6+s29], $0x80, v2, vm0, $0xb8;
	[tilespmem:$0x1A580] =	vst v63  }
0x23c: {  	s9 =	simm.s32 $0x2080;
	s10 =	rddreg [dreg:$0xe]  }
0x23d: {  	[tilespmem:s9], [sflag:$0x1] =	stream.indirect_vreg.gather [hbm4b:s8+s29], $0x80, v2, vm0, $0xb8;
	[tilespmem:$0x1A580] =	vst v63  }
0x23e: {  	s11 =	simm.s32 $0x2880;
	s4 =	rddreg [dreg:$0xf]  }
0x23f: {  	[tilespmem:s11], [sflag:$0x1] =	stream.indirect_vreg.gather [hbm4b:s10+s29], $0x80, v2, vm0, $0xb8;
	[tilespmem:$0x1A580] =	vst v63  }
0x240: {  	s5 =	simm.s32 $0x3080;
	s6 =	rddreg [dreg:$0x10]  }
0x241: {  	[tilespmem:s5], [sflag:$0x1] =	stream.indirect_vreg.gather [hbm4b:s4+s29], $0x80, v2, vm0, $0xb8;
	[tilespmem:$0x1A580] =	vst v63  }
0x242: {  	s7 =	simm.s32 $0x3880;
	s8 =	rddreg [dreg:$0x11]  }
0x243: {  	[tilespmem:s7], [sflag:$0x1] =	stream.indirect_vreg.gather [hbm4b:s6+s29], $0x80, v2, vm0, $0xb8;
	[tilespmem:$0x1A580] =	vst v63  }
0x244: {  	s9 =	simm.s32 $0x4080;
	s10 =	rddreg [dreg:$0x12]  }
0x245: {  	[tilespmem:s9], [sflag:$0x1] =	stream.indirect_vreg.gather [hbm4b:s8+s29], $0x80, v2, vm0, $0xb8;
	[tilespmem:$0x1A580] =	vst v63  }
0x246: {  	s11 =	simm.s32 $0x4880;
	s4 =	rddreg [dreg:$0x13]  }
0x247: {  	[tilespmem:s11], [sflag:$0x1] =	stream.indirect_vreg.gather [hbm4b:s10+s29], $0x80, v2, vm0, $0xb8;
	[tilespmem:$0x1A580] =	vst v63  }
0x248: {  	s5 =	simm.s32 $0x5080;
	s6 =	rddreg [dreg:$0x14]  }
0x249: {  	[tilespmem:s5], [sflag:$0x1] =	stream.indirect_vreg.gather [hbm4b:s4+s29], $0x80, v2, vm0, $0xb8;
	[tilespmem:$0x1A580] =	vst v63  }
0x24a: {  	s7 =	simm.s32 $0x5880;
	s8 =	rddreg [dreg:$0x15]  }
0x24b: {  	[tilespmem:s7], [sflag:$0x1] =	stream.indirect_vreg.gather [hbm4b:s6+s29], $0x80, v2, vm0, $0xb8;
	[tilespmem:$0x1A580] =	vst v63  }
0x24c: {  	s9 =	simm.s32 $0x6080;
	s10 =	rddreg [dreg:$0x16]  }
0x24d: {  	[tilespmem:s9], [sflag:$0x1] =	stream.indirect_vreg.gather [hbm4b:s8+s29], $0x80, v2, vm0, $0xb8;
	[tilespmem:$0x1A580] =	vst v63  }
0x24e: {  	s11 =	simm.s32 $0x6880;
	s4 =	rddreg [dreg:$0x17]  }
0x24f: {  	[tilespmem:s11], [sflag:$0x1] =	stream.indirect_vreg.gather [hbm4b:s10+s29], $0x80, v2, vm0, $0xb8;
	[tilespmem:$0x1A580] =	vst v63  }
0x250: {  	s5 =	simm.s32 $0x7080;
	s6 =	rddreg [dreg:$0x18]  }
0x251: {  	[tilespmem:s5], [sflag:$0x1] =	stream.indirect_vreg.gather [hbm4b:s4+s29], $0x80, v2, vm0, $0xb8;
	[tilespmem:$0x1A580] =	vst v63  }
0x252: {  	s7 =	simm.s32 $0x7880;
	s8 =	rddreg [dreg:$0x19]  }
0x253: {  	[tilespmem:s7], [sflag:$0x1] =	stream.indirect_vreg.gather [hbm4b:s6+s29], $0x80, v2, vm0, $0xb8;
	[tilespmem:$0x1A580] =	vst v63  }
0x254: {  	s9 =	simm.s32 $0x8080;
	s10 =	rddreg [dreg:$0x1a]  }
0x255: {  	[tilespmem:s9], [sflag:$0x1] =	stream.indirect_vreg.gather [hbm4b:s8+s29], $0x80, v2, vm0, $0xb8;
	[tilespmem:$0x1A580] =	vst v63  }
0x256: {  	s11 =	simm.s32 $0x8880;
	s4 =	rddreg [dreg:$0x1b]  }
0x257: {  	[tilespmem:s11], [sflag:$0x1] =	stream.indirect_vreg.gather [hbm4b:s10+s29], $0x80, v2, vm0, $0xb8;
	[tilespmem:$0x1A580] =	vst v63  }
0x258: {  	s5 =	simm.s32 $0x9080;
	s6 =	rddreg [dreg:$0x1c]  }
0x259: {  	[tilespmem:s5], [sflag:$0x1] =	stream.indirect_vreg.gather [hbm4b:s4+s29], $0x80, v2, vm0, $0xb8;
	[tilespmem:$0x1A580] =	vst v63  }
0x25a: {  	s7 =	simm.s32 $0x9880;
	s8 =	rddreg [dreg:$0x1d]  }
0x25b: {  	[tilespmem:s7], [sflag:$0x1] =	stream.indirect_vreg.gather [hbm4b:s6+s29], $0x80, v2, vm0, $0xb8;
	[tilespmem:$0x1A580] =	vst v63  }
0x25c: {  	s9 =	simm.s32 $0xA080;
	s10 =	rddreg [dreg:$0x1e]  }
0x25d: {  	[tilespmem:s9], [sflag:$0x1] =	stream.indirect_vreg.gather [hbm4b:s8+s29], $0x80, v2, vm0, $0xb8;
	[tilespmem:$0x1A580] =	vst v63  }
0x25e: {  	s11 =	simm.s32 $0xA880;
	s4 =	rddreg [dreg:$0x1f]  }
0x25f: {  	[tilespmem:s11], [sflag:$0x1] =	stream.indirect_vreg.gather [hbm4b:s10+s29], $0x80, v2, vm0, $0xb8;
	[tilespmem:$0x1A580] =	vst v63  }
0x260: {  	s5 =	simm.s32 $0xB080;
	s6 =	sld [smem:$0x7F6]  }
0x261: {  	[tilespmem:s5], [sflag:$0x1] =	stream.indirect_vreg.gather [hbm4b:s4+s29], $0x80, v2, vm0, $0xb8;
	[tilespmem:$0x1A580] =	vst v63  }
0x262: {  	s7 =	simm.s32 $0xB880;
	s8 =	sld [smem:$0x7F7]  }
0x263: {  	[tilespmem:s7], [sflag:$0x1] =	stream.indirect_vreg.gather [hbm4b:s6+s29], $0x80, v2, vm0, $0xb8;
	[tilespmem:$0x1A580] =	vst v63  }
0x264: {  	s9 =	simm.s32 $0xC080;
	s10 =	sld [smem:$0x7F8]  }
0x265: {  	[tilespmem:s9], [sflag:$0x1] =	stream.indirect_vreg.gather [hbm4b:s8+s29], $0x80, v2, vm0, $0xb8;
	[tilespmem:$0x1A580] =	vst v63  }
0x266: {  	s11 =	simm.s32 $0xC880;
	s4 =	sld [smem:$0x7F9]  }
0x267: {  	[tilespmem:s11], [sflag:$0x1] =	stream.indirect_vreg.gather [hbm4b:s10+s29], $0x80, v2, vm0, $0xb8;
	[tilespmem:$0x1A580] =	vst v63  }
0x268: {  	s5 =	simm.s32 $0xD080;
	s6 =	sld [smem:$0x7FA]  }
0x269: {  	[tilespmem:s5], [sflag:$0x1] =	stream.indirect_vreg.gather [hbm4b:s4+s29], $0x80, v2, vm0, $0xb8;
	[tilespmem:$0x1A580] =	vst v63  }
0x26a: {  	s7 =	simm.s32 $0xD880;
	s8 =	sld [smem:$0x7FB]  }
0x26b: {  	[tilespmem:s7], [sflag:$0x1] =	stream.indirect_vreg.gather [hbm4b:s6+s29], $0x80, v2, vm0, $0xb8;
	[tilespmem:$0x1A580] =	vst v63  }
0x26c: {  	s9 =	simm.s32 $0xE080;
	s10 =	sld [smem:$0x7FC]  }
0x26d: {  	[tilespmem:s9], [sflag:$0x1] =	stream.indirect_vreg.gather [hbm4b:s8+s29], $0x80, v2, vm0, $0xb8;
	[tilespmem:$0x1A580] =	vst v63  }
0x26e: {  	s11 =	simm.s32 $0xE880  }
0x26f: {  	[tilespmem:s11], [sflag:$0x1] =	stream.indirect_vreg.gather [hbm4b:s10+s29], $0x80, v2, vm0, $0xb8;
	[tilespmem:$0x1A580] =	vst v63  }
0x270: {  	s3 =	simm.s32 $0xF080  }
0x271: {  	[tilespmem:s3], [sflag:$0x1] =	stream.indirect_vreg.gather [hbm4b:s12+s29], $0x80, v2, vm0, $0xb8;
	[tilespmem:$0x1A580] =	vst v63  }
0x272: {  	s4 =	simm.s32 $0xF880  }
0x273: {  	[tilespmem:s4], [sflag:$0x1] =	stream.indirect_vreg.gather [hbm4b:s13+s29], $0x80, v2, vm0, $0xb8;
	[tilespmem:$0x1A580] =	vst v63  }
0x274: {  	s5 =	simm.s32 $0x10080  }
0x275: {  	[tilespmem:s5], [sflag:$0x1] =	stream.indirect_vreg.gather [hbm4b:s14+s29], $0x80, v2, vm0, $0xb8;
	[tilespmem:$0x1A580] =	vst v63  }
0x276: {  	s6 =	simm.s32 $0x10880  }
0x277: {  	[tilespmem:s6], [sflag:$0x1] =	stream.indirect_vreg.gather [hbm4b:s15+s29], $0x80, v2, vm0, $0xb8;
	[tilespmem:$0x1A580] =	vst v63  }
0x278: {  	s7 =	simm.s32 $0x11080  }
0x279: {  	[tilespmem:s7], [sflag:$0x1] =	stream.indirect_vreg.gather [hbm4b:s16+s29], $0x80, v2, vm0, $0xb8;
	[tilespmem:$0x1A580] =	vst v63  }
0x27a: {  	s8 =	simm.s32 $0x11880  }
0x27b: {  	[tilespmem:s8], [sflag:$0x1] =	stream.indirect_vreg.gather [hbm4b:s17+s29], $0x80, v2, vm0, $0xb8;
	[tilespmem:$0x1A580] =	vst v63  }
0x27c: {  	s9 =	simm.s32 $0x12080  }
0x27d: {  	[tilespmem:s9], [sflag:$0x1] =	stream.indirect_vreg.gather [hbm4b:s18+s29], $0x80, v2, vm0, $0xb8;
	[tilespmem:$0x1A580] =	vst v63  }
0x27e: {  	s10 =	simm.s32 $0x12880  }
0x27f: {  	[tilespmem:s10], [sflag:$0x1] =	stream.indirect_vreg.gather [hbm4b:s19+s29], $0x80, v2, vm0, $0xb8;
	[tilespmem:$0x1A580] =	vst v63  }
0x280: {  	s11 =	simm.s32 $0x13080  }
0x281: {  	[tilespmem:s11], [sflag:$0x1] =	stream.indirect_vreg.gather [hbm4b:s20+s29], $0x80, v2, vm0, $0xb8;
	[tilespmem:$0x1A580] =	vst v63  }
0x282: {  	s3 =	simm.s32 $0x13880  }
0x283: {  	[tilespmem:s3], [sflag:$0x1] =	stream.indirect_vreg.gather [hbm4b:s21+s29], $0x80, v2, vm0, $0xb8;
	[tilespmem:$0x1A580] =	vst v63  }
0x284: {  	s4 =	simm.s32 $0x14080  }
0x285: {  	[tilespmem:s4], [sflag:$0x1] =	stream.indirect_vreg.gather [hbm4b:s22+s29], $0x80, v2, vm0, $0xb8;
	[tilespmem:$0x1A580] =	vst v63  }
0x286: {  	s5 =	simm.s32 $0x14880  }
0x287: {  	[tilespmem:s5], [sflag:$0x1] =	stream.indirect_vreg.gather [hbm4b:s23+s29], $0x80, v2, vm0, $0xb8;
	[tilespmem:$0x1A580] =	vst v63  }
0x288: {  	_ =	swait.ge [sflag:s26], $0x15000  }
0x289: {  	[sflag:s26] =	ssyncset.done $0x0  }
0x28a: {  	[sflag:s26] =	ssyncadd.s32 $0xFFFEB000  }
0x28b: {  	v2 =	vld [tilespmem:$0x1A500];
	_ =	sdelay $0x4  }
0x28c: {  	v3 =	vnsel vm1, $0x0, v2  }
0x28d: {  	(xrf2) =	vadd.scan.msk.f32 $0xffff, v3;
	v3 =	vsel vm2, $0x0, v2  }
0x28e: {  	(xrf2) =	vadd.scan.msk.f32 $0xffff, v3;
	v3 =	vsel vm3, $0x0, v2  }
0x28f: {  	(xrf2) =	vadd.scan.msk.f32 $0xffff, v3;
	v3 =	vsel vm4, $0x0, v2  }
0x290: {  	(xrf2) =	vadd.scan.msk.f32 $0xffff, v3;
	v3 =	vsel vm5, $0x0, v2  }
0x291: {  	(xrf2) =	vadd.scan.msk.f32 $0xffff, v3;
	v3 =	vsel vm6, $0x0, v2  }
0x292: {  	s6 =	sand.u32 $0x1FC00, s29;
	(xrf2) =	vadd.scan.msk.f32 $0xffff, v3;
	v3 =	vsel vm7, $0x0, v2  }
0x293: {  	s30 =	sor.u32 $0x80, s6;
	s7 =	sand.u32 $0x40, s29;
	v2 =	vsel vm8, $0x0, v2;
	(xrf2) =	vadd.scan.msk.f32 $0xffff, v3  }
0x294: {  	s3 =	sor.u32 s7, s30;
	(xrf2) =	vadd.scan.msk.f32 $0xffff, v2  }
0x295: {  	v11 =	vld [tilespmem:s3+$0x200]  }
0x296: {  	v12 =	vld [tilespmem:s3+$0x300]  }
0x297: {  	v16 =	vld [tilespmem:s3+$0x80];
	v2, _, _ =	vpop (xrf2)  }
0x298: {  	v14 =	vld [tilespmem:s3+$0x100];
	v4, _, _ =	vpop (xrf2)  }
0x299: {  	v15 =	vld [tilespmem:s3+$0x180];
	v5, _, _ =	vpop (xrf2)  }
0x29a: {  	v13 =	vld [tilespmem:s3+$0x280];
	v3 =	vbroadcast v2, $0xF;
	v4 =	vbroadcast v4, $0xF;
	v7, _, _ =	vpop (xrf2)  }
0x29b: {  	v18 =	vld [tilespmem:s3+$0x0];
	v6 =	vbroadcast v5, $0xF;
	v8, _, _ =	vpop (xrf2);
	v5 =	vbroadcast v7, $0xF  }
0x29c: {  	v2 =	vld [tilespmem:s3+$0x380];
	v16 =	vmul.f32 v16, v4;
	v9, _, _ =	vpop (xrf2);
	v7 =	vbroadcast v8, $0xF  }
0x29d: {  	v14 =	vmul.f32 v14, v6;
	v10, _, _ =	vpop (xrf2);
	v8 =	vbroadcast v9, $0xF  }
0x29e: {  	v15 =	vmul.f32 v15, v5;
	v17, _, _ =	vpop (xrf2);
	v9 =	vbroadcast v10, $0xF  }
0x29f: {  	v11 =	vmul.f32 v11, v7;
	v10 =	vbroadcast v17, $0xF  }
0x2a0: {  	v13 =	vmul.f32 v13, v8;
	v17 =	vmul.f32 v18, v3  }
0x2a1: {  	v12 =	vmul.f32 v12, v9;
	v2 =	vmul.f32 v2, v10  }
0x2a2: {  	v14 =	vadd.f32 v15, v14;
	v11 =	vadd.f32 v13, v11  }
0x2a3: {  	v2 =	vadd.f32 v2, v12;
	v12 =	vadd.f32 v16, v17;
	_ =	sdelay $0x1  }
0x2a4: {  	v11 =	vadd.f32 v2, v11;
	v12 =	vadd.f32 v14, v12;
	_ =	sdelay $0x1  }
0x2a5: {  	v11 =	vadd.f32 v11, v12  }
0x2a6: {  	s8 =	simm.s32 $0x15080;
	s9 =	sor.u32 $0x10, s7;
	v2 =	vld [tilespmem:$0x1A480]  }
0x2a7: {  	s10 =	sor.u32 s9, s30;
	v12 =	vld [tilespmem:s1+$0x0];
	[tilespmem:s8+$0x0] =	vst v11  }
0x2a8: {  	v13 =	vld [tilespmem:s10+$0x0]  }
0x2a9: {  	v14 =	vld [tilespmem:s10+$0x80]  }
0x2aa: {  	v15 =	vld [tilespmem:s10+$0x100]  }
0x2ab: {  	v16 =	vld [tilespmem:s10+$0x180]  }
0x2ac: {  	v17 =	vld [tilespmem:s10+$0x380]  }
0x2ad: {  	v18 =	vld [tilespmem:s10+$0x300]  }
0x2ae: {  	v19 =	vld [tilespmem:s10+$0x280]  }
0x2af: {  	v20 =	vld [tilespmem:s10+$0x200];
	_ =	sdelay $0x1  }
0x2b0: {  	v14 =	vmul.f32 v14, v4;
	v15 =	vmul.f32 v15, v6  }
0x2b1: {  	v13 =	vmul.f32 v13, v3;
	v16 =	vmul.f32 v16, v5  }
0x2b2: {  	v18 =	vmul.f32 v18, v9;
	v17 =	vmul.f32 v17, v10  }
0x2b3: {  	v20 =	vmul.f32 v20, v7;
	v19 =	vmul.f32 v19, v8  }
0x2b4: {  	v13 =	vadd.f32 v14, v13;
	v14 =	vadd.f32 v16, v15  }
0x2b5: {  	v15 =	vadd.f32 v19, v20;
	v16 =	vadd.f32 v17, v18;
	_ =	sdelay $0x1  }
0x2b6: {  	v13 =	vadd.f32 v14, v13;
	v14 =	vadd.f32 v16, v15;
	_ =	sdelay $0x1  }
0x2b7: {  	s6 =	sand.u32 $0x3F80, s29;
	v13 =	vadd.f32 v14, v13  }
0x2b8: {  	s4 =	sor.u32 $0x20, s7;
	s1 =	sor.u32 s6, s9  }
0x2b9: {  	s11 =	sor.u32 s4, s30;
	v19 =	vld [tilespmem:s1+$0x17A80];
	[tilespmem:s1+$0x15080] =	vst v13  }
0x2ba: {  	v22 =	vld [tilespmem:s11+$0x380]  }
0x2bb: {  	v20 =	vld [tilespmem:s11+$0x80]  }
0x2bc: {  	v21 =	vld [tilespmem:s11+$0x280]  }
0x2bd: {  	v23 =	vld [tilespmem:s11+$0x180]  }
0x2be: {  	v24 =	vld [tilespmem:s11+$0x200]  }
0x2bf: {  	v25 =	vld [tilespmem:s11+$0x0]  }
0x2c0: {  	v15 =	vmul.f32 v11, v12;
	v16 =	vmul.f32 v12, v12;
	v26 =	vld [tilespmem:s11+$0x300]  }
0x2c1: {  	v14 =	vmul.f32 v11, v11;
	v17 =	vmul.f32 v13, v13;
	v12 =	vld [tilespmem:s11+$0x100]  }
0x2c2: {  	v18 =	vmul.f32 v13, v19;
	v19 =	vmul.f32 v19, v19  }
0x2c3: {  	v13 =	vmul.f32 v20, v4;
	v20 =	vmul.f32 v23, v5  }
0x2c4: {  	v23 =	vmul.f32 v24, v7;
	v27 =	vmul.f32 v25, v3  }
0x2c5: {  	v11 =	vimm.f32 $0.0e+00;
	v28 =	vmul.f32 v21, v8;
	v21 =	vmul.f32 v26, v9  }
0x2c6: {  	s31 =	sor.u32 $0x30, s7;
	s5 =	simm.s32 $0x150C0;
	v24 =	vmul.f32 v22, v10;
	v25 =	vmul.f32 v12, v6;
	v12 =	vimm.f32 $0.0e+00  }
0x2c7: {  	s3 =	simm.s32 $0x17AC0;
	s1 =	simm.s32 $0x0;
	s11 =	simm.s32 $0x0;
	v22 =	vadd.f32 v13, v27;
	v23 =	vadd.f32 v28, v23;
	v13 =	vimm.f32 $0.0e+00  }
.LBB2_9:
0x2c8: {  	s1 =	sadd.s32 $0x4, s1;
	s29 =	sadd.s32 $0x200, s29;
	s11 =	sadd.s32 $0x40, s11  }
0x2c9: {  	v21 =	vadd.f32 v24, v21;
	s2 =	sor.u32 s6, s4;
	p2 =	slt.u32 s1, $0x29C;
	v20 =	vadd.f32 v20, v25  }
0x2ca: {  	v24 =	vld [tilespmem:s2+$0x17A80]  }
0x2cb: {  	v21 =	vadd.f32 v21, v23;
	v20 =	vadd.f32 v20, v22;
	_ =	sdelay $0x1  }
0x2cc: {  	v20 =	vadd.f32 v21, v20;
	_ =	sdelay $0x1  }
0x2cd: {  	[tilespmem:s2+$0x15080] =	vst v20;
	v21 =	vmul.f32 v20, v20;
	v20 =	vmul.f32 v20, v24;
	s2 =	sor.u32 s31, s30  }
0x2ce: {  	v22 =	vmul.f32 v24, v24;
	v23 =	vld [tilespmem:s2+$0x0]  }
0x2cf: {  	v24 =	vld [tilespmem:s2+$0x80]  }
0x2d0: {  	v25 =	vld [tilespmem:s2+$0x100]  }
0x2d1: {  	v26 =	vld [tilespmem:s2+$0x180]  }
0x2d2: {  	v27 =	vld [tilespmem:s2+$0x200]  }
0x2d3: {  	v28 =	vld [tilespmem:s2+$0x280]  }
0x2d4: {  	v24 =	vmul.f32 v24, v4;
	v29 =	vld [tilespmem:s2+$0x300]  }
0x2d5: {  	s4 =	sor.u32 s6, s31;
	v25 =	vmul.f32 v25, v6;
	v30 =	vld [tilespmem:s2+$0x380]  }
0x2d6: {  	v23 =	vmul.f32 v23, v3;
	v26 =	vmul.f32 v26, v5;
	v31 =	vld [tilespmem:s4+$0x17A80]  }
0x2d7: {  	v11 =	vadd.f32 v16, v11;
	v16 =	vmul.f32 v27, v7  }
0x2d8: {  	v23 =	vadd.f32 v24, v23;
	v27 =	vmul.f32 v28, v8;
	v24 =	vadd.f32 v26, v25  }
0x2d9: {  	v11 =	vadd.f32 v19, v11;
	v19 =	vmul.f32 v29, v9  }
0x2da: {  	v25 =	vmul.f32 v30, v10;
	v23 =	vadd.f32 v24, v23;
	v16 =	vadd.f32 v27, v16  }
0x2db: {  	v11 =	vadd.f32 v22, v11;
	v22 =	vmul.f32 v31, v31  }
0x2dc: {  	v19 =	vadd.f32 v25, v19  }
0x2dd: {  	v13 =	vadd.f32 v15, v13;
	v11 =	vadd.f32 v22, v11  }
0x2de: {  	v12 =	vadd.f32 v14, v12;
	v14 =	vadd.f32 v19, v16  }
0x2df: {  	s6 =	sand.u32 $0x1FC00, s29;
	v13 =	vadd.f32 v18, v13  }
0x2e0: {  	v12 =	vadd.f32 v17, v12;
	s30 =	sor.u32 $0x80, s6;
	s2 =	sand.u32 $0x40, s11;
	v14 =	vadd.f32 v14, v23  }
0x2e1: {  	v13 =	vadd.f32 v20, v13;
	s6 =	sor.u32 s2, s30;
	s31 =	sor.u32 $0x30, s2  }
0x2e2: {  	v12 =	vadd.f32 v21, v12;
	[tilespmem:s4+$0x15080] =	vst v14;
	v15 =	vmul.f32 v14, v14;
	v14 =	vmul.f32 v14, v31  }
0x2e3: {  	v16 =	vld [tilespmem:s6+$0x200]  }
0x2e4: {  	v17 =	vld [tilespmem:s6+$0x300];
	v12 =	vadd.f32 v15, v12;
	v13 =	vadd.f32 v14, v13  }
0x2e5: {  	v14 =	vld [tilespmem:s6+$0x280]  }
0x2e6: {  	v15 =	vld [tilespmem:s6+$0x100]  }
0x2e7: {  	v18 =	vld [tilespmem:s6+$0x180]  }
0x2e8: {  	v19 =	vld [tilespmem:s6+$0x380]  }
0x2e9: {  	v20 =	vld [tilespmem:s6+$0x80]  }
0x2ea: {  	v21 =	vld [tilespmem:s6+$0x0]  }
0x2eb: {  	v15 =	vmul.f32 v15, v6  }
0x2ec: {  	v14 =	vmul.f32 v14, v8;
	v18 =	vmul.f32 v18, v5  }
0x2ed: {  	v17 =	vmul.f32 v17, v9;
	v19 =	vmul.f32 v19, v10  }
0x2ee: {  	v16 =	vmul.f32 v16, v7;
	v15 =	vadd.f32 v18, v15  }
0x2ef: {  	v20 =	vmul.f32 v20, v4;
	v18 =	vmul.f32 v21, v3;
	v17 =	vadd.f32 v19, v17  }
0x2f0: {  	v14 =	vadd.f32 v14, v16  }
0x2f1: {  	v16 =	vadd.f32 v20, v18  }
0x2f2: {  	v14 =	vadd.f32 v17, v14  }
0x2f3: {  	v15 =	vadd.f32 v15, v16;
	_ =	sdelay $0x1  }
0x2f4: {  	v15 =	vadd.f32 v14, v15  }
0x2f5: {  	s4 =	sor.u32 $0x10, s2;
	v16 =	vld [tilespmem:s3+$0x0]  }
0x2f6: {  	s6 =	sor.u32 s4, s30;
	[tilespmem:s5+$0x0] =	vst v15;
	v14 =	vmul.f32 v15, v15  }
0x2f7: {  	v17 =	vld [tilespmem:s6+$0x0]  }
0x2f8: {  	v18 =	vld [tilespmem:s6+$0x80]  }
0x2f9: {  	v19 =	vld [tilespmem:s6+$0x100]  }
0x2fa: {  	v15 =	vmul.f32 v15, v16;
	v16 =	vmul.f32 v16, v16;
	v20 =	vld [tilespmem:s6+$0x180];
	_ =	sdelay $0x1  }
0x2fb: {  	v21 =	vld [tilespmem:s6+$0x380]  }
0x2fc: {  	v18 =	vmul.f32 v18, v4;
	v22 =	vld [tilespmem:s6+$0x300]  }
0x2fd: {  	v19 =	vmul.f32 v19, v6;
	v23 =	vld [tilespmem:s6+$0x280]  }
0x2fe: {  	v17 =	vmul.f32 v17, v3;
	v20 =	vmul.f32 v20, v5;
	v24 =	vld [tilespmem:s6+$0x200];
	_ =	sdelay $0x1  }
0x2ff: {  	v17 =	vadd.f32 v18, v17;
	v18 =	vadd.f32 v20, v19  }
0x300: {  	v19 =	vmul.f32 v22, v9  }
0x301: {  	v20 =	vmul.f32 v21, v10;
	v17 =	vadd.f32 v18, v17  }
0x302: {  	v21 =	vmul.f32 v23, v8;
	v18 =	vmul.f32 v24, v7  }
0x303: {  	s6 =	sand.u32 $0x3F80, s11  }
0x304: {  	s7 =	sor.u32 s6, s4;
	v19 =	vadd.f32 v20, v19;
	v18 =	vadd.f32 v21, v18  }
0x305: {  	v20 =	vld [tilespmem:s7+$0x17A80]  }
0x306: {  	v18 =	vadd.f32 v19, v18;
	_ =	sdelay $0x1  }
0x307: {  	v18 =	vadd.f32 v18, v17  }
0x308: {  	s4 =	sor.u32 $0x20, s2  }
0x309: {  	s2 =	sor.u32 s4, s30;
	[tilespmem:s7+$0x15080] =	vst v18;
	v17 =	vmul.f32 v18, v18;
	v18 =	vmul.f32 v18, v20  }
0x30a: {  	v19 =	vmul.f32 v20, v20;
	v22 =	vld [tilespmem:s2+$0x380]  }
0x30b: {  	v20 =	vld [tilespmem:s2+$0x80]  }
0x30c: {  	v21 =	vld [tilespmem:s2+$0x280]  }
0x30d: {  	v23 =	vld [tilespmem:s2+$0x180]  }
0x30e: {  	v24 =	vld [tilespmem:s2+$0x200]  }
0x30f: {  	v25 =	vld [tilespmem:s2+$0x0]  }
0x310: {  	v26 =	vmul.f32 v20, v4;
	v27 =	vld [tilespmem:s2+$0x300]  }
0x311: {  	v28 =	vld [tilespmem:s2+$0x100]  }
.Ltmp6:
0x312: {  	v20 =	vmul.f32 v23, v5;
	(pc) =	sbr.rel @p2 .LBB2_9-.Ltmp6, $4  }
0x313: {  	v23 =	vmul.f32 v24, v7  }
0x314: {  	v30 =	vmul.f32 v21, v8;
	v29 =	vmul.f32 v25, v3  }
0x315: {  	v24 =	vmul.f32 v22, v10;
	v21 =	vmul.f32 v27, v9  }
0x316: {  	s3 =	sadd.s32 $0x40, s3;
	s5 =	sadd.s32 $0x40, s5;
	v23 =	vadd.f32 v30, v23;
	v25 =	vmul.f32 v28, v6;
	v22 =	vadd.f32 v26, v29  }
0x317: {  	_ = 	snop  }
0x318: {  	v21 =	vadd.f32 v24, v21;
	v20 =	vadd.f32 v20, v25;
	_ =	sdelay $0x1  }
0x319: {  	v21 =	vadd.f32 v21, v23;
	v20 =	vadd.f32 v20, v22;
	_ =	sdelay $0x1  }
0x31a: {  	v20 =	vadd.f32 v21, v20  }
0x31b: {  	s1 =	sor.u32 s6, s4  }
0x31c: {  	s2 =	sor.u32 s31, s30;
	[tilespmem:s1+$0x15080] =	vst v20  }
0x31d: {  	v21 =	vld [tilespmem:s2+$0x0]  }
0x31e: {  	v22 =	vld [tilespmem:s2+$0x80]  }
0x31f: {  	v23 =	vld [tilespmem:s2+$0x100]  }
0x320: {  	v56 =	vld [tilespmem:s2+$0x180]  }
0x321: {  	v57 =	vld [tilespmem:s2+$0x200]  }
0x322: {  	v26 =	vld [tilespmem:s2+$0x280]  }
0x323: {  	v27 =	vld [tilespmem:s2+$0x300]  }
0x324: {  	v28 =	vld [tilespmem:s2+$0x380];
	_ =	sdelay $0x1  }
0x325: {  	v4 =	vmul.f32 v22, v4;
	v6 =	vmul.f32 v23, v6  }
0x326: {  	v3 =	vmul.f32 v21, v3;
	v5 =	vmul.f32 v56, v5  }
0x327: {  	v7 =	vmul.f32 v57, v7;
	v8 =	vmul.f32 v26, v8  }
0x328: {  	v9 =	vmul.f32 v27, v9;
	v10 =	vmul.f32 v28, v10  }
0x329: {  	v3 =	vadd.f32 v4, v3;
	v4 =	vadd.f32 v5, v6  }
0x32a: {  	v5 =	vld [tilespmem:s1+$0x17A80];
	v6 =	vadd.f32 v8, v7;
	v7 =	vadd.f32 v10, v9  }
0x32b: {  	s11 =	sor.u32 s6, s31;
	v8 =	vadd.f32 v14, v12  }
0x32c: {  	v3 =	vadd.f32 v4, v3;
	v4 =	vld [tilespmem:s11+$0x17A80];
	v6 =	vadd.f32 v7, v6  }
0x32d: {  	v7 =	vadd.f32 v15, v13  }
0x32e: {  	v9 =	vmul.f32 v20, v20;
	v8 =	vadd.f32 v17, v8;
	v3 =	vadd.f32 v6, v3  }
0x32f: {  	v7 =	vadd.f32 v18, v7;
	v6 =	vmul.f32 v20, v5  }
0x330: {  	v8 =	vadd.f32 v9, v8;
	v9 =	vmul.f32 v3, v3  }
0x331: {  	v6 =	vadd.f32 v6, v7;
	v7 =	vmul.f32 v3, v4  }
0x332: {  	v8 =	vadd.f32 v9, v8  }
0x333: {  	v6 =	vadd.f32 v7, v6  }
0x334: {  	(xrf2) =	vadd.scan.msk.f32 $0xffff, v8  }
0x335: {  	(xrf2) =	vadd.scan.msk.f32 $0xffff, v6;
	_ =	sdelay $0x7  }
0x336: {  	v6 =	vadd.f32 v16, v11  }
0x337: {  	v7, _, _ =	vpop (xrf2)  }
0x338: {  	v5 =	vmul.f32 v5, v5;
	v6 =	vadd.f32 v19, v6;
	v8, _, _ =	vpop (xrf2)  }
0x339: {  	(v2sf) =	vpush v8, $0xF  }
0x33a: {  	v4 =	vmul.f32 v4, v4;
	v5 =	vadd.f32 v5, v6;
	_ =	sdelay $0x1  }
0x33b: {  	v4 =	vadd.f32 v4, v5;
	_ =	sdelay $0x1  }
0x33c: {  	(xrf2) =	vadd.scan.msk.f32 $0xffff, v4;
	_ =	sdelay $0x9  }
0x33d: {  	v4, _, _ =	vpop (xrf2);
	s3 =	spop (v2sf)  }
0x33e: {  	v4 =	vbroadcast v4, $0xF;
	s2 =	sadd.f32 s3, s3  }
0x33f: {  	v6 =	vbroadcast v7, $0xF  }
0x340: {  	v4 =	vmul.f32 v4, v2;
	v5 =	vmul.f32 s2, v2;
	_ =	sdelay $0x1  }
0x341: {  	v4 =	vmul.f32 v4, v2;
	v5 =	vadd.f32 v5, v6;
	_ =	sdelay $0x1  }
0x342: {  	v4 =	vadd.f32 v5, v4;
	_ =	sdelay $0x1  }
0x343: {  	v5 =	vshra.s32 v4, $0x1;
	v6 =	vmul.f32 $5.000000000e-01, v4  }
0x344: {  	v5 =	vsub.s32 $0x5F3759DF, v5  }
0x345: {  	v7 =	vmul.f32 v5, v6;
	_ =	sdelay $0x1  }
0x346: {  	v7 =	vmul.f32 v5, v7;
	_ =	sdelay $0x1  }
0x347: {  	v7 =	vsub.f32 $1.500000000e+00, v7;
	_ =	sdelay $0x1  }
0x348: {  	v5 =	vmul.f32 v5, v7;
	_ =	sdelay $0x1  }
0x349: {  	v7 =	vmul.f32 v5, v6;
	_ =	sdelay $0x1  }
0x34a: {  	v7 =	vmul.f32 v7, v5;
	_ =	sdelay $0x1  }
0x34b: {  	v7 =	vsub.f32 $1.500000000e+00, v7;
	_ =	sdelay $0x1  }
0x34c: {  	v5 =	vmul.f32 v7, v5;
	_ =	sdelay $0x1  }
0x34d: {  	v7 =	vmul.f32 v5, v6;
	_ =	sdelay $0x1  }
0x34e: {  	v7 =	vmul.f32 v7, v5;
	_ =	sdelay $0x1  }
0x34f: {  	v7 =	vsub.f32 $1.500000000e+00, v7;
	_ =	sdelay $0x1  }
0x350: {  	v5 =	vmul.f32 v7, v5;
	_ =	sdelay $0x1  }
0x351: {  	v6 =	vmul.f32 v5, v6;
	_ =	sdelay $0x1  }
0x352: {  	v6 =	vmul.f32 v6, v5;
	_ =	sdelay $0x1  }
0x353: {  	v6 =	vsub.f32 $1.500000000e+00, v6;
	_ =	sdelay $0x1  }
0x354: {  	v5 =	vmul.f32 v6, v5;
	_ =	sdelay $0x1  }
0x355: {  	v4 =	vmul.f32 v5, v4;
	_ =	sdelay $0x1  }
0x356: {  	v4 =	vadd.f32 $9.999999960e-13, v4;
	_ =	sdelay $0x1  }
0x357: {  	(erf) = vrcp.f32 v4;
	_ =	sdelay $0x1  }
0x358: {  	v4 =	vnsel vm1, $0x0, v2  }
0x359: {  	(xrf2) =	vadd.scan.msk.f32 $0xffff, v4;
	v4 =	vsel vm2, $0x0, v2  }
0x35a: {  	(xrf2) =	vadd.scan.msk.f32 $0xffff, v4;
	v4 =	vsel vm3, $0x0, v2  }
0x35b: {  	(xrf2) =	vadd.scan.msk.f32 $0xffff, v4;
	v4 =	vsel vm4, $0x0, v2  }
0x35c: {  	(xrf2) =	vadd.scan.msk.f32 $0xffff, v4;
	v4 =	vsel vm5, $0x0, v2  }
0x35d: {  	(xrf2) =	vadd.scan.msk.f32 $0xffff, v4;
	v4 =	vsel vm6, $0x0, v2  }
0x35e: {  	(xrf2) =	vadd.scan.msk.f32 $0xffff, v4;
	v4 =	vsel vm7, $0x0, v2  }
0x35f: {  	v2 =	vsel vm8, $0x0, v2;
	(xrf2) =	vadd.scan.msk.f32 $0xffff, v4;
	v5 =	vpop (erf)  }
0x360: {  	(xrf2) =	vadd.scan.msk.f32 $0xffff, v2;
	v2 =	vnsel vm1, $0x0, v5  }
0x361: {  	(xrf2) =	vadd.scan.msk.f32 $0xffff, v2;
	v2 =	vsel vm2, $0x0, v5  }
0x362: {  	(xrf2) =	vadd.scan.msk.f32 $0xffff, v2;
	v2 =	vsel vm3, $0x0, v5  }
0x363: {  	v4, _, _ =	vpop (xrf2);
	(xrf2) =	vadd.scan.msk.f32 $0xffff, v2;
	v2 =	vsel vm4, $0x0, v5  }
0x364: {  	v6, _, _ =	vpop (xrf2);
	(xrf2) =	vadd.scan.msk.f32 $0xffff, v2  }
0x365: {  	s4 =	simm.s32 $0x17A80;
	[tilespmem:s11+$0x15080] =	vst v3;
	v9, _, _ =	vpop (xrf2)  }
0x366: {  	v18 =	vld [tilespmem:s4+$0x0];
	v2 =	vsel vm5, $0x0, v5;
	v11, _, _ =	vpop (xrf2)  }
0x367: {  	s5 =	simm.s32 $0x15080;
	(xrf2) =	vadd.scan.msk.f32 $0xffff, v2;
	v12, _, _ =	vpop (xrf2)  }
0x368: {  	v19 =	vld [tilespmem:s5+$0x0];
	v2 =	vsel vm6, $0x0, v5;
	v14, _, _ =	vpop (xrf2)  }
0x369: {  	v7 =	vbroadcast v4, $0xF;
	v16, _, _ =	vpop (xrf2)  }
0x36a: {  	v8 =	vbroadcast v6, $0xF;
	v17, _, _ =	vpop (xrf2)  }
0x36b: {  	v15 =	vbroadcast v11, $0xF;
	v11 =	vmul.f32 v18, v7;
	(xrf2) =	vadd.scan.msk.f32 $0xffff, v2;
	v2, _, _ =	vpop (xrf2)  }
0x36c: {  	v13 =	vsel vm7, $0x0, v5;
	v5 =	vsel vm8, $0x0, v5;
	v10, _, _ =	vpop (xrf2)  }
0x36d: {  	v21 =	vadd.f32 v11, v19;
	v11 =	vbroadcast v17, $0xF;
	v17 =	vmul.f32 v18, v8;
	v4, _, _ =	vpop (xrf2);
	(xrf2) =	vadd.scan.msk.f32 $0xffff, v13  }
0x36e: {  	v3 =	vbroadcast v2, $0xF;
	v2 =	vbroadcast v10, $0xF;
	v6, _, _ =	vpop (xrf2);
	(xrf2) =	vadd.scan.msk.f32 $0xffff, v5  }
0x36f: {  	v10 =	vbroadcast v9, $0xF;
	v13 =	vbroadcast v12, $0xF  }
0x370: {  	v12 =	vbroadcast v14, $0xF;
	v14 =	vbroadcast v16, $0xF  }
0x371: {  	s29 =	simm.s32 $0x0;
	v4 =	vbroadcast v4, $0xF;
	v20, _, _ =	vpop (xrf2);
	v16 =	vmul.f32 v18, v10  }
0x372: {  	s6 =	sand.u32 $0x1FC00, s29;
	v17 =	vadd.f32 v17, v19;
	v5 =	vbroadcast v20, $0xF;
	v20 =	vmul.f32 v18, v15  }
0x373: {  	s30 =	sor.u32 $0x80, s6;
	s1 =	sand.u32 $0x40, s29;
	v21 =	vmul.f32 v21, v3;
	v23 =	vmul.f32 v18, v12;
	v16 =	vadd.f32 v16, v19  }
0x374: {  	s3 =	sor.u32 s1, s30;
	v9 =	vbroadcast v6, $0xF;
	v22 =	vmul.f32 v18, v13;
	v20 =	vadd.f32 v20, v19  }
0x375: {  	p2 =	por $0x0, $0x0;
	s2 =	simm.s32 $0x1;
	v58 =	vmul.f32 v18, v14;
	[tilespmem:s3+$0x0] =	vst v21;
	v21 =	vadd.f32 v23, v19;
	v23 =	vmul.f32 v17, v2  }
0x376: {  	s2 =	simm.s32 @!p2 $0x0;
	v6, _, _ =	vpop (xrf2);
	v18 =	vmul.f32 v18, v11;
	v22 =	vadd.f32 v22, v19;
	v20 =	vmul.f32 v20, v9  }
0x377: {  	s2 =	sshll.u32 s2, $0x6;
	v6 =	vbroadcast v6, $0xF;
	v59 =	vmul.f32 v16, v4;
	[tilespmem:s3+$0x80] =	vst v23;
	v16, _, _ =	vpop (xrf2)  }
0x378: {  	s2 =	sadd.s32 $0x0, s2;
	v22 =	vmul.f32 v22, v5;
	[tilespmem:s3+$0x180] =	vst v20;
	v20 =	vadd.f32 v58, v19;
	v17, _, _ =	vpop (xrf2);
	v16 =	vbroadcast v16, $0xF  }
0x379: {  	s7 =	sor.u32 $0x200, s2;
	v18 =	vadd.f32 v18, v19;
	[tilespmem:s3+$0x100] =	vst v59;
	v19 =	vmul.f32 v21, v6;
	v17 =	vbroadcast v17, $0xF  }
0x37a: {  	s8 =	sor.u32 $0x280, s2;
	[tilespmem:s7+$0x80] =	vst v22;
	v20 =	vmul.f32 v20, v16  }
0x37b: {  	s9 =	sor.u32 $0x300, s2;
	[tilespmem:s8+$0x80] =	vst v19;
	v18 =	vmul.f32 v18, v17  }
0x37c: {  	s10 =	sor.u32 $0x10, s1;
	s5 =	sor.u32 $0x380, s2;
	s3 =	sand.u32 $0x3F80, s29;
	[tilespmem:s9+$0x80] =	vst v20  }
0x37d: {  	s11 =	sor.u32 s3, s10;
	[tilespmem:s5+$0x80] =	vst v18  }
0x37e: {  	v18 =	vld [tilespmem:s11+$0x17A80];
	_ =	sdelay $0x1  }
0x37f: {  	v19 =	vld [tilespmem:s11+$0x15080];
	_ =	sdelay $0x2  }
0x380: {  	v20 =	vmul.f32 v18, v7  }
0x381: {  	v21 =	vmul.f32 v18, v15  }
0x382: {  	v22 =	vmul.f32 v18, v8;
	v20 =	vadd.f32 v20, v19  }
0x383: {  	v23 =	vmul.f32 v18, v10;
	v21 =	vadd.f32 v21, v19  }
0x384: {  	v60 =	vmul.f32 v18, v13;
	v22 =	vadd.f32 v22, v19;
	v20 =	vmul.f32 v20, v3  }
0x385: {  	s4 =	sor.u32 s10, s30;
	v61 =	vmul.f32 v18, v12;
	v23 =	vadd.f32 v23, v19;
	v21 =	vmul.f32 v21, v9  }
0x386: {  	v24 =	vadd.f32 v60, v19;
	v22 =	vmul.f32 v22, v2;
	[tilespmem:s4+$0x0] =	vst v20;
	v20 =	vmul.f32 v18, v14  }
0x387: {  	v25 =	vadd.f32 v61, v19;
	v23 =	vmul.f32 v23, v4;
	v18 =	vmul.f32 v18, v11;
	[tilespmem:s4+$0x180] =	vst v21  }
0x388: {  	s6 =	sadd.s32 $0x10, s2;
	[tilespmem:s4+$0x80] =	vst v22;
	v21 =	vmul.f32 v24, v5;
	v20 =	vadd.f32 v20, v19  }
0x389: {  	s7 =	sor.u32 $0x200, s6;
	[tilespmem:s4+$0x100] =	vst v23;
	v18 =	vadd.f32 v18, v19;
	v19 =	vmul.f32 v25, v6  }
0x38a: {  	s8 =	sor.u32 $0x280, s6;
	[tilespmem:s7+$0x80] =	vst v21;
	v20 =	vmul.f32 v20, v16  }
0x38b: {  	s9 =	sor.u32 $0x300, s6;
	[tilespmem:s8+$0x80] =	vst v19;
	v18 =	vmul.f32 v18, v17  }
0x38c: {  	s10 =	sor.u32 $0x20, s1;
	s11 =	sor.u32 $0x380, s6;
	[tilespmem:s9+$0x80] =	vst v20  }
0x38d: {  	s5 =	sor.u32 s3, s10;
	[tilespmem:s11+$0x80] =	vst v18  }
0x38e: {  	v18 =	vld [tilespmem:s5+$0x17A80];
	_ =	sdelay $0x1  }
0x38f: {  	v19 =	vld [tilespmem:s5+$0x15080];
	_ =	sdelay $0x2  }
0x390: {  	v20 =	vmul.f32 v18, v7  }
0x391: {  	v21 =	vmul.f32 v18, v8  }
0x392: {  	v22 =	vmul.f32 v18, v15;
	v20 =	vadd.f32 v20, v19  }
0x393: {  	v23 =	vmul.f32 v18, v10;
	v21 =	vadd.f32 v21, v19  }
0x394: {  	v62 =	vmul.f32 v18, v13;
	v22 =	vadd.f32 v22, v19;
	v20 =	vmul.f32 v20, v3  }
0x395: {  	s6 =	sor.u32 s10, s30;
	v63 =	vmul.f32 v18, v12;
	v23 =	vadd.f32 v23, v19;
	v21 =	vmul.f32 v21, v2  }
0x396: {  	v24 =	vadd.f32 v62, v19;
	v22 =	vmul.f32 v22, v9;
	[tilespmem:s6+$0x0] =	vst v20;
	v20 =	vmul.f32 v18, v14  }
0x397: {  	v25 =	vadd.f32 v63, v19;
	v23 =	vmul.f32 v23, v4;
	v18 =	vmul.f32 v18, v11;
	[tilespmem:s6+$0x80] =	vst v21  }
0x398: {  	s7 =	sadd.s32 $0x20, s2;
	[tilespmem:s6+$0x180] =	vst v22;
	v21 =	vmul.f32 v24, v5;
	v20 =	vadd.f32 v20, v19  }
0x399: {  	s8 =	sor.u32 $0x200, s7;
	[tilespmem:s6+$0x100] =	vst v23;
	v18 =	vadd.f32 v18, v19;
	v19 =	vmul.f32 v25, v6  }
0x39a: {  	s9 =	sor.u32 $0x280, s7;
	[tilespmem:s8+$0x80] =	vst v21;
	v20 =	vmul.f32 v20, v16  }
0x39b: {  	s10 =	sor.u32 $0x300, s7;
	[tilespmem:s9+$0x80] =	vst v19;
	v18 =	vmul.f32 v18, v17  }
0x39c: {  	s11 =	sor.u32 $0x380, s7;
	s6 =	sor.u32 $0x30, s1;
	[tilespmem:s10+$0x80] =	vst v20  }
0x39d: {  	s1 =	sor.u32 s3, s6;
	[tilespmem:s11+$0x80] =	vst v18  }
0x39e: {  	v19 =	vld [tilespmem:s1+$0x17A80];
	_ =	sdelay $0x1  }
0x39f: {  	v18 =	vld [tilespmem:s1+$0x15080];
	_ =	sdelay $0x1  }
0x3a0: {  	s31 =	simm.s32 $0x0;
	s5 =	simm.s32 $0x40  }
0x3a1: {  	s3 =	sadd.s32 $0x30, s2;
	s11 =	simm.s32 $0x150C0;
	s1 =	simm.s32 $0x17AC0;
	v21 =	vmul.f32 v19, v7;
	v20 =	vmul.f32 v19, v15  }
.LBB2_11:
0x3a2: {  	s31 =	sadd.s32 $0x4, s31;
	v22 =	vmul.f32 v19, v8;
	v23 =	vmul.f32 v19, v10;
	s29 =	sadd.s32 $0x200, s29;
	p2 =	por !p2, !p2  }
0x3a3: {  	v21 =	vadd.f32 v21, v18;
	v24 =	vmul.f32 v19, v13;
	v25 =	vmul.f32 v19, v14;
	p3 =	slt.u32 s31, $0x29C  }
0x3a4: {  	v20 =	vadd.f32 v20, v18;
	v26 =	vmul.f32 v19, v12;
	v23 =	vadd.f32 v23, v18  }
0x3a5: {  	v21 =	vmul.f32 v21, v3;
	v22 =	vadd.f32 v22, v18;
	v24 =	vadd.f32 v24, v18  }
0x3a6: {  	s2 =	sor.u32 s6, s30;
	v20 =	vmul.f32 v20, v9;
	v26 =	vadd.f32 v26, v18;
	v23 =	vmul.f32 v23, v4  }
0x3a7: {  	v19 =	vmul.f32 v19, v11;
	[tilespmem:s2+$0x0] =	vst v21;
	v21 =	vmul.f32 v22, v2;
	v22 =	vadd.f32 v25, v18  }
0x3a8: {  	[tilespmem:s2+$0x180] =	vst v20;
	v20 =	vmul.f32 v24, v5  }
0x3a9: {  	v18 =	vadd.f32 v19, v18;
	[tilespmem:s2+$0x80] =	vst v21;
	v21 =	vmul.f32 v26, v6  }
0x3aa: {  	v19 =	vmul.f32 v22, v16;
	[tilespmem:s2+$0x100] =	vst v23;
	s2 =	sor.u32 $0x200, s3  }
0x3ab: {  	[tilespmem:s2+$0x80] =	vst v20;
	s2 =	sor.u32 $0x280, s3  }
0x3ac: {  	v18 =	vmul.f32 v18, v17;
	[tilespmem:s2+$0x80] =	vst v21;
	s2 =	sor.u32 $0x300, s3  }
0x3ad: {  	[tilespmem:s2+$0x80] =	vst v19;
	s2 =	sor.u32 $0x380, s3  }
0x3ae: {  	[tilespmem:s2+$0x80] =	vst v18  }
0x3af: {  	v18 =	vld [tilespmem:s1+$0x0];
	_ =	sdelay $0x1  }
0x3b0: {  	v19 =	vld [tilespmem:s11+$0x0];
	_ =	sdelay $0x2  }
0x3b1: {  	v20 =	vmul.f32 v18, v7;
	v21 =	vmul.f32 v18, v13  }
0x3b2: {  	v22 =	vmul.f32 v18, v10;
	v23 =	vmul.f32 v18, v15  }
0x3b3: {  	v24 =	vmul.f32 v18, v8;
	v20 =	vadd.f32 v20, v19;
	v21 =	vadd.f32 v21, v19  }
0x3b4: {  	s2 =	sand.u32 $0x1FC00, s29;
	v25 =	vmul.f32 v18, v12;
	v22 =	vadd.f32 v22, v19;
	v23 =	vadd.f32 v23, v19  }
0x3b5: {  	s6 =	sand.u32 $0x40, s5;
	s4 =	simm.s32 $0x1;
	s30 =	sor.u32 $0x80, s2;
	v26 =	vmul.f32 v18, v14;
	v24 =	vadd.f32 v24, v19;
	v20 =	vmul.f32 v20, v3  }
0x3b6: {  	s8 =	sor.u32 $0x10, s6;
	s2 =	sor.u32 $0x20, s6;
	s3 =	sor.u32 s6, s30;
	v25 =	vadd.f32 v25, v19;
	v22 =	vmul.f32 v22, v4;
	v23 =	vmul.f32 v23, v9  }
0x3b7: {  	s4 =	simm.s32 @!p2 $0x0;
	v18 =	vmul.f32 v18, v11;
	[tilespmem:s3+$0x0] =	vst v20;
	v20 =	vmul.f32 v24, v2;
	v24 =	vadd.f32 v26, v19  }
0x3b8: {  	s4 =	sshll.u32 s4, $0x6;
	[tilespmem:s3+$0x180] =	vst v23  }
0x3b9: {  	s4 =	sadd.s32 s4, s29;
	v18 =	vadd.f32 v18, v19;
	v21 =	vmul.f32 v21, v5;
	[tilespmem:s3+$0x100] =	vst v22  }
0x3ba: {  	s7 =	sadd.s32 $0x10, s4;
	s9 =	sadd.s32 $0x20, s4;
	v19 =	vmul.f32 v25, v6;
	[tilespmem:s3+$0x80] =	vst v20;
	s3 =	sor.u32 $0x200, s4  }
0x3bb: {  	s10 =	sor.u32 $0x280, s4;
	v20 =	vmul.f32 v24, v16;
	[tilespmem:s3+$0x80] =	vst v21;
	s3 =	sadd.s32 $0x30, s4  }
0x3bc: {  	v18 =	vmul.f32 v18, v17;
	[tilespmem:s10+$0x80] =	vst v19;
	s10 =	sor.u32 $0x300, s4  }
0x3bd: {  	[tilespmem:s10+$0x80] =	vst v20;
	s10 =	sor.u32 $0x380, s4;
	s4 =	sand.u32 $0x3F80, s5  }
0x3be: {  	[tilespmem:s10+$0x80] =	vst v18;
	s10 =	sor.u32 s4, s8  }
0x3bf: {  	v18 =	vld [tilespmem:s10+$0x17A80];
	_ =	sdelay $0x1  }
0x3c0: {  	v19 =	vld [tilespmem:s10+$0x15080];
	_ =	sdelay $0x2  }
0x3c1: {  	v20 =	vmul.f32 v18, v7;
	v21 =	vmul.f32 v18, v8  }
0x3c2: {  	v22 =	vmul.f32 v18, v10;
	v23 =	vmul.f32 v18, v15  }
0x3c3: {  	v24 =	vmul.f32 v18, v13;
	v20 =	vadd.f32 v20, v19;
	v21 =	vadd.f32 v21, v19  }
0x3c4: {  	v25 =	vmul.f32 v18, v12;
	v22 =	vadd.f32 v22, v19;
	v23 =	vadd.f32 v23, v19  }
0x3c5: {  	v24 =	vadd.f32 v24, v19;
	v20 =	vmul.f32 v20, v3;
	v21 =	vmul.f32 v21, v2  }
0x3c6: {  	s8 =	sor.u32 s8, s30;
	v25 =	vadd.f32 v25, v19;
	v22 =	vmul.f32 v22, v4;
	v23 =	vmul.f32 v23, v9  }
0x3c7: {  	[tilespmem:s8+$0x0] =	vst v20;
	v20 =	vmul.f32 v18, v14;
	v18 =	vmul.f32 v18, v11  }
0x3c8: {  	[tilespmem:s8+$0x180] =	vst v23  }
0x3c9: {  	[tilespmem:s8+$0x80] =	vst v21;
	v21 =	vmul.f32 v24, v5;
	v20 =	vadd.f32 v20, v19;
	v18 =	vadd.f32 v18, v19  }
0x3ca: {  	v19 =	vmul.f32 v25, v6;
	[tilespmem:s8+$0x100] =	vst v22;
	s8 =	sor.u32 $0x200, s7  }
0x3cb: {  	[tilespmem:s8+$0x80] =	vst v21;
	s8 =	sor.u32 $0x280, s7;
	v20 =	vmul.f32 v20, v16  }
0x3cc: {  	v18 =	vmul.f32 v18, v17;
	[tilespmem:s8+$0x80] =	vst v19;
	s8 =	sor.u32 $0x300, s7  }
0x3cd: {  	s7 =	sor.u32 $0x380, s7;
	[tilespmem:s8+$0x80] =	vst v20  }
0x3ce: {  	[tilespmem:s7+$0x80] =	vst v18;
	s7 =	sor.u32 s4, s2  }
0x3cf: {  	v18 =	vld [tilespmem:s7+$0x17A80];
	_ =	sdelay $0x1  }
0x3d0: {  	v19 =	vld [tilespmem:s7+$0x15080];
	_ =	sdelay $0x2  }
0x3d1: {  	v20 =	vmul.f32 v18, v7;
	v21 =	vmul.f32 v18, v8  }
0x3d2: {  	v22 =	vmul.f32 v18, v10;
	v23 =	vmul.f32 v18, v15  }
0x3d3: {  	v24 =	vmul.f32 v18, v13;
	v20 =	vadd.f32 v20, v19;
	v21 =	vadd.f32 v21, v19  }
0x3d4: {  	v25 =	vmul.f32 v18, v12;
	v22 =	vadd.f32 v22, v19;
	v23 =	vadd.f32 v23, v19  }
0x3d5: {  	v24 =	vadd.f32 v24, v19;
	v20 =	vmul.f32 v20, v3;
	v21 =	vmul.f32 v21, v2  }
0x3d6: {  	s2 =	sor.u32 s2, s30;
	v25 =	vadd.f32 v25, v19;
	v22 =	vmul.f32 v22, v4;
	v23 =	vmul.f32 v23, v9  }
0x3d7: {  	[tilespmem:s2+$0x0] =	vst v20;
	v20 =	vmul.f32 v18, v14;
	v18 =	vmul.f32 v18, v11  }
0x3d8: {  	[tilespmem:s2+$0x80] =	vst v21  }
0x3d9: {  	v21 =	vmul.f32 v24, v5;
	[tilespmem:s2+$0x180] =	vst v23;
	v20 =	vadd.f32 v20, v19;
	v18 =	vadd.f32 v18, v19  }
0x3da: {  	v19 =	vmul.f32 v25, v6;
	[tilespmem:s2+$0x100] =	vst v22;
	s2 =	sor.u32 $0x200, s9  }
0x3db: {  	[tilespmem:s2+$0x80] =	vst v21;
	s2 =	sor.u32 $0x280, s9;
	v20 =	vmul.f32 v20, v16  }
0x3dc: {  	v18 =	vmul.f32 v18, v17;
	[tilespmem:s2+$0x80] =	vst v19;
	s2 =	sor.u32 $0x300, s9  }
0x3dd: {  	s6 =	sor.u32 $0x30, s6;
	[tilespmem:s2+$0x80] =	vst v20;
	s2 =	sor.u32 $0x380, s9  }
0x3de: {  	[tilespmem:s2+$0x80] =	vst v18;
	s2 =	sor.u32 s4, s6  }
0x3df: {  	v19 =	vld [tilespmem:s2+$0x17A80]  }
.Ltmp7:
0x3e0: {  	v18 =	vld [tilespmem:s2+$0x15080];
	(pc) =	sbr.rel @p3 .LBB2_11-.Ltmp7, $2  }
0x3e1: {  	_ =	sdelay $0x2  }
0x3e2: {  	s1 =	sadd.s32 $0x40, s1;
	s11 =	sadd.s32 $0x40, s11;
	s5 =	sadd.s32 $0x40, s5;
	v21 =	vmul.f32 v19, v7;
	v20 =	vmul.f32 v19, v15  }
.Ltmp8:
0x3e3: {  	_ = 	snop;
	(pc) =	sbr.rel .LBB2_12-.Ltmp8, $1  }
0x3e4: {  	_ =	sdelay $0x3  }
.LBB2_14:
0x3e5: {  	_ =	sfence.sel $0x180000  }
0x3e6: {  	[bflag:$0x0] =	sbarrier.arrive $0xFFFF  }
0x3e7: {  	_ =	strace $0x90000047  }
0x3e8: {  	s0 =	stileid.u32;
	[bflag:$0x2] =	sbarrier.arrive $0xFFFF  }
0x3e9: {  	p0 =	sne.s32 s0, $0x0;
	s0 =	rddreg [dreg:$0x9]  }
0x3ea: {  	s0 =	sadd.s32 @!p0 $0x100000, s0  }
0x3eb: {  	[sflag:s0] =	ssyncadd.tile.s32 @!p0 $0x1;
	_ =	shalt  }
.Lfunc_end2:
_tile_overlayer_lowered:
.L_overlay_start_2:
0x3ec: {  	(tag) =	ssettag $0x2  }
0x3ed: {  	s0 =	rddreg [dreg:$0x0];
	s2 =	stileid.u32  }
0x3ee: {  	s1 =	rddreg [dreg:$0x1];
	p0 =	sne.s32 s2, $0x0  }
0x3ef: {  	s3 =	rddreg [dreg:$0x2];
	[bflag:$0x3] =	sbarrier.arrive $0xFFFF;
	s2 =	simm.s32 @!p0 $0x1C02  }
0x3f0: {  	[timem:s3], [sflag:s2] =	dma.local @!p0 [hbm:s0], s1  }
0x3f1: {  	s0 =	simm.s32 @!p0 $0x2  }
0x3f2: {  	_ =	swait.ge @!p0 [sflag:s0], s1  }
0x3f3: {  	s1 =	ssub.s32 @!p0 $0x0, s1;
	[sflag:s0] =	ssyncset.done @!p0 $0x0  }
0x3f4: {  	[sflag:s0] =	ssyncadd.s32 @!p0 s1  }
0x3f5: {  	[bflag:$0x3] =	sbarrier.arrive $0xFFFF  }
0x3f6: {  	_ =	shalt  }

</sc_bundles>
